<compile_context>
chip_gen: v7x
topology: tpu7x:2x2x1
jax: 0.10.2.dev20260603
libtpu: 0.0.44.dev20260713+nightly
codegen_flags: <defaults>
</compile_context>

<pallas_src>
import functools

import jax
import jax.numpy as jnp
from jax import lax
from jax.experimental import pallas as pl
from jax.experimental.pallas import tpu as pltpu
from jax.experimental.pallas import tpu_sc as plsc

_EPS = 1e-5
_NC = 2
_NS = 16
_NW = _NC * _NS
_CH = 80
_BLK = 2560
_CW = 16



def _proj_body(nf_ref, ws_ref, wd_ref, ps_ref, pd_ref):
    nf = nf_ref[...]
    ps_ref[...] = jnp.dot(nf, ws_ref[...], preferred_element_type=jnp.float32)
    pd_ref[...] = jnp.dot(nf, wd_ref[...], preferred_element_type=jnp.float32)


def _tc_proj(nf, ws, wd):
    n, d = nf.shape
    return pl.pallas_call(
        _proj_body,
        out_shape=(jax.ShapeDtypeStruct((n, d), jnp.float32),
                   jax.ShapeDtypeStruct((n, d), jnp.float32)),
    )(nf, ws, wd)


def _accum_stats(h, s_ref, q_ref):
    ps = jnp.sum(h, axis=0, keepdims=True)
    pq = jnp.sum(h * h, axis=0, keepdims=True)

    @pl.when(pl.program_id(0) == 0)
    def _():
        s_ref[...] = ps
        q_ref[...] = pq

    @pl.when(pl.program_id(0) != 0)
    def _():
        s_ref[...] += ps
        q_ref[...] += pq


def _passa_body(gs_ref, gd_ref, ef_ref, w_ref, b_ref, h1_ref, s_ref, q_ref):
    h = jnp.dot(ef_ref[...], w_ref[...], preferred_element_type=jnp.float32)
    h = h + gs_ref[...] + gd_ref[...] + b_ref[...]
    h1_ref[...] = h.astype(h1_ref.dtype)
    _accum_stats(h, s_ref, q_ref)


def _bn_affine(s, q, g, be, n):
    mu = s * (1.0 / n)
    var = q * (1.0 / n) - mu * mu
    inv = lax.rsqrt(var + _EPS) * g
    return inv, be - mu * inv


def _silu(x):
    return x * jax.nn.sigmoid(x)


def _passb_body(h1_ref, s1_ref, q1_ref, g1_ref, be1_ref, w2_ref, b2_ref,
                h2_ref, s_ref, q_ref, *, n_rows):
    scale, shift = _bn_affine(s1_ref[...], q1_ref[...], g1_ref[...],
                              be1_ref[...], n_rows)
    a = _silu(h1_ref[...].astype(jnp.float32) * scale + shift)
    h2 = jnp.dot(a, w2_ref[...], preferred_element_type=jnp.float32)
    h2 = h2 + b2_ref[...]
    h2_ref[...] = h2.astype(h2_ref.dtype)
    _accum_stats(h2, s_ref, q_ref)


def _passc_body(h2_ref, ef_ref, s2_ref, q2_ref, g2_ref, be2_ref, ue_ref,
                *, n_rows):
    scale, shift = _bn_affine(s2_ref[...], q2_ref[...], g2_ref[...],
                              be2_ref[...], n_rows)
    ue_ref[...] = _silu(h2_ref[...].astype(jnp.float32) * scale + shift
                        + ef_ref[...])


def _edge_grid_call(body, e, d, row_ins, small_ins, n_small_out,
                    out_dtype=jnp.float32):
    g = e // _BLK
    bs_rows = pl.BlockSpec((_BLK, d), lambda i: (i, 0))
    bs_vec = pl.BlockSpec((1, d), lambda i: (0, 0))
    bs_mat = pl.BlockSpec((d, d), lambda i: (0, 0))
    in_specs = [bs_rows] * len(row_ins)
    for x in small_ins:
        in_specs.append(bs_mat if x.shape[0] == d else bs_vec)
    out_shape = [jax.ShapeDtypeStruct((e, d), out_dtype)]
    out_specs = [bs_rows]
    for _ in range(n_small_out):
        out_shape.append(jax.ShapeDtypeStruct((1, d), jnp.float32))
        out_specs.append(bs_vec)
    return pl.pallas_call(
        body,
        grid=(g,),
        in_specs=in_specs,
        out_specs=out_specs,
        out_shape=out_shape,
    )(*row_ins, *small_ins)


def _node_body(nf_ref, agg_ref, cnt_ref,
               w1a_ref, w1b_ref, b1_ref, g1_ref, be1_ref,
               w2_ref, b2_ref, g2_ref, be2_ref, un_ref, *, n_rows):
    nf = nf_ref[...]
    n = nf.shape[0]
    deg = jnp.sum(cnt_ref[...], axis=1, keepdims=True)[0:n]
    agg = jnp.concatenate([agg_ref[0], agg_ref[1]], axis=0)[0:n]
    hg = agg / jnp.maximum(deg, 1.0)
    h = (jnp.dot(nf, w1a_ref[...], preferred_element_type=jnp.float32)
         + jnp.dot(hg, w1b_ref[...], preferred_element_type=jnp.float32)
         + b1_ref[...])
    mu = jnp.mean(h, axis=0, keepdims=True)
    var = jnp.mean(h * h, axis=0, keepdims=True) - mu * mu
    h = (h - mu) * lax.rsqrt(var + _EPS) * g1_ref[...] + be1_ref[...]
    h = _silu(h)
    h = jnp.dot(h, w2_ref[...], preferred_element_type=jnp.float32) + b2_ref[...]
    mu = jnp.mean(h, axis=0, keepdims=True)
    var = jnp.mean(h * h, axis=0, keepdims=True) - mu * mu
    h = (h - mu) * lax.rsqrt(var + _EPS) * g2_ref[...] + be2_ref[...]
    un_ref[...] = _silu(h + nf)


def _tc_node(nf, agg, cnt, w1a, w1b, b1, g1, be1, w2, b2, g2, be2):
    n, d = nf.shape
    return pl.pallas_call(
        functools.partial(_node_body, n_rows=float(n)),
        out_shape=jax.ShapeDtypeStruct((n, d), jnp.float32),
    )(nf, agg, cnt, w1a, w1b, b1, g1, be1, w2, b2, g2, be2)



def _sc_gather(ps, pd, src, dst):
    n, d = ps.shape
    e = src.shape[0]
    per_w = e // _NW
    nch = per_w // _CH
    mesh = plsc.VectorSubcoreMesh(core_axis_name="c", subcore_axis_name="s")

    nq = 4

    @functools.partial(
        pl.kernel,
        out_type=(jax.ShapeDtypeStruct((e, d), jnp.float32),
                  jax.ShapeDtypeStruct((e, d), jnp.float32)),
        mesh=mesh,
        scratch_types=(
            [pltpu.VMEM((_CH,), jnp.int32)] * (2 * nq)
            + [pltpu.VMEM((_CH, d), jnp.float32)] * (2 * nq)
            + [pltpu.SemaphoreType.DMA] * (3 * nq)
        ),
    )
    def k(ps_hbm, pd_hbm, src_hbm, dst_hbm, gs_hbm, gd_hbm, *bufs):
        idx_s = bufs[0:nq]
        idx_d = bufs[nq:2 * nq]
        row_s = bufs[2 * nq:3 * nq]
        row_d = bufs[3 * nq:4 * nq]
        sem_i = bufs[4 * nq:5 * nq]
        sem_g = bufs[5 * nq:6 * nq]
        sem_w = bufs[6 * nq:7 * nq]
        wid = lax.axis_index("s") * _NC + lax.axis_index("c")
        base = pl.multiple_of(wid * per_w, 8)

        def body(t, carry):
            offs = [pl.multiple_of(base + (nq * t + q) * _CH, 8)
                    for q in range(nq)]
            ii = [(pltpu.async_copy(src_hbm.at[pl.ds(offs[q], _CH)],
                                    idx_s[q], sem_i[q]),
                   pltpu.async_copy(dst_hbm.at[pl.ds(offs[q], _CH)],
                                    idx_d[q], sem_i[q]))
                  for q in range(nq)]
            gg = []
            for q in range(nq):
                ii[q][0].wait()
                ii[q][1].wait()
                gg.append((pltpu.async_copy(ps_hbm.at[idx_s[q]], row_s[q],
                                            sem_g[q]),
                           pltpu.async_copy(pd_hbm.at[idx_d[q]], row_d[q],
                                            sem_g[q])))
            ww = []
            for q in range(nq):
                gg[q][0].wait()
                gg[q][1].wait()
                ww.append((pltpu.async_copy(row_s[q],
                                            gs_hbm.at[pl.ds(offs[q], _CH)],
                                            sem_w[q]),
                           pltpu.async_copy(row_d[q],
                                            gd_hbm.at[pl.ds(offs[q], _CH)],
                                            sem_w[q])))
            for q in range(nq):
                ww[q][0].wait()
                ww[q][1].wait()
            return carry

        lax.fori_loop(0, nch // nq, body, 0)
        for r in range(nch - (nch // nq) * nq):
            off = pl.multiple_of(base + ((nch // nq) * nq + r) * _CH, 8)
            pltpu.sync_copy(src_hbm.at[pl.ds(off, _CH)], idx_s[0])
            pltpu.sync_copy(dst_hbm.at[pl.ds(off, _CH)], idx_d[0])
            cs = pltpu.async_copy(ps_hbm.at[idx_s[0]], row_s[0], sem_g[0])
            cd = pltpu.async_copy(pd_hbm.at[idx_d[0]], row_d[0], sem_g[1])
            cs.wait()
            cd.wait()
            pltpu.sync_copy(row_s[0], gs_hbm.at[pl.ds(off, _CH)])
            pltpu.sync_copy(row_d[0], gd_hbm.at[pl.ds(off, _CH)])

    return k(ps, pd, src, dst)


def _sc_scatter(ue, dst, z_nd, half):
    e, d = ue.shape
    per_s = e // _NS
    nch = per_s // _CH
    rps = half // _NS
    mesh = plsc.VectorSubcoreMesh(core_axis_name="c", subcore_axis_name="s")

    nb = _NC * half

    @functools.partial(
        pl.kernel,
        out_type=(jax.ShapeDtypeStruct((_NC, half, d), jnp.float32),
                  jax.ShapeDtypeStruct((_NS * nb,), jnp.float32)),
        mesh=mesh,
        compiler_params=pltpu.CompilerParams(needs_layout_passes=False),
        scratch_types=(
            [pltpu.VMEM((_CH,), jnp.int32)] * 3
            + [pltpu.VMEM((_CH, d), jnp.float32)] * 3
            + [pltpu.VMEM((nb,), jnp.float32)]
            + [pltpu.SemaphoreType.DMA] * 6
            + [pltpu.VMEM_SHARED((half + 8, d), jnp.float32)]
        ),
    )
    def k(ue_hbm, dst_hbm, znd_hbm, z1_hbm, agg_hbm, cnt_hbm,
          idx_v, idx_v1, idx_v2, rows_v, rows_v1, rows_v2, hist_v,
          sem_i0, sem_i1, sem_i2, sem_r0, sem_r1, sem_r2, s_agg):
        cid = lax.axis_index("c")
        sid = lax.axis_index("s")
        base = pl.multiple_of(sid * per_s, 8)
        r0 = pl.multiple_of(sid * rps, 8)
        lo = cid * half

        pltpu.sync_copy(znd_hbm, rows_v)
        for t in range(rps // _CH):
            pltpu.sync_copy(rows_v, s_agg.at[pl.ds(r0 + t * _CH, _CH)])
        pltpu.sync_copy(z1_hbm, hist_v)
        plsc.subcore_barrier()

        def hist_and_remap(ix):
            for j in range(_CH // 16):
                g = ix[pl.ds(j * 16, 16)]

                @pl.when(cid == 0)
                def _():
                    plsc.addupdate_scatter(hist_v, [g],
                                           jnp.ones((16,), jnp.float32))
                v = g - lo
                ok = (v >= 0) & (v < half)
                ix[pl.ds(j * 16, 16)] = jnp.where(ok, v, half)

        ixs = [idx_v, idx_v1, idx_v2]
        rws = [rows_v, rows_v1, rows_v2]
        sis = [sem_i0, sem_i1, sem_i2]
        srs = [sem_r0, sem_r1, sem_r2]

        def body(t, carry):
            offs = [pl.multiple_of(base + (3 * t + q) * _CH, 8)
                    for q in range(3)]
            cps = [(pltpu.async_copy(dst_hbm.at[pl.ds(offs[q], _CH)],
                                     ixs[q], sis[q]),
                    pltpu.async_copy(ue_hbm.at[pl.ds(offs[q], _CH)],
                                     rws[q], srs[q]))
                   for q in range(3)]
            for q in range(3):
                cps[q][0].wait()
                hist_and_remap(ixs[q])
                cps[q][1].wait()
                pltpu.sync_copy(rws[q], s_agg.at[ixs[q]], add=True)
            return carry

        lax.fori_loop(0, nch // 3, body, 0)
        for r in range(nch - (nch // 3) * 3):
            off = pl.multiple_of(base + ((nch // 3) * 3 + r) * _CH, 8)
            pltpu.sync_copy(dst_hbm.at[pl.ds(off, _CH)], idx_v)
            pltpu.sync_copy(ue_hbm.at[pl.ds(off, _CH)], rows_v)
            hist_and_remap(idx_v)
            pltpu.sync_copy(rows_v, s_agg.at[idx_v], add=True)
        plsc.subcore_barrier()

        for t in range(rps // _CH):
            pltpu.sync_copy(s_agg.at[pl.ds(r0 + t * _CH, _CH)], rows_v)
            pltpu.sync_copy(rows_v, agg_hbm.at[cid, pl.ds(r0 + t * _CH, _CH)])

        @pl.when(cid == 0)
        def _():
            pltpu.sync_copy(hist_v, cnt_hbm.at[pl.ds(sid * nb, nb)])

    return k(ue, dst, z_nd, jnp.zeros((nb,), jnp.float32))



def kernel(node_feats, edge_feats, edge_index,
           edge_W1, edge_b1, edge_g1, edge_be1,
           edge_W2, edge_b2, edge_g2, edge_be2,
           node_W1, node_b1, node_g1, node_be1,
           node_W2, node_b2, node_g2, node_be2):
    n, d = node_feats.shape
    e = edge_feats.shape[0]
    src = edge_index[0]
    dst = edge_index[1]

    row = lambda v: v.reshape(1, d)

    ps, pd = _tc_proj(node_feats, edge_W1[0:d], edge_W1[d:2 * d])
    gs, gd = _sc_gather(ps, pd, src, dst)
    h1, s1, q1 = _edge_grid_call(
        _passa_body, e, d, [gs, gd, edge_feats],
        [edge_W1[2 * d:3 * d], row(edge_b1)], 2, out_dtype=jnp.bfloat16)
    h2, s2, q2 = _edge_grid_call(
        functools.partial(_passb_body, n_rows=float(e)), e, d, [h1],
        [s1, q1, row(edge_g1), row(edge_be1), edge_W2, row(edge_b2)], 2,
        out_dtype=jnp.bfloat16)
    (ue,) = _edge_grid_call(
        functools.partial(_passc_body, n_rows=float(e)), e, d,
        [h2, edge_feats], [s2, q2, row(edge_g2), row(edge_be2)], 0)

    half = -(-n // (_NC * _NS * 8)) * (_NS * 8)
    z_nd = jnp.zeros((_CH, d), jnp.float32)
    agg, cnt1d = _sc_scatter(ue, dst, z_nd, half)
    cnt = cnt1d.reshape(_NS, _NC * half).T

    un = _tc_node(node_feats, agg, cnt,
                  node_W1[0:d], node_W1[d:2 * d], row(node_b1),
                  row(node_g1), row(node_be1),
                  node_W2, row(node_b2), row(node_g2), row(node_be2))
    return (un, ue)

# --- scband reference (transcript-rebuilt; emitter-appended) ---
"""Pipeline reference for scband-dense-gnnconv-8014408974712 (READ-ONLY COPY).

The authoritative reference and input builder live on the scoring server;
editing this copy changes nothing except your own understanding.
"""

import jax, jax.numpy as jnp
import numpy as np

N = 10000
E = 320000
D = 128


def _bn(x, gamma, beta, eps=1e-5):
    # torch BatchNorm1d in training mode: biased batch stats
    mu = jnp.mean(x, axis=0)
    var = jnp.mean((x - mu) ** 2, axis=0)
    return (x - mu) / jnp.sqrt(var + eps) * gamma + beta


def setup_inputs(seed: int = 0) -> dict:
    key = jax.random.key(seed)
    ks = jax.random.split(key, 24)
    inp = {}
    inp['node_feats'] = jax.random.normal(ks[0], (N, D), dtype=jnp.float32)
    inp['edge_feats'] = jax.random.normal(ks[1], (E, D), dtype=jnp.float32)
    inp['edge_index'] = jax.random.randint(ks[2], (2, E), 0, N, dtype=jnp.int32)
    fan1 = 3 * D
    i = 3
    for pref in ['edge', 'node']:
        inp[pref + '_W1'] = jax.random.normal(ks[i], (fan1, D), dtype=jnp.float32) / np.sqrt(fan1); i += 1
        inp[pref + '_b1'] = jnp.zeros((D,), dtype=jnp.float32)
        inp[pref + '_g1'] = jnp.ones((D,), dtype=jnp.float32)
        inp[pref + '_be1'] = jnp.zeros((D,), dtype=jnp.float32)
        inp[pref + '_W2'] = jax.random.normal(ks[i], (D, D), dtype=jnp.float32) / np.sqrt(D); i += 1
        inp[pref + '_b2'] = jnp.zeros((D,), dtype=jnp.float32)
        inp[pref + '_g2'] = jnp.ones((D,), dtype=jnp.float32)
        inp[pref + '_be2'] = jnp.zeros((D,), dtype=jnp.float32)
    return inp


def _mlp(x, W1, b1, g1, be1, W2, b2, g2, be2):
    h = x @ W1 + b1
    h = _bn(h, g1, be1)
    h = jax.nn.silu(h)
    h = h @ W2 + b2
    h = _bn(h, g2, be2)
    return h


def reference(node_feats, edge_feats, edge_index,
              edge_W1, edge_b1, edge_g1, edge_be1, edge_W2, edge_b2, edge_g2, edge_be2,
              node_W1, node_b1, node_g1, node_be1, node_W2, node_b2, node_g2, node_be2):
    src = edge_index[0]
    dst = edge_index[1]
    h_src = node_feats[src]
    h_dst = node_feats[dst]
    edge_input = jnp.concatenate([h_src, h_dst, edge_feats], axis=-1)
    updated_edges = _mlp(edge_input, edge_W1, edge_b1, edge_g1, edge_be1,
                         edge_W2, edge_b2, edge_g2, edge_be2)
    updated_edges = jax.nn.silu(updated_edges + edge_feats)
    # mean aggregation of edge messages onto destination nodes
    agg = jax.ops.segment_sum(updated_edges, dst, num_segments=node_feats.shape[0])
    deg = jax.ops.segment_sum(jnp.ones((dst.shape[0],), dtype=updated_edges.dtype), dst,
                              num_segments=node_feats.shape[0])
    h_agg = agg / jnp.maximum(deg, 1.0)[:, None]
    zeros_pad = jnp.zeros((node_feats.shape[0], edge_feats.shape[1]), dtype=node_feats.dtype)
    node_input = jnp.concatenate([node_feats, h_agg, zeros_pad], axis=-1)
    updated_nodes = _mlp(node_input, node_W1, node_b1, node_g1, node_be1,
                         node_W2, node_b2, node_g2, node_be2)
    updated_nodes = jax.nn.silu(updated_nodes + node_feats)
    return (updated_nodes, updated_edges)

if __name__ == "__main__":
    import jax
    _d = setup_inputs()
    print(jax.jit(kernel)(*tuple(_d.values())))

</pallas_src>

<mosaic_0001>
#map = affine_map<(d0, d1) -> (0, 0)>
#map1 = affine_map<(d0, d1) -> (0)>
module attributes {stable_mosaic.version = 14 : i64} {
  func.func @k(%arg0: i32, %arg1: i32, %arg2: memref<10000x128xf32, #tpu.memory_space<hbm>>, %arg3: memref<10000x128xf32, #tpu.memory_space<hbm>>, %arg4: memref<320000xi32, #tpu.memory_space<hbm>>, %arg5: memref<320000xi32, #tpu.memory_space<hbm>>, %arg6: memref<320000x128xf32, #tpu.memory_space<hbm>>, %arg7: memref<320000x128xf32, #tpu.memory_space<hbm>>, %arg8: memref<80xi32, #tpu.memory_space<vmem>>, %arg9: memref<80xi32, #tpu.memory_space<vmem>>, %arg10: memref<80xi32, #tpu.memory_space<vmem>>, %arg11: memref<80xi32, #tpu.memory_space<vmem>>, %arg12: memref<80xi32, #tpu.memory_space<vmem>>, %arg13: memref<80xi32, #tpu.memory_space<vmem>>, %arg14: memref<80xi32, #tpu.memory_space<vmem>>, %arg15: memref<80xi32, #tpu.memory_space<vmem>>, %arg16: memref<80x128xf32, #tpu.memory_space<vmem>>, %arg17: memref<80x128xf32, #tpu.memory_space<vmem>>, %arg18: memref<80x128xf32, #tpu.memory_space<vmem>>, %arg19: memref<80x128xf32, #tpu.memory_space<vmem>>, %arg20: memref<80x128xf32, #tpu.memory_space<vmem>>, %arg21: memref<80x128xf32, #tpu.memory_space<vmem>>, %arg22: memref<80x128xf32, #tpu.memory_space<vmem>>, %arg23: memref<80x128xf32, #tpu.memory_space<vmem>>, %arg24: memref<!tpu.dma_semaphore, #tpu.memory_space<semaphore_mem>>, %arg25: memref<!tpu.dma_semaphore, #tpu.memory_space<semaphore_mem>>, %arg26: memref<!tpu.dma_semaphore, #tpu.memory_space<semaphore_mem>>, %arg27: memref<!tpu.dma_semaphore, #tpu.memory_space<semaphore_mem>>, %arg28: memref<!tpu.dma_semaphore, #tpu.memory_space<semaphore_mem>>, %arg29: memref<!tpu.dma_semaphore, #tpu.memory_space<semaphore_mem>>, %arg30: memref<!tpu.dma_semaphore, #tpu.memory_space<semaphore_mem>>, %arg31: memref<!tpu.dma_semaphore, #tpu.memory_space<semaphore_mem>>, %arg32: memref<!tpu.dma_semaphore, #tpu.memory_space<semaphore_mem>>, %arg33: memref<!tpu.dma_semaphore, #tpu.memory_space<semaphore_mem>>, %arg34: memref<!tpu.dma_semaphore, #tpu.memory_space<semaphore_mem>>, %arg35: memref<!tpu.dma_semaphore, #tpu.memory_space<semaphore_mem>>) attributes {dimension_semantics = [#tpu.dimension_semantics<core_parallel>, #tpu.dimension_semantics<subcore_parallel>], iteration_bounds = array<i64: 2, 16>, scalar_prefetch = 0 : i64, scratch_operands = 28 : i64, tpu.core_type = #tpu.core_type<sc_vector_subcore>, window_params = [{transform_indices = #map}, {transform_indices = #map}, {transform_indices = #map1}, {transform_indices = #map1}, {transform_indices = #map}, {transform_indices = #map}]} {
    %mul3A = arith.constant 2 : i32
    %mul3A_0 = arith.muli %arg1, %mul3A : i32
    %add3A = arith.addi %mul3A_0, %arg0 : i32
    %mul3A_1 = arith.constant 10000 : i32
    %mul3A_2 = arith.muli %add3A, %mul3A_1 : i32
    %multiple_of3A = tpu.assume_multiple %mul3A_2, 8 : i32
    %scan3A = arith.constant 0 : i32
    %scan3A_3 = arith.constant 0 : i32
    %scan3A_4 = arith.constant 31 : i32
    %scan3A_5 = arith.addi %scan3A_3, %scan3A_4 : i32
    %scan3A_6 = arith.constant 1 : i32
    scf.for %scan3A_21 = %scan3A_3 to %scan3A_5 step %scan3A_6  : i32 {
      %mul3A_22 = arith.constant 4 : i32
      %mul3A_23 = arith.muli %mul3A_22, %scan3A_21 : i32
      %add3A_24 = arith.constant 0 : i32
      %add3A_25 = arith.addi %mul3A_23, %add3A_24 : i32
      %mul3A_26 = arith.constant 80 : i32
      %mul3A_27 = arith.muli %add3A_25, %mul3A_26 : i32
      %add3A_28 = arith.addi %multiple_of3A, %mul3A_27 : i32
      %multiple_of3A_29 = tpu.assume_multiple %add3A_28, 8 : i32
      %mul3A_30 = arith.constant 4 : i32
      %mul3A_31 = arith.muli %mul3A_30, %scan3A_21 : i32
      %add3A_32 = arith.constant 1 : i32
      %add3A_33 = arith.addi %mul3A_31, %add3A_32 : i32
      %mul3A_34 = arith.constant 80 : i32
      %mul3A_35 = arith.muli %add3A_33, %mul3A_34 : i32
      %add3A_36 = arith.addi %multiple_of3A, %mul3A_35 : i32
      %multiple_of3A_37 = tpu.assume_multiple %add3A_36, 8 : i32
      %mul3A_38 = arith.constant 4 : i32
      %mul3A_39 = arith.muli %mul3A_38, %scan3A_21 : i32
      %add3A_40 = arith.constant 2 : i32
      %add3A_41 = arith.addi %mul3A_39, %add3A_40 : i32
      %mul3A_42 = arith.constant 80 : i32
      %mul3A_43 = arith.muli %add3A_41, %mul3A_42 : i32
      %add3A_44 = arith.addi %multiple_of3A, %mul3A_43 : i32
      %multiple_of3A_45 = tpu.assume_multiple %add3A_44, 8 : i32
      %mul3A_46 = arith.constant 4 : i32
      %mul3A_47 = arith.muli %mul3A_46, %scan3A_21 : i32
      %add3A_48 = arith.constant 3 : i32
      %add3A_49 = arith.addi %mul3A_47, %add3A_48 : i32
      %mul3A_50 = arith.constant 80 : i32
      %mul3A_51 = arith.muli %add3A_49, %mul3A_50 : i32
      %add3A_52 = arith.addi %multiple_of3A, %mul3A_51 : i32
      %multiple_of3A_53 = tpu.assume_multiple %add3A_52, 8 : i32
      %dma_start3A_54 = tpu.memref_slice %arg4[%multiple_of3A_29] : memref<320000xi32, #tpu.memory_space<hbm>> -> memref<80xi32, #tpu.memory_space<hbm>>
      %dma_start3A_55 = tpu.memref_slice %arg4[%multiple_of3A_29] : memref<320000xi32, #tpu.memory_space<hbm>> -> memref<80xi32, #tpu.memory_space<hbm>>
      tpu.enqueue_dma source(%dma_start3A_55 : memref<80xi32, #tpu.memory_space<hbm>>) target(%arg8 : memref<80xi32, #tpu.memory_space<vmem>>) target_semaphore(%arg24 : memref<!tpu.dma_semaphore, #tpu.memory_space<semaphore_mem>>)
      %dma_start3A_56 = tpu.memref_slice %arg5[%multiple_of3A_29] : memref<320000xi32, #tpu.memory_space<hbm>> -> memref<80xi32, #tpu.memory_space<hbm>>
      %dma_start3A_57 = tpu.memref_slice %arg5[%multiple_of3A_29] : memref<320000xi32, #tpu.memory_space<hbm>> -> memref<80xi32, #tpu.memory_space<hbm>>
      tpu.enqueue_dma source(%dma_start3A_57 : memref<80xi32, #tpu.memory_space<hbm>>) target(%arg12 : memref<80xi32, #tpu.memory_space<vmem>>) target_semaphore(%arg24 : memref<!tpu.dma_semaphore, #tpu.memory_space<semaphore_mem>>)
      %dma_start3A_58 = tpu.memref_slice %arg4[%multiple_of3A_37] : memref<320000xi32, #tpu.memory_space<hbm>> -> memref<80xi32, #tpu.memory_space<hbm>>
      %dma_start3A_59 = tpu.memref_slice %arg4[%multiple_of3A_37] : memref<320000xi32, #tpu.memory_space<hbm>> -> memref<80xi32, #tpu.memory_space<hbm>>
      tpu.enqueue_dma source(%dma_start3A_59 : memref<80xi32, #tpu.memory_space<hbm>>) target(%arg9 : memref<80xi32, #tpu.memory_space<vmem>>) target_semaphore(%arg25 : memref<!tpu.dma_semaphore, #tpu.memory_space<semaphore_mem>>)
      %dma_start3A_60 = tpu.memref_slice %arg5[%multiple_of3A_37] : memref<320000xi32, #tpu.memory_space<hbm>> -> memref<80xi32, #tpu.memory_space<hbm>>
      %dma_start3A_61 = tpu.memref_slice %arg5[%multiple_of3A_37] : memref<320000xi32, #tpu.memory_space<hbm>> -> memref<80xi32, #tpu.memory_space<hbm>>
      tpu.enqueue_dma source(%dma_start3A_61 : memref<80xi32, #tpu.memory_space<hbm>>) target(%arg13 : memref<80xi32, #tpu.memory_space<vmem>>) target_semaphore(%arg25 : memref<!tpu.dma_semaphore, #tpu.memory_space<semaphore_mem>>)
      %dma_start3A_62 = tpu.memref_slice %arg4[%multiple_of3A_45] : memref<320000xi32, #tpu.memory_space<hbm>> -> memref<80xi32, #tpu.memory_space<hbm>>
      %dma_start3A_63 = tpu.memref_slice %arg4[%multiple_of3A_45] : memref<320000xi32, #tpu.memory_space<hbm>> -> memref<80xi32, #tpu.memory_space<hbm>>
      tpu.enqueue_dma source(%dma_start3A_63 : memref<80xi32, #tpu.memory_space<hbm>>) target(%arg10 : memref<80xi32, #tpu.memory_space<vmem>>) target_semaphore(%arg26 : memref<!tpu.dma_semaphore, #tpu.memory_space<semaphore_mem>>)
      %dma_start3A_64 = tpu.memref_slice %arg5[%multiple_of3A_45] : memref<320000xi32, #tpu.memory_space<hbm>> -> memref<80xi32, #tpu.memory_space<hbm>>
      %dma_start3A_65 = tpu.memref_slice %arg5[%multiple_of3A_45] : memref<320000xi32, #tpu.memory_space<hbm>> -> memref<80xi32, #tpu.memory_space<hbm>>
      tpu.enqueue_dma source(%dma_start3A_65 : memref<80xi32, #tpu.memory_space<hbm>>) target(%arg14 : memref<80xi32, #tpu.memory_space<vmem>>) target_semaphore(%arg26 : memref<!tpu.dma_semaphore, #tpu.memory_space<semaphore_mem>>)
      %dma_start3A_66 = tpu.memref_slice %arg4[%multiple_of3A_53] : memref<320000xi32, #tpu.memory_space<hbm>> -> memref<80xi32, #tpu.memory_space<hbm>>
      %dma_start3A_67 = tpu.memref_slice %arg4[%multiple_of3A_53] : memref<320000xi32, #tpu.memory_space<hbm>> -> memref<80xi32, #tpu.memory_space<hbm>>
      tpu.enqueue_dma source(%dma_start3A_67 : memref<80xi32, #tpu.memory_space<hbm>>) target(%arg11 : memref<80xi32, #tpu.memory_space<vmem>>) target_semaphore(%arg27 : memref<!tpu.dma_semaphore, #tpu.memory_space<semaphore_mem>>)
      %dma_start3A_68 = tpu.memref_slice %arg5[%multiple_of3A_53] : memref<320000xi32, #tpu.memory_space<hbm>> -> memref<80xi32, #tpu.memory_space<hbm>>
      %dma_start3A_69 = tpu.memref_slice %arg5[%multiple_of3A_53] : memref<320000xi32, #tpu.memory_space<hbm>> -> memref<80xi32, #tpu.memory_space<hbm>>
      tpu.enqueue_dma source(%dma_start3A_69 : memref<80xi32, #tpu.memory_space<hbm>>) target(%arg15 : memref<80xi32, #tpu.memory_space<vmem>>) target_semaphore(%arg27 : memref<!tpu.dma_semaphore, #tpu.memory_space<semaphore_mem>>)
      %dma_wait3A_70 = tpu.memref_slice %arg4[%multiple_of3A_29] : memref<320000xi32, #tpu.memory_space<hbm>> -> memref<80xi32, #tpu.memory_space<hbm>>
      %dma_wait3A_71 = tpu.memref_slice %arg4[%multiple_of3A_29] : memref<320000xi32, #tpu.memory_space<hbm>> -> memref<80xi32, #tpu.memory_space<hbm>>
      tpu.wait_dma2 semaphore(%arg24 : memref<!tpu.dma_semaphore, #tpu.memory_space<semaphore_mem>>) src(%dma_wait3A_71 : memref<80xi32, #tpu.memory_space<hbm>>) dst(%arg8 : memref<80xi32, #tpu.memory_space<vmem>>)
      %dma_wait3A_72 = tpu.memref_slice %arg5[%multiple_of3A_29] : memref<320000xi32, #tpu.memory_space<hbm>> -> memref<80xi32, #tpu.memory_space<hbm>>
      %dma_wait3A_73 = tpu.memref_slice %arg5[%multiple_of3A_29] : memref<320000xi32, #tpu.memory_space<hbm>> -> memref<80xi32, #tpu.memory_space<hbm>>
      tpu.wait_dma2 semaphore(%arg24 : memref<!tpu.dma_semaphore, #tpu.memory_space<semaphore_mem>>) src(%dma_wait3A_73 : memref<80xi32, #tpu.memory_space<hbm>>) dst(%arg12 : memref<80xi32, #tpu.memory_space<vmem>>)
      %dma_start3A_74 = arith.constant 0 : i32
      %dma_start3A_75 = arith.constant 0 : i32
      %dma_start3A_76 = tpu.memref_slice %arg2[%dma_start3A_74, %dma_start3A_75] : memref<10000x128xf32, #tpu.memory_space<hbm>> -> memref<10000x128xf32, #tpu.memory_space<hbm>>
      tpu.enqueue_indirect_dma source(%dma_start3A_76 : memref<10000x128xf32, #tpu.memory_space<hbm>>) target(%arg16 : memref<80x128xf32, #tpu.memory_space<vmem>>) offsets(%arg8 : memref<80xi32, #tpu.memory_space<vmem>>) semaphore(%arg28 : memref<!tpu.dma_semaphore, #tpu.memory_space<semaphore_mem>>)
      %dma_start3A_77 = arith.constant 0 : i32
      %dma_start3A_78 = arith.constant 0 : i32
      %dma_start3A_79 = tpu.memref_slice %arg3[%dma_start3A_77, %dma_start3A_78] : memref<10000x128xf32, #tpu.memory_space<hbm>> -> memref<10000x128xf32, #tpu.memory_space<hbm>>
      tpu.enqueue_indirect_dma source(%dma_start3A_79 : memref<10000x128xf32, #tpu.memory_space<hbm>>) target(%arg20 : memref<80x128xf32, #tpu.memory_space<vmem>>) offsets(%arg12 : memref<80xi32, #tpu.memory_space<vmem>>) semaphore(%arg28 : memref<!tpu.dma_semaphore, #tpu.memory_space<semaphore_mem>>)
      %dma_wait3A_80 = tpu.memref_slice %arg4[%multiple_of3A_37] : memref<320000xi32, #tpu.memory_space<hbm>> -> memref<80xi32, #tpu.memory_space<hbm>>
      %dma_wait3A_81 = tpu.memref_slice %arg4[%multiple_of3A_37] : memref<320000xi32, #tpu.memory_space<hbm>> -> memref<80xi32, #tpu.memory_space<hbm>>
      tpu.wait_dma2 semaphore(%arg25 : memref<!tpu.dma_semaphore, #tpu.memory_space<semaphore_mem>>) src(%dma_wait3A_81 : memref<80xi32, #tpu.memory_space<hbm>>) dst(%arg9 : memref<80xi32, #tpu.memory_space<vmem>>)
      %dma_wait3A_82 = tpu.memref_slice %arg5[%multiple_of3A_37] : memref<320000xi32, #tpu.memory_space<hbm>> -> memref<80xi32, #tpu.memory_space<hbm>>
      %dma_wait3A_83 = tpu.memref_slice %arg5[%multiple_of3A_37] : memref<320000xi32, #tpu.memory_space<hbm>> -> memref<80xi32, #tpu.memory_space<hbm>>
      tpu.wait_dma2 semaphore(%arg25 : memref<!tpu.dma_semaphore, #tpu.memory_space<semaphore_mem>>) src(%dma_wait3A_83 : memref<80xi32, #tpu.memory_space<hbm>>) dst(%arg13 : memref<80xi32, #tpu.memory_space<vmem>>)
      %dma_start3A_84 = arith.constant 0 : i32
      %dma_start3A_85 = arith.constant 0 : i32
      %dma_start3A_86 = tpu.memref_slice %arg2[%dma_start3A_84, %dma_start3A_85] : memref<10000x128xf32, #tpu.memory_space<hbm>> -> memref<10000x128xf32, #tpu.memory_space<hbm>>
      tpu.enqueue_indirect_dma source(%dma_start3A_86 : memref<10000x128xf32, #tpu.memory_space<hbm>>) target(%arg17 : memref<80x128xf32, #tpu.memory_space<vmem>>) offsets(%arg9 : memref<80xi32, #tpu.memory_space<vmem>>) semaphore(%arg29 : memref<!tpu.dma_semaphore, #tpu.memory_space<semaphore_mem>>)
      %dma_start3A_87 = arith.constant 0 : i32
      %dma_start3A_88 = arith.constant 0 : i32
      %dma_start3A_89 = tpu.memref_slice %arg3[%dma_start3A_87, %dma_start3A_88] : memref<10000x128xf32, #tpu.memory_space<hbm>> -> memref<10000x128xf32, #tpu.memory_space<hbm>>
      tpu.enqueue_indirect_dma source(%dma_start3A_89 : memref<10000x128xf32, #tpu.memory_space<hbm>>) target(%arg21 : memref<80x128xf32, #tpu.memory_space<vmem>>) offsets(%arg13 : memref<80xi32, #tpu.memory_space<vmem>>) semaphore(%arg29 : memref<!tpu.dma_semaphore, #tpu.memory_space<semaphore_mem>>)
      %dma_wait3A_90 = tpu.memref_slice %arg4[%multiple_of3A_45] : memref<320000xi32, #tpu.memory_space<hbm>> -> memref<80xi32, #tpu.memory_space<hbm>>
      %dma_wait3A_91 = tpu.memref_slice %arg4[%multiple_of3A_45] : memref<320000xi32, #tpu.memory_space<hbm>> -> memref<80xi32, #tpu.memory_space<hbm>>
      tpu.wait_dma2 semaphore(%arg26 : memref<!tpu.dma_semaphore, #tpu.memory_space<semaphore_mem>>) src(%dma_wait3A_91 : memref<80xi32, #tpu.memory_space<hbm>>) dst(%arg10 : memref<80xi32, #tpu.memory_space<vmem>>)
      %dma_wait3A_92 = tpu.memref_slice %arg5[%multiple_of3A_45] : memref<320000xi32, #tpu.memory_space<hbm>> -> memref<80xi32, #tpu.memory_space<hbm>>
      %dma_wait3A_93 = tpu.memref_slice %arg5[%multiple_of3A_45] : memref<320000xi32, #tpu.memory_space<hbm>> -> memref<80xi32, #tpu.memory_space<hbm>>
      tpu.wait_dma2 semaphore(%arg26 : memref<!tpu.dma_semaphore, #tpu.memory_space<semaphore_mem>>) src(%dma_wait3A_93 : memref<80xi32, #tpu.memory_space<hbm>>) dst(%arg14 : memref<80xi32, #tpu.memory_space<vmem>>)
      %dma_start3A_94 = arith.constant 0 : i32
      %dma_start3A_95 = arith.constant 0 : i32
      %dma_start3A_96 = tpu.memref_slice %arg2[%dma_start3A_94, %dma_start3A_95] : memref<10000x128xf32, #tpu.memory_space<hbm>> -> memref<10000x128xf32, #tpu.memory_space<hbm>>
      tpu.enqueue_indirect_dma source(%dma_start3A_96 : memref<10000x128xf32, #tpu.memory_space<hbm>>) target(%arg18 : memref<80x128xf32, #tpu.memory_space<vmem>>) offsets(%arg10 : memref<80xi32, #tpu.memory_space<vmem>>) semaphore(%arg30 : memref<!tpu.dma_semaphore, #tpu.memory_space<semaphore_mem>>)
      %dma_start3A_97 = arith.constant 0 : i32
      %dma_start3A_98 = arith.constant 0 : i32
      %dma_start3A_99 = tpu.memref_slice %arg3[%dma_start3A_97, %dma_start3A_98] : memref<10000x128xf32, #tpu.memory_space<hbm>> -> memref<10000x128xf32, #tpu.memory_space<hbm>>
      tpu.enqueue_indirect_dma source(%dma_start3A_99 : memref<10000x128xf32, #tpu.memory_space<hbm>>) target(%arg22 : memref<80x128xf32, #tpu.memory_space<vmem>>) offsets(%arg14 : memref<80xi32, #tpu.memory_space<vmem>>) semaphore(%arg30 : memref<!tpu.dma_semaphore, #tpu.memory_space<semaphore_mem>>)
      %dma_wait3A_100 = tpu.memref_slice %arg4[%multiple_of3A_53] : memref<320000xi32, #tpu.memory_space<hbm>> -> memref<80xi32, #tpu.memory_space<hbm>>
      %dma_wait3A_101 = tpu.memref_slice %arg4[%multiple_of3A_53] : memref<320000xi32, #tpu.memory_space<hbm>> -> memref<80xi32, #tpu.memory_space<hbm>>
      tpu.wait_dma2 semaphore(%arg27 : memref<!tpu.dma_semaphore, #tpu.memory_space<semaphore_mem>>) src(%dma_wait3A_101 : memref<80xi32, #tpu.memory_space<hbm>>) dst(%arg11 : memref<80xi32, #tpu.memory_space<vmem>>)
      %dma_wait3A_102 = tpu.memref_slice %arg5[%multiple_of3A_53] : memref<320000xi32, #tpu.memory_space<hbm>> -> memref<80xi32, #tpu.memory_space<hbm>>
      %dma_wait3A_103 = tpu.memref_slice %arg5[%multiple_of3A_53] : memref<320000xi32, #tpu.memory_space<hbm>> -> memref<80xi32, #tpu.memory_space<hbm>>
      tpu.wait_dma2 semaphore(%arg27 : memref<!tpu.dma_semaphore, #tpu.memory_space<semaphore_mem>>) src(%dma_wait3A_103 : memref<80xi32, #tpu.memory_space<hbm>>) dst(%arg15 : memref<80xi32, #tpu.memory_space<vmem>>)
      %dma_start3A_104 = arith.constant 0 : i32
      %dma_start3A_105 = arith.constant 0 : i32
      %dma_start3A_106 = tpu.memref_slice %arg2[%dma_start3A_104, %dma_start3A_105] : memref<10000x128xf32, #tpu.memory_space<hbm>> -> memref<10000x128xf32, #tpu.memory_space<hbm>>
      tpu.enqueue_indirect_dma source(%dma_start3A_106 : memref<10000x128xf32, #tpu.memory_space<hbm>>) target(%arg19 : memref<80x128xf32, #tpu.memory_space<vmem>>) offsets(%arg11 : memref<80xi32, #tpu.memory_space<vmem>>) semaphore(%arg31 : memref<!tpu.dma_semaphore, #tpu.memory_space<semaphore_mem>>)
      %dma_start3A_107 = arith.constant 0 : i32
      %dma_start3A_108 = arith.constant 0 : i32
      %dma_start3A_109 = tpu.memref_slice %arg3[%dma_start3A_107, %dma_start3A_108] : memref<10000x128xf32, #tpu.memory_space<hbm>> -> memref<10000x128xf32, #tpu.memory_space<hbm>>
      tpu.enqueue_indirect_dma source(%dma_start3A_109 : memref<10000x128xf32, #tpu.memory_space<hbm>>) target(%arg23 : memref<80x128xf32, #tpu.memory_space<vmem>>) offsets(%arg15 : memref<80xi32, #tpu.memory_space<vmem>>) semaphore(%arg31 : memref<!tpu.dma_semaphore, #tpu.memory_space<semaphore_mem>>)
      %dma_wait3A_110 = arith.constant 0 : i32
      %dma_wait3A_111 = arith.constant 0 : i32
      %dma_wait3A_112 = tpu.memref_slice %arg2[%dma_wait3A_110, %dma_wait3A_111] : memref<10000x128xf32, #tpu.memory_space<hbm>> -> memref<10000x128xf32, #tpu.memory_space<hbm>>
      tpu.wait_indirect_dma semaphore(%arg28 : memref<!tpu.dma_semaphore, #tpu.memory_space<semaphore_mem>>) src(%dma_wait3A_112 : memref<10000x128xf32, #tpu.memory_space<hbm>>) dst(%arg16 : memref<80x128xf32, #tpu.memory_space<vmem>>)
      %dma_wait3A_113 = arith.constant 0 : i32
      %dma_wait3A_114 = arith.constant 0 : i32
      %dma_wait3A_115 = tpu.memref_slice %arg3[%dma_wait3A_113, %dma_wait3A_114] : memref<10000x128xf32, #tpu.memory_space<hbm>> -> memref<10000x128xf32, #tpu.memory_space<hbm>>
      tpu.wait_indirect_dma semaphore(%arg28 : memref<!tpu.dma_semaphore, #tpu.memory_space<semaphore_mem>>) src(%dma_wait3A_115 : memref<10000x128xf32, #tpu.memory_space<hbm>>) dst(%arg20 : memref<80x128xf32, #tpu.memory_space<vmem>>)
      %dma_start3A_116 = arith.constant 0 : i32
      %dma_start3A_117 = tpu.memref_slice %arg6[%multiple_of3A_29, %dma_start3A_116] : memref<320000x128xf32, #tpu.memory_space<hbm>> -> memref<80x128xf32, #tpu.memory_space<hbm>>
      %dma_start3A_118 = arith.constant 0 : i32
      %dma_start3A_119 = tpu.memref_slice %arg6[%multiple_of3A_29, %dma_start3A_118] : memref<320000x128xf32, #tpu.memory_space<hbm>> -> memref<80x128xf32, #tpu.memory_space<hbm>>
      tpu.enqueue_dma source(%arg16 : memref<80x128xf32, #tpu.memory_space<vmem>>) target(%dma_start3A_119 : memref<80x128xf32, #tpu.memory_space<hbm>>) target_semaphore(%arg32 : memref<!tpu.dma_semaphore, #tpu.memory_space<semaphore_mem>>)
      %dma_start3A_120 = arith.constant 0 : i32
      %dma_start3A_121 = tpu.memref_slice %arg7[%multiple_of3A_29, %dma_start3A_120] : memref<320000x128xf32, #tpu.memory_space<hbm>> -> memref<80x128xf32, #tpu.memory_space<hbm>>
      %dma_start3A_122 = arith.constant 0 : i32
      %dma_start3A_123 = tpu.memref_slice %arg7[%multiple_of3A_29, %dma_start3A_122] : memref<320000x128xf32, #tpu.memory_space<hbm>> -> memref<80x128xf32, #tpu.memory_space<hbm>>
      tpu.enqueue_dma source(%arg20 : memref<80x128xf32, #tpu.memory_space<vmem>>) target(%dma_start3A_123 : memref<80x128xf32, #tpu.memory_space<hbm>>) target_semaphore(%arg32 : memref<!tpu.dma_semaphore, #tpu.memory_space<semaphore_mem>>)
      %dma_wait3A_124 = arith.constant 0 : i32
      %dma_wait3A_125 = arith.constant 0 : i32
      %dma_wait3A_126 = tpu.memref_slice %arg2[%dma_wait3A_124, %dma_wait3A_125] : memref<10000x128xf32, #tpu.memory_space<hbm>> -> memref<10000x128xf32, #tpu.memory_space<hbm>>
      tpu.wait_indirect_dma semaphore(%arg29 : memref<!tpu.dma_semaphore, #tpu.memory_space<semaphore_mem>>) src(%dma_wait3A_126 : memref<10000x128xf32, #tpu.memory_space<hbm>>) dst(%arg17 : memref<80x128xf32, #tpu.memory_space<vmem>>)
      %dma_wait3A_127 = arith.constant 0 : i32
      %dma_wait3A_128 = arith.constant 0 : i32
      %dma_wait3A_129 = tpu.memref_slice %arg3[%dma_wait3A_127, %dma_wait3A_128] : memref<10000x128xf32, #tpu.memory_space<hbm>> -> memref<10000x128xf32, #tpu.memory_space<hbm>>
      tpu.wait_indirect_dma semaphore(%arg29 : memref<!tpu.dma_semaphore, #tpu.memory_space<semaphore_mem>>) src(%dma_wait3A_129 : memref<10000x128xf32, #tpu.memory_space<hbm>>) dst(%arg21 : memref<80x128xf32, #tpu.memory_space<vmem>>)
      %dma_start3A_130 = arith.constant 0 : i32
      %dma_start3A_131 = tpu.memref_slice %arg6[%multiple_of3A_37, %dma_start3A_130] : memref<320000x128xf32, #tpu.memory_space<hbm>> -> memref<80x128xf32, #tpu.memory_space<hbm>>
      %dma_start3A_132 = arith.constant 0 : i32
      %dma_start3A_133 = tpu.memref_slice %arg6[%multiple_of3A_37, %dma_start3A_132] : memref<320000x128xf32, #tpu.memory_space<hbm>> -> memref<80x128xf32, #tpu.memory_space<hbm>>
      tpu.enqueue_dma source(%arg17 : memref<80x128xf32, #tpu.memory_space<vmem>>) target(%dma_start3A_133 : memref<80x128xf32, #tpu.memory_space<hbm>>) target_semaphore(%arg33 : memref<!tpu.dma_semaphore, #tpu.memory_space<semaphore_mem>>)
      %dma_start3A_134 = arith.constant 0 : i32
      %dma_start3A_135 = tpu.memref_slice %arg7[%multiple_of3A_37, %dma_start3A_134] : memref<320000x128xf32, #tpu.memory_space<hbm>> -> memref<80x128xf32, #tpu.memory_space<hbm>>
      %dma_start3A_136 = arith.constant 0 : i32
      %dma_start3A_137 = tpu.memref_slice %arg7[%multiple_of3A_37, %dma_start3A_136] : memref<320000x128xf32, #tpu.memory_space<hbm>> -> memref<80x128xf32, #tpu.memory_space<hbm>>
      tpu.enqueue_dma source(%arg21 : memref<80x128xf32, #tpu.memory_space<vmem>>) target(%dma_start3A_137 : memref<80x128xf32, #tpu.memory_space<hbm>>) target_semaphore(%arg33 : memref<!tpu.dma_semaphore, #tpu.memory_space<semaphore_mem>>)
      %dma_wait3A_138 = arith.constant 0 : i32
      %dma_wait3A_139 = arith.constant 0 : i32
      %dma_wait3A_140 = tpu.memref_slice %arg2[%dma_wait3A_138, %dma_wait3A_139] : memref<10000x128xf32, #tpu.memory_space<hbm>> -> memref<10000x128xf32, #tpu.memory_space<hbm>>
      tpu.wait_indirect_dma semaphore(%arg30 : memref<!tpu.dma_semaphore, #tpu.memory_space<semaphore_mem>>) src(%dma_wait3A_140 : memref<10000x128xf32, #tpu.memory_space<hbm>>) dst(%arg18 : memref<80x128xf32, #tpu.memory_space<vmem>>)
      %dma_wait3A_141 = arith.constant 0 : i32
      %dma_wait3A_142 = arith.constant 0 : i32
      %dma_wait3A_143 = tpu.memref_slice %arg3[%dma_wait3A_141, %dma_wait3A_142] : memref<10000x128xf32, #tpu.memory_space<hbm>> -> memref<10000x128xf32, #tpu.memory_space<hbm>>
      tpu.wait_indirect_dma semaphore(%arg30 : memref<!tpu.dma_semaphore, #tpu.memory_space<semaphore_mem>>) src(%dma_wait3A_143 : memref<10000x128xf32, #tpu.memory_space<hbm>>) dst(%arg22 : memref<80x128xf32, #tpu.memory_space<vmem>>)
      %dma_start3A_144 = arith.constant 0 : i32
      %dma_start3A_145 = tpu.memref_slice %arg6[%multiple_of3A_45, %dma_start3A_144] : memref<320000x128xf32, #tpu.memory_space<hbm>> -> memref<80x128xf32, #tpu.memory_space<hbm>>
      %dma_start3A_146 = arith.constant 0 : i32
      %dma_start3A_147 = tpu.memref_slice %arg6[%multiple_of3A_45, %dma_start3A_146] : memref<320000x128xf32, #tpu.memory_space<hbm>> -> memref<80x128xf32, #tpu.memory_space<hbm>>
      tpu.enqueue_dma source(%arg18 : memref<80x128xf32, #tpu.memory_space<vmem>>) target(%dma_start3A_147 : memref<80x128xf32, #tpu.memory_space<hbm>>) target_semaphore(%arg34 : memref<!tpu.dma_semaphore, #tpu.memory_space<semaphore_mem>>)
      %dma_start3A_148 = arith.constant 0 : i32
      %dma_start3A_149 = tpu.memref_slice %arg7[%multiple_of3A_45, %dma_start3A_148] : memref<320000x128xf32, #tpu.memory_space<hbm>> -> memref<80x128xf32, #tpu.memory_space<hbm>>
      %dma_start3A_150 = arith.constant 0 : i32
      %dma_start3A_151 = tpu.memref_slice %arg7[%multiple_of3A_45, %dma_start3A_150] : memref<320000x128xf32, #tpu.memory_space<hbm>> -> memref<80x128xf32, #tpu.memory_space<hbm>>
      tpu.enqueue_dma source(%arg22 : memref<80x128xf32, #tpu.memory_space<vmem>>) target(%dma_start3A_151 : memref<80x128xf32, #tpu.memory_space<hbm>>) target_semaphore(%arg34 : memref<!tpu.dma_semaphore, #tpu.memory_space<semaphore_mem>>)
      %dma_wait3A_152 = arith.constant 0 : i32
      %dma_wait3A_153 = arith.constant 0 : i32
      %dma_wait3A_154 = tpu.memref_slice %arg2[%dma_wait3A_152, %dma_wait3A_153] : memref<10000x128xf32, #tpu.memory_space<hbm>> -> memref<10000x128xf32, #tpu.memory_space<hbm>>
      tpu.wait_indirect_dma semaphore(%arg31 : memref<!tpu.dma_semaphore, #tpu.memory_space<semaphore_mem>>) src(%dma_wait3A_154 : memref<10000x128xf32, #tpu.memory_space<hbm>>) dst(%arg19 : memref<80x128xf32, #tpu.memory_space<vmem>>)
      %dma_wait3A_155 = arith.constant 0 : i32
      %dma_wait3A_156 = arith.constant 0 : i32
      %dma_wait3A_157 = tpu.memref_slice %arg3[%dma_wait3A_155, %dma_wait3A_156] : memref<10000x128xf32, #tpu.memory_space<hbm>> -> memref<10000x128xf32, #tpu.memory_space<hbm>>
      tpu.wait_indirect_dma semaphore(%arg31 : memref<!tpu.dma_semaphore, #tpu.memory_space<semaphore_mem>>) src(%dma_wait3A_157 : memref<10000x128xf32, #tpu.memory_space<hbm>>) dst(%arg23 : memref<80x128xf32, #tpu.memory_space<vmem>>)
      %dma_start3A_158 = arith.constant 0 : i32
      %dma_start3A_159 = tpu.memref_slice %arg6[%multiple_of3A_53, %dma_start3A_158] : memref<320000x128xf32, #tpu.memory_space<hbm>> -> memref<80x128xf32, #tpu.memory_space<hbm>>
      %dma_start3A_160 = arith.constant 0 : i32
      %dma_start3A_161 = tpu.memref_slice %arg6[%multiple_of3A_53, %dma_start3A_160] : memref<320000x128xf32, #tpu.memory_space<hbm>> -> memref<80x128xf32, #tpu.memory_space<hbm>>
      tpu.enqueue_dma source(%arg19 : memref<80x128xf32, #tpu.memory_space<vmem>>) target(%dma_start3A_161 : memref<80x128xf32, #tpu.memory_space<hbm>>) target_semaphore(%arg35 : memref<!tpu.dma_semaphore, #tpu.memory_space<semaphore_mem>>)
      %dma_start3A_162 = arith.constant 0 : i32
      %dma_start3A_163 = tpu.memref_slice %arg7[%multiple_of3A_53, %dma_start3A_162] : memref<320000x128xf32, #tpu.memory_space<hbm>> -> memref<80x128xf32, #tpu.memory_space<hbm>>
      %dma_start3A_164 = arith.constant 0 : i32
      %dma_start3A_165 = tpu.memref_slice %arg7[%multiple_of3A_53, %dma_start3A_164] : memref<320000x128xf32, #tpu.memory_space<hbm>> -> memref<80x128xf32, #tpu.memory_space<hbm>>
      tpu.enqueue_dma source(%arg23 : memref<80x128xf32, #tpu.memory_space<vmem>>) target(%dma_start3A_165 : memref<80x128xf32, #tpu.memory_space<hbm>>) target_semaphore(%arg35 : memref<!tpu.dma_semaphore, #tpu.memory_space<semaphore_mem>>)
      %dma_wait3A_166 = arith.constant 0 : i32
      %dma_wait3A_167 = tpu.memref_slice %arg6[%multiple_of3A_29, %dma_wait3A_166] : memref<320000x128xf32, #tpu.memory_space<hbm>> -> memref<80x128xf32, #tpu.memory_space<hbm>>
      %dma_wait3A_168 = arith.constant 0 : i32
      %dma_wait3A_169 = tpu.memref_slice %arg6[%multiple_of3A_29, %dma_wait3A_168] : memref<320000x128xf32, #tpu.memory_space<hbm>> -> memref<80x128xf32, #tpu.memory_space<hbm>>
      tpu.wait_dma2 semaphore(%arg32 : memref<!tpu.dma_semaphore, #tpu.memory_space<semaphore_mem>>) src(%arg16 : memref<80x128xf32, #tpu.memory_space<vmem>>) dst(%dma_wait3A_169 : memref<80x128xf32, #tpu.memory_space<hbm>>)
      %dma_wait3A_170 = arith.constant 0 : i32
      %dma_wait3A_171 = tpu.memref_slice %arg7[%multiple_of3A_29, %dma_wait3A_170] : memref<320000x128xf32, #tpu.memory_space<hbm>> -> memref<80x128xf32, #tpu.memory_space<hbm>>
      %dma_wait3A_172 = arith.constant 0 : i32
      %dma_wait3A_173 = tpu.memref_slice %arg7[%multiple_of3A_29, %dma_wait3A_172] : memref<320000x128xf32, #tpu.memory_space<hbm>> -> memref<80x128xf32, #tpu.memory_space<hbm>>
      tpu.wait_dma2 semaphore(%arg32 : memref<!tpu.dma_semaphore, #tpu.memory_space<semaphore_mem>>) src(%arg20 : memref<80x128xf32, #tpu.memory_space<vmem>>) dst(%dma_wait3A_173 : memref<80x128xf32, #tpu.memory_space<hbm>>)
      %dma_wait3A_174 = arith.constant 0 : i32
      %dma_wait3A_175 = tpu.memref_slice %arg6[%multiple_of3A_37, %dma_wait3A_174] : memref<320000x128xf32, #tpu.memory_space<hbm>> -> memref<80x128xf32, #tpu.memory_space<hbm>>
      %dma_wait3A_176 = arith.constant 0 : i32
      %dma_wait3A_177 = tpu.memref_slice %arg6[%multiple_of3A_37, %dma_wait3A_176] : memref<320000x128xf32, #tpu.memory_space<hbm>> -> memref<80x128xf32, #tpu.memory_space<hbm>>
      tpu.wait_dma2 semaphore(%arg33 : memref<!tpu.dma_semaphore, #tpu.memory_space<semaphore_mem>>) src(%arg17 : memref<80x128xf32, #tpu.memory_space<vmem>>) dst(%dma_wait3A_177 : memref<80x128xf32, #tpu.memory_space<hbm>>)
      %dma_wait3A_178 = arith.constant 0 : i32
      %dma_wait3A_179 = tpu.memref_slice %arg7[%multiple_of3A_37, %dma_wait3A_178] : memref<320000x128xf32, #tpu.memory_space<hbm>> -> memref<80x128xf32, #tpu.memory_space<hbm>>
      %dma_wait3A_180 = arith.constant 0 : i32
      %dma_wait3A_181 = tpu.memref_slice %arg7[%multiple_of3A_37, %dma_wait3A_180] : memref<320000x128xf32, #tpu.memory_space<hbm>> -> memref<80x128xf32, #tpu.memory_space<hbm>>
      tpu.wait_dma2 semaphore(%arg33 : memref<!tpu.dma_semaphore, #tpu.memory_space<semaphore_mem>>) src(%arg21 : memref<80x128xf32, #tpu.memory_space<vmem>>) dst(%dma_wait3A_181 : memref<80x128xf32, #tpu.memory_space<hbm>>)
      %dma_wait3A_182 = arith.constant 0 : i32
      %dma_wait3A_183 = tpu.memref_slice %arg6[%multiple_of3A_45, %dma_wait3A_182] : memref<320000x128xf32, #tpu.memory_space<hbm>> -> memref<80x128xf32, #tpu.memory_space<hbm>>
      %dma_wait3A_184 = arith.constant 0 : i32
      %dma_wait3A_185 = tpu.memref_slice %arg6[%multiple_of3A_45, %dma_wait3A_184] : memref<320000x128xf32, #tpu.memory_space<hbm>> -> memref<80x128xf32, #tpu.memory_space<hbm>>
      tpu.wait_dma2 semaphore(%arg34 : memref<!tpu.dma_semaphore, #tpu.memory_space<semaphore_mem>>) src(%arg18 : memref<80x128xf32, #tpu.memory_space<vmem>>) dst(%dma_wait3A_185 : memref<80x128xf32, #tpu.memory_space<hbm>>)
      %dma_wait3A_186 = arith.constant 0 : i32
      %dma_wait3A_187 = tpu.memref_slice %arg7[%multiple_of3A_45, %dma_wait3A_186] : memref<320000x128xf32, #tpu.memory_space<hbm>> -> memref<80x128xf32, #tpu.memory_space<hbm>>
      %dma_wait3A_188 = arith.constant 0 : i32
      %dma_wait3A_189 = tpu.memref_slice %arg7[%multiple_of3A_45, %dma_wait3A_188] : memref<320000x128xf32, #tpu.memory_space<hbm>> -> memref<80x128xf32, #tpu.memory_space<hbm>>
      tpu.wait_dma2 semaphore(%arg34 : memref<!tpu.dma_semaphore, #tpu.memory_space<semaphore_mem>>) src(%arg22 : memref<80x128xf32, #tpu.memory_space<vmem>>) dst(%dma_wait3A_189 : memref<80x128xf32, #tpu.memory_space<hbm>>)
      %dma_wait3A_190 = arith.constant 0 : i32
      %dma_wait3A_191 = tpu.memref_slice %arg6[%multiple_of3A_53, %dma_wait3A_190] : memref<320000x128xf32, #tpu.memory_space<hbm>> -> memref<80x128xf32, #tpu.memory_space<hbm>>
      %dma_wait3A_192 = arith.constant 0 : i32
      %dma_wait3A_193 = tpu.memref_slice %arg6[%multiple_of3A_53, %dma_wait3A_192] : memref<320000x128xf32, #tpu.memory_space<hbm>> -> memref<80x128xf32, #tpu.memory_space<hbm>>
      tpu.wait_dma2 semaphore(%arg35 : memref<!tpu.dma_semaphore, #tpu.memory_space<semaphore_mem>>) src(%arg19 : memref<80x128xf32, #tpu.memory_space<vmem>>) dst(%dma_wait3A_193 : memref<80x128xf32, #tpu.memory_space<hbm>>)
      %dma_wait3A_194 = arith.constant 0 : i32
      %dma_wait3A_195 = tpu.memref_slice %arg7[%multiple_of3A_53, %dma_wait3A_194] : memref<320000x128xf32, #tpu.memory_space<hbm>> -> memref<80x128xf32, #tpu.memory_space<hbm>>
      %dma_wait3A_196 = arith.constant 0 : i32
      %dma_wait3A_197 = tpu.memref_slice %arg7[%multiple_of3A_53, %dma_wait3A_196] : memref<320000x128xf32, #tpu.memory_space<hbm>> -> memref<80x128xf32, #tpu.memory_space<hbm>>
      tpu.wait_dma2 semaphore(%arg35 : memref<!tpu.dma_semaphore, #tpu.memory_space<semaphore_mem>>) src(%arg23 : memref<80x128xf32, #tpu.memory_space<vmem>>) dst(%dma_wait3A_197 : memref<80x128xf32, #tpu.memory_space<hbm>>)
    }
    %scan3A_7 = arith.constant 31 : i32
    %add3A_8 = arith.constant 9920 : i32
    %add3A_9 = arith.addi %multiple_of3A, %add3A_8 : i32
    %multiple_of3A_10 = tpu.assume_multiple %add3A_9, 8 : i32
    "tpu.region"() ({
      %run_scoped3A = tpu.sem_alloc : memref<!tpu.dma_semaphore, #tpu.memory_space<semaphore_mem>>
      %dma_start3A_21 = tpu.memref_slice %arg4[%multiple_of3A_10] : memref<320000xi32, #tpu.memory_space<hbm>> -> memref<80xi32, #tpu.memory_space<hbm>>
      %dma_start3A_22 = tpu.memref_slice %arg4[%multiple_of3A_10] : memref<320000xi32, #tpu.memory_space<hbm>> -> memref<80xi32, #tpu.memory_space<hbm>>
      tpu.enqueue_dma source(%dma_start3A_22 : memref<80xi32, #tpu.memory_space<hbm>>) target(%arg8 : memref<80xi32, #tpu.memory_space<vmem>>) target_semaphore(%run_scoped3A : memref<!tpu.dma_semaphore, #tpu.memory_space<semaphore_mem>>)
      %dma_wait3A_23 = tpu.memref_slice %arg4[%multiple_of3A_10] : memref<320000xi32, #tpu.memory_space<hbm>> -> memref<80xi32, #tpu.memory_space<hbm>>
      %dma_wait3A_24 = tpu.memref_slice %arg4[%multiple_of3A_10] : memref<320000xi32, #tpu.memory_space<hbm>> -> memref<80xi32, #tpu.memory_space<hbm>>
      tpu.wait_dma2 semaphore(%run_scoped3A : memref<!tpu.dma_semaphore, #tpu.memory_space<semaphore_mem>>) src(%dma_wait3A_24 : memref<80xi32, #tpu.memory_space<hbm>>) dst(%arg8 : memref<80xi32, #tpu.memory_space<vmem>>)
      tpu.yield
    }) : () -> ()
    "tpu.region"() ({
      %run_scoped3A = tpu.sem_alloc : memref<!tpu.dma_semaphore, #tpu.memory_space<semaphore_mem>>
      %dma_start3A_21 = tpu.memref_slice %arg5[%multiple_of3A_10] : memref<320000xi32, #tpu.memory_space<hbm>> -> memref<80xi32, #tpu.memory_space<hbm>>
      %dma_start3A_22 = tpu.memref_slice %arg5[%multiple_of3A_10] : memref<320000xi32, #tpu.memory_space<hbm>> -> memref<80xi32, #tpu.memory_space<hbm>>
      tpu.enqueue_dma source(%dma_start3A_22 : memref<80xi32, #tpu.memory_space<hbm>>) target(%arg12 : memref<80xi32, #tpu.memory_space<vmem>>) target_semaphore(%run_scoped3A : memref<!tpu.dma_semaphore, #tpu.memory_space<semaphore_mem>>)
      %dma_wait3A_23 = tpu.memref_slice %arg5[%multiple_of3A_10] : memref<320000xi32, #tpu.memory_space<hbm>> -> memref<80xi32, #tpu.memory_space<hbm>>
      %dma_wait3A_24 = tpu.memref_slice %arg5[%multiple_of3A_10] : memref<320000xi32, #tpu.memory_space<hbm>> -> memref<80xi32, #tpu.memory_space<hbm>>
      tpu.wait_dma2 semaphore(%run_scoped3A : memref<!tpu.dma_semaphore, #tpu.memory_space<semaphore_mem>>) src(%dma_wait3A_24 : memref<80xi32, #tpu.memory_space<hbm>>) dst(%arg12 : memref<80xi32, #tpu.memory_space<vmem>>)
      tpu.yield
    }) : () -> ()
    %dma_start3A = arith.constant 0 : i32
    %dma_start3A_11 = arith.constant 0 : i32
    %dma_start3A_12 = tpu.memref_slice %arg2[%dma_start3A, %dma_start3A_11] : memref<10000x128xf32, #tpu.memory_space<hbm>> -> memref<10000x128xf32, #tpu.memory_space<hbm>>
    tpu.enqueue_indirect_dma source(%dma_start3A_12 : memref<10000x128xf32, #tpu.memory_space<hbm>>) target(%arg16 : memref<80x128xf32, #tpu.memory_space<vmem>>) offsets(%arg8 : memref<80xi32, #tpu.memory_space<vmem>>) semaphore(%arg28 : memref<!tpu.dma_semaphore, #tpu.memory_space<semaphore_mem>>)
    %dma_start3A_13 = arith.constant 0 : i32
    %dma_start3A_14 = arith.constant 0 : i32
    %dma_start3A_15 = tpu.memref_slice %arg3[%dma_start3A_13, %dma_start3A_14] : memref<10000x128xf32, #tpu.memory_space<hbm>> -> memref<10000x128xf32, #tpu.memory_space<hbm>>
    tpu.enqueue_indirect_dma source(%dma_start3A_15 : memref<10000x128xf32, #tpu.memory_space<hbm>>) target(%arg20 : memref<80x128xf32, #tpu.memory_space<vmem>>) offsets(%arg12 : memref<80xi32, #tpu.memory_space<vmem>>) semaphore(%arg29 : memref<!tpu.dma_semaphore, #tpu.memory_space<semaphore_mem>>)
    %dma_wait3A = arith.constant 0 : i32
    %dma_wait3A_16 = arith.constant 0 : i32
    %dma_wait3A_17 = tpu.memref_slice %arg2[%dma_wait3A, %dma_wait3A_16] : memref<10000x128xf32, #tpu.memory_space<hbm>> -> memref<10000x128xf32, #tpu.memory_space<hbm>>
    tpu.wait_indirect_dma semaphore(%arg28 : memref<!tpu.dma_semaphore, #tpu.memory_space<semaphore_mem>>) src(%dma_wait3A_17 : memref<10000x128xf32, #tpu.memory_space<hbm>>) dst(%arg16 : memref<80x128xf32, #tpu.memory_space<vmem>>)
    %dma_wait3A_18 = arith.constant 0 : i32
    %dma_wait3A_19 = arith.constant 0 : i32
    %dma_wait3A_20 = tpu.memref_slice %arg3[%dma_wait3A_18, %dma_wait3A_19] : memref<10000x128xf32, #tpu.memory_space<hbm>> -> memref<10000x128xf32, #tpu.memory_space<hbm>>
    tpu.wait_indirect_dma semaphore(%arg29 : memref<!tpu.dma_semaphore, #tpu.memory_space<semaphore_mem>>) src(%dma_wait3A_20 : memref<10000x128xf32, #tpu.memory_space<hbm>>) dst(%arg20 : memref<80x128xf32, #tpu.memory_space<vmem>>)
    "tpu.region"() ({
      %run_scoped3A = tpu.sem_alloc : memref<!tpu.dma_semaphore, #tpu.memory_space<semaphore_mem>>
      %dma_start3A_21 = arith.constant 0 : i32
      %dma_start3A_22 = tpu.memref_slice %arg6[%multiple_of3A_10, %dma_start3A_21] : memref<320000x128xf32, #tpu.memory_space<hbm>> -> memref<80x128xf32, #tpu.memory_space<hbm>>
      %dma_start3A_23 = arith.constant 0 : i32
      %dma_start3A_24 = tpu.memref_slice %arg6[%multiple_of3A_10, %dma_start3A_23] : memref<320000x128xf32, #tpu.memory_space<hbm>> -> memref<80x128xf32, #tpu.memory_space<hbm>>
      tpu.enqueue_dma source(%arg16 : memref<80x128xf32, #tpu.memory_space<vmem>>) target(%dma_start3A_24 : memref<80x128xf32, #tpu.memory_space<hbm>>) target_semaphore(%run_scoped3A : memref<!tpu.dma_semaphore, #tpu.memory_space<semaphore_mem>>)
      %dma_wait3A_25 = arith.constant 0 : i32
      %dma_wait3A_26 = tpu.memref_slice %arg6[%multiple_of3A_10, %dma_wait3A_25] : memref<320000x128xf32, #tpu.memory_space<hbm>> -> memref<80x128xf32, #tpu.memory_space<hbm>>
      %dma_wait3A_27 = arith.constant 0 : i32
      %dma_wait3A_28 = tpu.memref_slice %arg6[%multiple_of3A_10, %dma_wait3A_27] : memref<320000x128xf32, #tpu.memory_space<hbm>> -> memref<80x128xf32, #tpu.memory_space<hbm>>
      tpu.wait_dma2 semaphore(%run_scoped3A : memref<!tpu.dma_semaphore, #tpu.memory_space<semaphore_mem>>) src(%arg16 : memref<80x128xf32, #tpu.memory_space<vmem>>) dst(%dma_wait3A_28 : memref<80x128xf32, #tpu.memory_space<hbm>>)
      tpu.yield
    }) : () -> ()
    "tpu.region"() ({
      %run_scoped3A = tpu.sem_alloc : memref<!tpu.dma_semaphore, #tpu.memory_space<semaphore_mem>>
      %dma_start3A_21 = arith.constant 0 : i32
      %dma_start3A_22 = tpu.memref_slice %arg7[%multiple_of3A_10, %dma_start3A_21] : memref<320000x128xf32, #tpu.memory_space<hbm>> -> memref<80x128xf32, #tpu.memory_space<hbm>>
      %dma_start3A_23 = arith.constant 0 : i32
      %dma_start3A_24 = tpu.memref_slice %arg7[%multiple_of3A_10, %dma_start3A_23] : memref<320000x128xf32, #tpu.memory_space<hbm>> -> memref<80x128xf32, #tpu.memory_space<hbm>>
      tpu.enqueue_dma source(%arg20 : memref<80x128xf32, #tpu.memory_space<vmem>>) target(%dma_start3A_24 : memref<80x128xf32, #tpu.memory_space<hbm>>) target_semaphore(%run_scoped3A : memref<!tpu.dma_semaphore, #tpu.memory_space<semaphore_mem>>)
      %dma_wait3A_25 = arith.constant 0 : i32
      %dma_wait3A_26 = tpu.memref_slice %arg7[%multiple_of3A_10, %dma_wait3A_25] : memref<320000x128xf32, #tpu.memory_space<hbm>> -> memref<80x128xf32, #tpu.memory_space<hbm>>
      %dma_wait3A_27 = arith.constant 0 : i32
      %dma_wait3A_28 = tpu.memref_slice %arg7[%multiple_of3A_10, %dma_wait3A_27] : memref<320000x128xf32, #tpu.memory_space<hbm>> -> memref<80x128xf32, #tpu.memory_space<hbm>>
      tpu.wait_dma2 semaphore(%run_scoped3A : memref<!tpu.dma_semaphore, #tpu.memory_space<semaphore_mem>>) src(%arg20 : memref<80x128xf32, #tpu.memory_space<vmem>>) dst(%dma_wait3A_28 : memref<80x128xf32, #tpu.memory_space<hbm>>)
      tpu.yield
    }) : () -> ()
    return
  }
}

#map = affine_map<(d0, d1) -> (0, 0)>
#map1 = affine_map<(d0, d1) -> (0)>
#map2 = affine_map<(d0, d1) -> (0, 0, 0)>
module attributes {stable_mosaic.version = 14 : i64} {
  func.func @k(%arg0: i32, %arg1: i32, %arg2: memref<320000x128xf32, #tpu.memory_space<hbm>>, %arg3: memref<320000xi32, #tpu.memory_space<hbm>>, %arg4: memref<80x128xf32, #tpu.memory_space<hbm>>, %arg5: memref<10240xf32, #tpu.memory_space<hbm>>, %arg6: memref<2x5120x128xf32, #tpu.memory_space<hbm>>, %arg7: memref<163840xf32, #tpu.memory_space<hbm>>, %arg8: memref<80xi32, #tpu.memory_space<vmem>>, %arg9: memref<80xi32, #tpu.memory_space<vmem>>, %arg10: memref<80xi32, #tpu.memory_space<vmem>>, %arg11: memref<80x128xf32, #tpu.memory_space<vmem>>, %arg12: memref<80x128xf32, #tpu.memory_space<vmem>>, %arg13: memref<80x128xf32, #tpu.memory_space<vmem>>, %arg14: memref<10240xf32, #tpu.memory_space<vmem>>, %arg15: memref<!tpu.dma_semaphore, #tpu.memory_space<semaphore_mem>>, %arg16: memref<!tpu.dma_semaphore, #tpu.memory_space<semaphore_mem>>, %arg17: memref<!tpu.dma_semaphore, #tpu.memory_space<semaphore_mem>>, %arg18: memref<!tpu.dma_semaphore, #tpu.memory_space<semaphore_mem>>, %arg19: memref<!tpu.dma_semaphore, #tpu.memory_space<semaphore_mem>>, %arg20: memref<!tpu.dma_semaphore, #tpu.memory_space<semaphore_mem>>, %arg21: memref<5128x128xf32, #tpu.memory_space<vmem_shared>>) attributes {dimension_semantics = [#tpu.dimension_semantics<core_parallel>, #tpu.dimension_semantics<subcore_parallel>], iteration_bounds = array<i64: 2, 16>, scalar_prefetch = 0 : i64, scratch_operands = 14 : i64, tpu.core_type = #tpu.core_type<sc_vector_subcore>, window_params = [{transform_indices = #map}, {transform_indices = #map1}, {transform_indices = #map}, {transform_indices = #map1}, {transform_indices = #map2}, {transform_indices = #map1}]} {
    %mul3A = arith.constant 20000 : i32
    %mul3A_0 = arith.muli %arg1, %mul3A : i32
    %multiple_of3A = tpu.assume_multiple %mul3A_0, 8 : i32
    %mul3A_1 = arith.constant 320 : i32
    %mul3A_2 = arith.muli %arg1, %mul3A_1 : i32
    %multiple_of3A_3 = tpu.assume_multiple %mul3A_2, 8 : i32
    %mul3A_4 = arith.constant 5120 : i32
    %mul3A_5 = arith.muli %arg0, %mul3A_4 : i32
    "tpu.region"() ({
      %run_scoped3A = tpu.sem_alloc : memref<!tpu.dma_semaphore, #tpu.memory_space<semaphore_mem>>
      tpu.enqueue_dma source(%arg4 : memref<80x128xf32, #tpu.memory_space<hbm>>) target(%arg11 : memref<80x128xf32, #tpu.memory_space<vmem>>) target_semaphore(%run_scoped3A : memref<!tpu.dma_semaphore, #tpu.memory_space<semaphore_mem>>)
      tpu.wait_dma2 semaphore(%run_scoped3A : memref<!tpu.dma_semaphore, #tpu.memory_space<semaphore_mem>>) src(%arg4 : memref<80x128xf32, #tpu.memory_space<hbm>>) dst(%arg11 : memref<80x128xf32, #tpu.memory_space<vmem>>)
      tpu.yield
    }) : () -> ()
    %add3A = arith.constant 0 : i32
    %add3A_6 = arith.addi %multiple_of3A_3, %add3A : i32
    "tpu.region"() ({
      %run_scoped3A = tpu.sem_alloc : memref<!tpu.dma_semaphore, #tpu.memory_space<semaphore_mem>>
      %dma_start3A = arith.constant 0 : i32
      %dma_start3A_136 = tpu.memref_slice %arg21[%add3A_6, %dma_start3A] : memref<5128x128xf32, #tpu.memory_space<vmem_shared>> -> memref<80x128xf32, #tpu.memory_space<vmem_shared>>
      %dma_start3A_137 = arith.constant 0 : i32
      %dma_start3A_138 = tpu.memref_slice %arg21[%add3A_6, %dma_start3A_137] : memref<5128x128xf32, #tpu.memory_space<vmem_shared>> -> memref<80x128xf32, #tpu.memory_space<vmem_shared>>
      tpu.enqueue_dma source(%arg11 : memref<80x128xf32, #tpu.memory_space<vmem>>) target(%dma_start3A_138 : memref<80x128xf32, #tpu.memory_space<vmem_shared>>) target_semaphore(%run_scoped3A : memref<!tpu.dma_semaphore, #tpu.memory_space<semaphore_mem>>)
      %dma_wait3A = arith.constant 0 : i32
      %dma_wait3A_139 = tpu.memref_slice %arg21[%add3A_6, %dma_wait3A] : memref<5128x128xf32, #tpu.memory_space<vmem_shared>> -> memref<80x128xf32, #tpu.memory_space<vmem_shared>>
      %dma_wait3A_140 = arith.constant 0 : i32
      %dma_wait3A_141 = tpu.memref_slice %arg21[%add3A_6, %dma_wait3A_140] : memref<5128x128xf32, #tpu.memory_space<vmem_shared>> -> memref<80x128xf32, #tpu.memory_space<vmem_shared>>
      tpu.wait_dma2 semaphore(%run_scoped3A : memref<!tpu.dma_semaphore, #tpu.memory_space<semaphore_mem>>) src(%arg11 : memref<80x128xf32, #tpu.memory_space<vmem>>) dst(%dma_wait3A_141 : memref<80x128xf32, #tpu.memory_space<vmem_shared>>)
      tpu.yield
    }) : () -> ()
    %add3A_7 = arith.constant 80 : i32
    %add3A_8 = arith.addi %multiple_of3A_3, %add3A_7 : i32
    "tpu.region"() ({
      %run_scoped3A = tpu.sem_alloc : memref<!tpu.dma_semaphore, #tpu.memory_space<semaphore_mem>>
      %dma_start3A = arith.constant 0 : i32
      %dma_start3A_136 = tpu.memref_slice %arg21[%add3A_8, %dma_start3A] : memref<5128x128xf32, #tpu.memory_space<vmem_shared>> -> memref<80x128xf32, #tpu.memory_space<vmem_shared>>
      %dma_start3A_137 = arith.constant 0 : i32
      %dma_start3A_138 = tpu.memref_slice %arg21[%add3A_8, %dma_start3A_137] : memref<5128x128xf32, #tpu.memory_space<vmem_shared>> -> memref<80x128xf32, #tpu.memory_space<vmem_shared>>
      tpu.enqueue_dma source(%arg11 : memref<80x128xf32, #tpu.memory_space<vmem>>) target(%dma_start3A_138 : memref<80x128xf32, #tpu.memory_space<vmem_shared>>) target_semaphore(%run_scoped3A : memref<!tpu.dma_semaphore, #tpu.memory_space<semaphore_mem>>)
      %dma_wait3A = arith.constant 0 : i32
      %dma_wait3A_139 = tpu.memref_slice %arg21[%add3A_8, %dma_wait3A] : memref<5128x128xf32, #tpu.memory_space<vmem_shared>> -> memref<80x128xf32, #tpu.memory_space<vmem_shared>>
      %dma_wait3A_140 = arith.constant 0 : i32
      %dma_wait3A_141 = tpu.memref_slice %arg21[%add3A_8, %dma_wait3A_140] : memref<5128x128xf32, #tpu.memory_space<vmem_shared>> -> memref<80x128xf32, #tpu.memory_space<vmem_shared>>
      tpu.wait_dma2 semaphore(%run_scoped3A : memref<!tpu.dma_semaphore, #tpu.memory_space<semaphore_mem>>) src(%arg11 : memref<80x128xf32, #tpu.memory_space<vmem>>) dst(%dma_wait3A_141 : memref<80x128xf32, #tpu.memory_space<vmem_shared>>)
      tpu.yield
    }) : () -> ()
    %add3A_9 = arith.constant 160 : i32
    %add3A_10 = arith.addi %multiple_of3A_3, %add3A_9 : i32
    "tpu.region"() ({
      %run_scoped3A = tpu.sem_alloc : memref<!tpu.dma_semaphore, #tpu.memory_space<semaphore_mem>>
      %dma_start3A = arith.constant 0 : i32
      %dma_start3A_136 = tpu.memref_slice %arg21[%add3A_10, %dma_start3A] : memref<5128x128xf32, #tpu.memory_space<vmem_shared>> -> memref<80x128xf32, #tpu.memory_space<vmem_shared>>
      %dma_start3A_137 = arith.constant 0 : i32
      %dma_start3A_138 = tpu.memref_slice %arg21[%add3A_10, %dma_start3A_137] : memref<5128x128xf32, #tpu.memory_space<vmem_shared>> -> memref<80x128xf32, #tpu.memory_space<vmem_shared>>
      tpu.enqueue_dma source(%arg11 : memref<80x128xf32, #tpu.memory_space<vmem>>) target(%dma_start3A_138 : memref<80x128xf32, #tpu.memory_space<vmem_shared>>) target_semaphore(%run_scoped3A : memref<!tpu.dma_semaphore, #tpu.memory_space<semaphore_mem>>)
      %dma_wait3A = arith.constant 0 : i32
      %dma_wait3A_139 = tpu.memref_slice %arg21[%add3A_10, %dma_wait3A] : memref<5128x128xf32, #tpu.memory_space<vmem_shared>> -> memref<80x128xf32, #tpu.memory_space<vmem_shared>>
      %dma_wait3A_140 = arith.constant 0 : i32
      %dma_wait3A_141 = tpu.memref_slice %arg21[%add3A_10, %dma_wait3A_140] : memref<5128x128xf32, #tpu.memory_space<vmem_shared>> -> memref<80x128xf32, #tpu.memory_space<vmem_shared>>
      tpu.wait_dma2 semaphore(%run_scoped3A : memref<!tpu.dma_semaphore, #tpu.memory_space<semaphore_mem>>) src(%arg11 : memref<80x128xf32, #tpu.memory_space<vmem>>) dst(%dma_wait3A_141 : memref<80x128xf32, #tpu.memory_space<vmem_shared>>)
      tpu.yield
    }) : () -> ()
    %add3A_11 = arith.constant 240 : i32
    %add3A_12 = arith.addi %multiple_of3A_3, %add3A_11 : i32
    "tpu.region"() ({
      %run_scoped3A = tpu.sem_alloc : memref<!tpu.dma_semaphore, #tpu.memory_space<semaphore_mem>>
      %dma_start3A = arith.constant 0 : i32
      %dma_start3A_136 = tpu.memref_slice %arg21[%add3A_12, %dma_start3A] : memref<5128x128xf32, #tpu.memory_space<vmem_shared>> -> memref<80x128xf32, #tpu.memory_space<vmem_shared>>
      %dma_start3A_137 = arith.constant 0 : i32
      %dma_start3A_138 = tpu.memref_slice %arg21[%add3A_12, %dma_start3A_137] : memref<5128x128xf32, #tpu.memory_space<vmem_shared>> -> memref<80x128xf32, #tpu.memory_space<vmem_shared>>
      tpu.enqueue_dma source(%arg11 : memref<80x128xf32, #tpu.memory_space<vmem>>) target(%dma_start3A_138 : memref<80x128xf32, #tpu.memory_space<vmem_shared>>) target_semaphore(%run_scoped3A : memref<!tpu.dma_semaphore, #tpu.memory_space<semaphore_mem>>)
      %dma_wait3A = arith.constant 0 : i32
      %dma_wait3A_139 = tpu.memref_slice %arg21[%add3A_12, %dma_wait3A] : memref<5128x128xf32, #tpu.memory_space<vmem_shared>> -> memref<80x128xf32, #tpu.memory_space<vmem_shared>>
      %dma_wait3A_140 = arith.constant 0 : i32
      %dma_wait3A_141 = tpu.memref_slice %arg21[%add3A_12, %dma_wait3A_140] : memref<5128x128xf32, #tpu.memory_space<vmem_shared>> -> memref<80x128xf32, #tpu.memory_space<vmem_shared>>
      tpu.wait_dma2 semaphore(%run_scoped3A : memref<!tpu.dma_semaphore, #tpu.memory_space<semaphore_mem>>) src(%arg11 : memref<80x128xf32, #tpu.memory_space<vmem>>) dst(%dma_wait3A_141 : memref<80x128xf32, #tpu.memory_space<vmem_shared>>)
      tpu.yield
    }) : () -> ()
    "tpu.region"() ({
      %run_scoped3A = tpu.sem_alloc : memref<!tpu.dma_semaphore, #tpu.memory_space<semaphore_mem>>
      tpu.enqueue_dma source(%arg5 : memref<10240xf32, #tpu.memory_space<hbm>>) target(%arg14 : memref<10240xf32, #tpu.memory_space<vmem>>) target_semaphore(%run_scoped3A : memref<!tpu.dma_semaphore, #tpu.memory_space<semaphore_mem>>)
      tpu.wait_dma2 semaphore(%run_scoped3A : memref<!tpu.dma_semaphore, #tpu.memory_space<semaphore_mem>>) src(%arg5 : memref<10240xf32, #tpu.memory_space<hbm>>) dst(%arg14 : memref<10240xf32, #tpu.memory_space<vmem>>)
      tpu.yield
    }) : () -> ()
    %barrier3A = arith.constant 0 : index
    tpu.barrier barrier_id(%barrier3A)
    %scan3A = arith.constant 0 : i32
    %scan3A_13 = arith.constant 0 : i32
    %scan3A_14 = arith.constant 83 : i32
    %scan3A_15 = arith.addi %scan3A_13, %scan3A_14 : i32
    %scan3A_16 = arith.constant 1 : i32
    scf.for %scan3A_136 = %scan3A_13 to %scan3A_15 step %scan3A_16  : i32 {
      %mul3A_137 = arith.constant 3 : i32
      %mul3A_138 = arith.muli %mul3A_137, %scan3A_136 : i32
      %add3A_139 = arith.constant 0 : i32
      %add3A_140 = arith.addi %mul3A_138, %add3A_139 : i32
      %mul3A_141 = arith.constant 80 : i32
      %mul3A_142 = arith.muli %add3A_140, %mul3A_141 : i32
      %add3A_143 = arith.addi %multiple_of3A, %mul3A_142 : i32
      %multiple_of3A_144 = tpu.assume_multiple %add3A_143, 8 : i32
      %mul3A_145 = arith.constant 3 : i32
      %mul3A_146 = arith.muli %mul3A_145, %scan3A_136 : i32
      %add3A_147 = arith.constant 1 : i32
      %add3A_148 = arith.addi %mul3A_146, %add3A_147 : i32
      %mul3A_149 = arith.constant 80 : i32
      %mul3A_150 = arith.muli %add3A_148, %mul3A_149 : i32
      %add3A_151 = arith.addi %multiple_of3A, %mul3A_150 : i32
      %multiple_of3A_152 = tpu.assume_multiple %add3A_151, 8 : i32
      %mul3A_153 = arith.constant 3 : i32
      %mul3A_154 = arith.muli %mul3A_153, %scan3A_136 : i32
      %add3A_155 = arith.constant 2 : i32
      %add3A_156 = arith.addi %mul3A_154, %add3A_155 : i32
      %mul3A_157 = arith.constant 80 : i32
      %mul3A_158 = arith.muli %add3A_156, %mul3A_157 : i32
      %add3A_159 = arith.addi %multiple_of3A, %mul3A_158 : i32
      %multiple_of3A_160 = tpu.assume_multiple %add3A_159, 8 : i32
      %dma_start3A = tpu.memref_slice %arg3[%multiple_of3A_144] : memref<320000xi32, #tpu.memory_space<hbm>> -> memref<80xi32, #tpu.memory_space<hbm>>
      %dma_start3A_161 = tpu.memref_slice %arg3[%multiple_of3A_144] : memref<320000xi32, #tpu.memory_space<hbm>> -> memref<80xi32, #tpu.memory_space<hbm>>
      tpu.enqueue_dma source(%dma_start3A_161 : memref<80xi32, #tpu.memory_space<hbm>>) target(%arg8 : memref<80xi32, #tpu.memory_space<vmem>>) target_semaphore(%arg15 : memref<!tpu.dma_semaphore, #tpu.memory_space<semaphore_mem>>)
      %dma_start3A_162 = arith.constant 0 : i32
      %dma_start3A_163 = tpu.memref_slice %arg2[%multiple_of3A_144, %dma_start3A_162] : memref<320000x128xf32, #tpu.memory_space<hbm>> -> memref<80x128xf32, #tpu.memory_space<hbm>>
      %dma_start3A_164 = arith.constant 0 : i32
      %dma_start3A_165 = tpu.memref_slice %arg2[%multiple_of3A_144, %dma_start3A_164] : memref<320000x128xf32, #tpu.memory_space<hbm>> -> memref<80x128xf32, #tpu.memory_space<hbm>>
      tpu.enqueue_dma source(%dma_start3A_165 : memref<80x128xf32, #tpu.memory_space<hbm>>) target(%arg11 : memref<80x128xf32, #tpu.memory_space<vmem>>) target_semaphore(%arg18 : memref<!tpu.dma_semaphore, #tpu.memory_space<semaphore_mem>>)
      %dma_start3A_166 = tpu.memref_slice %arg3[%multiple_of3A_152] : memref<320000xi32, #tpu.memory_space<hbm>> -> memref<80xi32, #tpu.memory_space<hbm>>
      %dma_start3A_167 = tpu.memref_slice %arg3[%multiple_of3A_152] : memref<320000xi32, #tpu.memory_space<hbm>> -> memref<80xi32, #tpu.memory_space<hbm>>
      tpu.enqueue_dma source(%dma_start3A_167 : memref<80xi32, #tpu.memory_space<hbm>>) target(%arg9 : memref<80xi32, #tpu.memory_space<vmem>>) target_semaphore(%arg16 : memref<!tpu.dma_semaphore, #tpu.memory_space<semaphore_mem>>)
      %dma_start3A_168 = arith.constant 0 : i32
      %dma_start3A_169 = tpu.memref_slice %arg2[%multiple_of3A_152, %dma_start3A_168] : memref<320000x128xf32, #tpu.memory_space<hbm>> -> memref<80x128xf32, #tpu.memory_space<hbm>>
      %dma_start3A_170 = arith.constant 0 : i32
      %dma_start3A_171 = tpu.memref_slice %arg2[%multiple_of3A_152, %dma_start3A_170] : memref<320000x128xf32, #tpu.memory_space<hbm>> -> memref<80x128xf32, #tpu.memory_space<hbm>>
      tpu.enqueue_dma source(%dma_start3A_171 : memref<80x128xf32, #tpu.memory_space<hbm>>) target(%arg12 : memref<80x128xf32, #tpu.memory_space<vmem>>) target_semaphore(%arg19 : memref<!tpu.dma_semaphore, #tpu.memory_space<semaphore_mem>>)
      %dma_start3A_172 = tpu.memref_slice %arg3[%multiple_of3A_160] : memref<320000xi32, #tpu.memory_space<hbm>> -> memref<80xi32, #tpu.memory_space<hbm>>
      %dma_start3A_173 = tpu.memref_slice %arg3[%multiple_of3A_160] : memref<320000xi32, #tpu.memory_space<hbm>> -> memref<80xi32, #tpu.memory_space<hbm>>
      tpu.enqueue_dma source(%dma_start3A_173 : memref<80xi32, #tpu.memory_space<hbm>>) target(%arg10 : memref<80xi32, #tpu.memory_space<vmem>>) target_semaphore(%arg17 : memref<!tpu.dma_semaphore, #tpu.memory_space<semaphore_mem>>)
      %dma_start3A_174 = arith.constant 0 : i32
      %dma_start3A_175 = tpu.memref_slice %arg2[%multiple_of3A_160, %dma_start3A_174] : memref<320000x128xf32, #tpu.memory_space<hbm>> -> memref<80x128xf32, #tpu.memory_space<hbm>>
      %dma_start3A_176 = arith.constant 0 : i32
      %dma_start3A_177 = tpu.memref_slice %arg2[%multiple_of3A_160, %dma_start3A_176] : memref<320000x128xf32, #tpu.memory_space<hbm>> -> memref<80x128xf32, #tpu.memory_space<hbm>>
      tpu.enqueue_dma source(%dma_start3A_177 : memref<80x128xf32, #tpu.memory_space<hbm>>) target(%arg13 : memref<80x128xf32, #tpu.memory_space<vmem>>) target_semaphore(%arg20 : memref<!tpu.dma_semaphore, #tpu.memory_space<semaphore_mem>>)
      %dma_wait3A = tpu.memref_slice %arg3[%multiple_of3A_144] : memref<320000xi32, #tpu.memory_space<hbm>> -> memref<80xi32, #tpu.memory_space<hbm>>
      %dma_wait3A_178 = tpu.memref_slice %arg3[%multiple_of3A_144] : memref<320000xi32, #tpu.memory_space<hbm>> -> memref<80xi32, #tpu.memory_space<hbm>>
      tpu.wait_dma2 semaphore(%arg15 : memref<!tpu.dma_semaphore, #tpu.memory_space<semaphore_mem>>) src(%dma_wait3A_178 : memref<80xi32, #tpu.memory_space<hbm>>) dst(%arg8 : memref<80xi32, #tpu.memory_space<vmem>>)
      %get3A_179 = arith.constant 0 : index
      %get3A_180 = tpu.vector_load %arg8[%get3A_179] {strides = array<i32>} : memref<80xi32, #tpu.memory_space<vmem>>, vector<16xi32>,
      %eq3A_181 = arith.constant 0 : i32
      %eq3A_182 = arith.cmpi eq, %arg0, %eq3A_181 : i32
      %convert_element_type3A_183 = arith.extui %eq3A_182 : i1 to i32
      %cond3A_184 = arith.constant 0 : i32
      %cond3A_185 = arith.cmpi ne, %convert_element_type3A_183, %cond3A_184 : i32
      scf.if %cond3A_185 {
        %broadcast_in_dim3A_510 = arith.constant 1.000000e+00 : f32
        %broadcast_in_dim3A_511 = vector.broadcast %broadcast_in_dim3A_510 : f32 to vector<16xf32>
        tpu.vector_store_idx %arg14[%get3A_180], %broadcast_in_dim3A_511 {add = true} : memref<10240xf32, #tpu.memory_space<vmem>>[vector<16xi32>], vector<16xf32>,
      } else {
      }
      %sub3A_186 = vector.broadcast %mul3A_5 : i32 to vector<16xi32>
      %sub3A_187 = arith.subi %get3A_180, %sub3A_186 : vector<16xi32>
      %ge3A_188 = arith.constant 0 : i32
      %ge3A_189 = vector.broadcast %ge3A_188 : i32 to vector<16xi32>
      %ge3A_190 = arith.cmpi sge, %sub3A_187, %ge3A_189 : vector<16xi32>
      %lt3A_191 = arith.constant 5120 : i32
      %lt3A_192 = vector.broadcast %lt3A_191 : i32 to vector<16xi32>
      %lt3A_193 = arith.cmpi slt, %sub3A_187, %lt3A_192 : vector<16xi32>
      %and3A_194 = arith.andi %ge3A_190, %lt3A_193 : vector<16xi1>
      %jit3A_195 = arith.constant 5120 : i32
      %broadcast_in_dim3A_196 = vector.broadcast %jit3A_195 : i32 to vector<16xi32>
      %select_n3A_197 = arith.select %and3A_194, %sub3A_187, %broadcast_in_dim3A_196 : vector<16xi1>, vector<16xi32>
      %swap3A_198 = arith.constant 0 : index
      %swap3A_199 = tpu.vector_load %arg8[%swap3A_198] {strides = array<i32>} : memref<80xi32, #tpu.memory_space<vmem>>, vector<16xi32>,
      tpu.vector_store %arg8[%swap3A_198], %select_n3A_197 {strides = array<i32>} : memref<80xi32, #tpu.memory_space<vmem>>, vector<16xi32>,
      %get3A_200 = arith.constant 16 : index
      %get3A_201 = tpu.vector_load %arg8[%get3A_200] {strides = array<i32>} : memref<80xi32, #tpu.memory_space<vmem>>, vector<16xi32>,
      %eq3A_202 = arith.constant 0 : i32
      %eq3A_203 = arith.cmpi eq, %arg0, %eq3A_202 : i32
      %convert_element_type3A_204 = arith.extui %eq3A_203 : i1 to i32
      %cond3A_205 = arith.constant 0 : i32
      %cond3A_206 = arith.cmpi ne, %convert_element_type3A_204, %cond3A_205 : i32
      scf.if %cond3A_206 {
        %broadcast_in_dim3A_510 = arith.constant 1.000000e+00 : f32
        %broadcast_in_dim3A_511 = vector.broadcast %broadcast_in_dim3A_510 : f32 to vector<16xf32>
        tpu.vector_store_idx %arg14[%get3A_201], %broadcast_in_dim3A_511 {add = true} : memref<10240xf32, #tpu.memory_space<vmem>>[vector<16xi32>], vector<16xf32>,
      } else {
      }
      %sub3A_207 = vector.broadcast %mul3A_5 : i32 to vector<16xi32>
      %sub3A_208 = arith.subi %get3A_201, %sub3A_207 : vector<16xi32>
      %ge3A_209 = arith.constant 0 : i32
      %ge3A_210 = vector.broadcast %ge3A_209 : i32 to vector<16xi32>
      %ge3A_211 = arith.cmpi sge, %sub3A_208, %ge3A_210 : vector<16xi32>
      %lt3A_212 = arith.constant 5120 : i32
      %lt3A_213 = vector.broadcast %lt3A_212 : i32 to vector<16xi32>
      %lt3A_214 = arith.cmpi slt, %sub3A_208, %lt3A_213 : vector<16xi32>
      %and3A_215 = arith.andi %ge3A_211, %lt3A_214 : vector<16xi1>
      %jit3A_216 = arith.constant 5120 : i32
      %broadcast_in_dim3A_217 = vector.broadcast %jit3A_216 : i32 to vector<16xi32>
      %select_n3A_218 = arith.select %and3A_215, %sub3A_208, %broadcast_in_dim3A_217 : vector<16xi1>, vector<16xi32>
      %swap3A_219 = arith.constant 16 : index
      %swap3A_220 = tpu.vector_load %arg8[%swap3A_219] {strides = array<i32>} : memref<80xi32, #tpu.memory_space<vmem>>, vector<16xi32>,
      tpu.vector_store %arg8[%swap3A_219], %select_n3A_218 {strides = array<i32>} : memref<80xi32, #tpu.memory_space<vmem>>, vector<16xi32>,
      %get3A_221 = arith.constant 32 : index
      %get3A_222 = tpu.vector_load %arg8[%get3A_221] {strides = array<i32>} : memref<80xi32, #tpu.memory_space<vmem>>, vector<16xi32>,
      %eq3A_223 = arith.constant 0 : i32
      %eq3A_224 = arith.cmpi eq, %arg0, %eq3A_223 : i32
      %convert_element_type3A_225 = arith.extui %eq3A_224 : i1 to i32
      %cond3A_226 = arith.constant 0 : i32
      %cond3A_227 = arith.cmpi ne, %convert_element_type3A_225, %cond3A_226 : i32
      scf.if %cond3A_227 {
        %broadcast_in_dim3A_510 = arith.constant 1.000000e+00 : f32
        %broadcast_in_dim3A_511 = vector.broadcast %broadcast_in_dim3A_510 : f32 to vector<16xf32>
        tpu.vector_store_idx %arg14[%get3A_222], %broadcast_in_dim3A_511 {add = true} : memref<10240xf32, #tpu.memory_space<vmem>>[vector<16xi32>], vector<16xf32>,
      } else {
      }
      %sub3A_228 = vector.broadcast %mul3A_5 : i32 to vector<16xi32>
      %sub3A_229 = arith.subi %get3A_222, %sub3A_228 : vector<16xi32>
      %ge3A_230 = arith.constant 0 : i32
      %ge3A_231 = vector.broadcast %ge3A_230 : i32 to vector<16xi32>
      %ge3A_232 = arith.cmpi sge, %sub3A_229, %ge3A_231 : vector<16xi32>
      %lt3A_233 = arith.constant 5120 : i32
      %lt3A_234 = vector.broadcast %lt3A_233 : i32 to vector<16xi32>
      %lt3A_235 = arith.cmpi slt, %sub3A_229, %lt3A_234 : vector<16xi32>
      %and3A_236 = arith.andi %ge3A_232, %lt3A_235 : vector<16xi1>
      %jit3A_237 = arith.constant 5120 : i32
      %broadcast_in_dim3A_238 = vector.broadcast %jit3A_237 : i32 to vector<16xi32>
      %select_n3A_239 = arith.select %and3A_236, %sub3A_229, %broadcast_in_dim3A_238 : vector<16xi1>, vector<16xi32>
      %swap3A_240 = arith.constant 32 : index
      %swap3A_241 = tpu.vector_load %arg8[%swap3A_240] {strides = array<i32>} : memref<80xi32, #tpu.memory_space<vmem>>, vector<16xi32>,
      tpu.vector_store %arg8[%swap3A_240], %select_n3A_239 {strides = array<i32>} : memref<80xi32, #tpu.memory_space<vmem>>, vector<16xi32>,
      %get3A_242 = arith.constant 48 : index
      %get3A_243 = tpu.vector_load %arg8[%get3A_242] {strides = array<i32>} : memref<80xi32, #tpu.memory_space<vmem>>, vector<16xi32>,
      %eq3A_244 = arith.constant 0 : i32
      %eq3A_245 = arith.cmpi eq, %arg0, %eq3A_244 : i32
      %convert_element_type3A_246 = arith.extui %eq3A_245 : i1 to i32
      %cond3A_247 = arith.constant 0 : i32
      %cond3A_248 = arith.cmpi ne, %convert_element_type3A_246, %cond3A_247 : i32
      scf.if %cond3A_248 {
        %broadcast_in_dim3A_510 = arith.constant 1.000000e+00 : f32
        %broadcast_in_dim3A_511 = vector.broadcast %broadcast_in_dim3A_510 : f32 to vector<16xf32>
        tpu.vector_store_idx %arg14[%get3A_243], %broadcast_in_dim3A_511 {add = true} : memref<10240xf32, #tpu.memory_space<vmem>>[vector<16xi32>], vector<16xf32>,
      } else {
      }
      %sub3A_249 = vector.broadcast %mul3A_5 : i32 to vector<16xi32>
      %sub3A_250 = arith.subi %get3A_243, %sub3A_249 : vector<16xi32>
      %ge3A_251 = arith.constant 0 : i32
      %ge3A_252 = vector.broadcast %ge3A_251 : i32 to vector<16xi32>
      %ge3A_253 = arith.cmpi sge, %sub3A_250, %ge3A_252 : vector<16xi32>
      %lt3A_254 = arith.constant 5120 : i32
      %lt3A_255 = vector.broadcast %lt3A_254 : i32 to vector<16xi32>
      %lt3A_256 = arith.cmpi slt, %sub3A_250, %lt3A_255 : vector<16xi32>
      %and3A_257 = arith.andi %ge3A_253, %lt3A_256 : vector<16xi1>
      %jit3A_258 = arith.constant 5120 : i32
      %broadcast_in_dim3A_259 = vector.broadcast %jit3A_258 : i32 to vector<16xi32>
      %select_n3A_260 = arith.select %and3A_257, %sub3A_250, %broadcast_in_dim3A_259 : vector<16xi1>, vector<16xi32>
      %swap3A_261 = arith.constant 48 : index
      %swap3A_262 = tpu.vector_load %arg8[%swap3A_261] {strides = array<i32>} : memref<80xi32, #tpu.memory_space<vmem>>, vector<16xi32>,
      tpu.vector_store %arg8[%swap3A_261], %select_n3A_260 {strides = array<i32>} : memref<80xi32, #tpu.memory_space<vmem>>, vector<16xi32>,
      %get3A_263 = arith.constant 64 : index
      %get3A_264 = tpu.vector_load %arg8[%get3A_263] {strides = array<i32>} : memref<80xi32, #tpu.memory_space<vmem>>, vector<16xi32>,
      %eq3A_265 = arith.constant 0 : i32
      %eq3A_266 = arith.cmpi eq, %arg0, %eq3A_265 : i32
      %convert_element_type3A_267 = arith.extui %eq3A_266 : i1 to i32
      %cond3A_268 = arith.constant 0 : i32
      %cond3A_269 = arith.cmpi ne, %convert_element_type3A_267, %cond3A_268 : i32
      scf.if %cond3A_269 {
        %broadcast_in_dim3A_510 = arith.constant 1.000000e+00 : f32
        %broadcast_in_dim3A_511 = vector.broadcast %broadcast_in_dim3A_510 : f32 to vector<16xf32>
        tpu.vector_store_idx %arg14[%get3A_264], %broadcast_in_dim3A_511 {add = true} : memref<10240xf32, #tpu.memory_space<vmem>>[vector<16xi32>], vector<16xf32>,
      } else {
      }
      %sub3A_270 = vector.broadcast %mul3A_5 : i32 to vector<16xi32>
      %sub3A_271 = arith.subi %get3A_264, %sub3A_270 : vector<16xi32>
      %ge3A_272 = arith.constant 0 : i32
      %ge3A_273 = vector.broadcast %ge3A_272 : i32 to vector<16xi32>
      %ge3A_274 = arith.cmpi sge, %sub3A_271, %ge3A_273 : vector<16xi32>
      %lt3A_275 = arith.constant 5120 : i32
      %lt3A_276 = vector.broadcast %lt3A_275 : i32 to vector<16xi32>
      %lt3A_277 = arith.cmpi slt, %sub3A_271, %lt3A_276 : vector<16xi32>
      %and3A_278 = arith.andi %ge3A_274, %lt3A_277 : vector<16xi1>
      %jit3A_279 = arith.constant 5120 : i32
      %broadcast_in_dim3A_280 = vector.broadcast %jit3A_279 : i32 to vector<16xi32>
      %select_n3A_281 = arith.select %and3A_278, %sub3A_271, %broadcast_in_dim3A_280 : vector<16xi1>, vector<16xi32>
      %swap3A_282 = arith.constant 64 : index
      %swap3A_283 = tpu.vector_load %arg8[%swap3A_282] {strides = array<i32>} : memref<80xi32, #tpu.memory_space<vmem>>, vector<16xi32>,
      tpu.vector_store %arg8[%swap3A_282], %select_n3A_281 {strides = array<i32>} : memref<80xi32, #tpu.memory_space<vmem>>, vector<16xi32>,
      %dma_wait3A_284 = arith.constant 0 : i32
      %dma_wait3A_285 = tpu.memref_slice %arg2[%multiple_of3A_144, %dma_wait3A_284] : memref<320000x128xf32, #tpu.memory_space<hbm>> -> memref<80x128xf32, #tpu.memory_space<hbm>>
      %dma_wait3A_286 = arith.constant 0 : i32
      %dma_wait3A_287 = tpu.memref_slice %arg2[%multiple_of3A_144, %dma_wait3A_286] : memref<320000x128xf32, #tpu.memory_space<hbm>> -> memref<80x128xf32, #tpu.memory_space<hbm>>
      tpu.wait_dma2 semaphore(%arg18 : memref<!tpu.dma_semaphore, #tpu.memory_space<semaphore_mem>>) src(%dma_wait3A_287 : memref<80x128xf32, #tpu.memory_space<hbm>>) dst(%arg11 : memref<80x128xf32, #tpu.memory_space<vmem>>)
      "tpu.region"() ({
        %run_scoped3A = tpu.sem_alloc : memref<!tpu.dma_semaphore, #tpu.memory_space<semaphore_mem>>
        %dma_start3A_510 = arith.constant 0 : i32
        %dma_start3A_511 = arith.constant 0 : i32
        %dma_start3A_512 = tpu.memref_slice %arg21[%dma_start3A_510, %dma_start3A_511] : memref<5128x128xf32, #tpu.memory_space<vmem_shared>> -> memref<5128x128xf32, #tpu.memory_space<vmem_shared>>
        tpu.enqueue_indirect_dma source(%arg11 : memref<80x128xf32, #tpu.memory_space<vmem>>) target(%dma_start3A_512 : memref<5128x128xf32, #tpu.memory_space<vmem_shared>>) offsets(%arg8 : memref<80xi32, #tpu.memory_space<vmem>>) semaphore(%run_scoped3A : memref<!tpu.dma_semaphore, #tpu.memory_space<semaphore_mem>>) {add = true}
        %dma_wait3A_513 = arith.constant 0 : i32
        %dma_wait3A_514 = arith.constant 0 : i32
        %dma_wait3A_515 = tpu.memref_slice %arg21[%dma_wait3A_513, %dma_wait3A_514] : memref<5128x128xf32, #tpu.memory_space<vmem_shared>> -> memref<5128x128xf32, #tpu.memory_space<vmem_shared>>
        tpu.wait_indirect_dma semaphore(%run_scoped3A : memref<!tpu.dma_semaphore, #tpu.memory_space<semaphore_mem>>) src(%arg11 : memref<80x128xf32, #tpu.memory_space<vmem>>) dst(%dma_wait3A_515 : memref<5128x128xf32, #tpu.memory_space<vmem_shared>>)
        tpu.yield
      }) : () -> ()
      %dma_wait3A_288 = tpu.memref_slice %arg3[%multiple_of3A_152] : memref<320000xi32, #tpu.memory_space<hbm>> -> memref<80xi32, #tpu.memory_space<hbm>>
      %dma_wait3A_289 = tpu.memref_slice %arg3[%multiple_of3A_152] : memref<320000xi32, #tpu.memory_space<hbm>> -> memref<80xi32, #tpu.memory_space<hbm>>
      tpu.wait_dma2 semaphore(%arg16 : memref<!tpu.dma_semaphore, #tpu.memory_space<semaphore_mem>>) src(%dma_wait3A_289 : memref<80xi32, #tpu.memory_space<hbm>>) dst(%arg9 : memref<80xi32, #tpu.memory_space<vmem>>)
      %get3A_290 = arith.constant 0 : index
      %get3A_291 = tpu.vector_load %arg9[%get3A_290] {strides = array<i32>} : memref<80xi32, #tpu.memory_space<vmem>>, vector<16xi32>,
      %eq3A_292 = arith.constant 0 : i32
      %eq3A_293 = arith.cmpi eq, %arg0, %eq3A_292 : i32
      %convert_element_type3A_294 = arith.extui %eq3A_293 : i1 to i32
      %cond3A_295 = arith.constant 0 : i32
      %cond3A_296 = arith.cmpi ne, %convert_element_type3A_294, %cond3A_295 : i32
      scf.if %cond3A_296 {
        %broadcast_in_dim3A_510 = arith.constant 1.000000e+00 : f32
        %broadcast_in_dim3A_511 = vector.broadcast %broadcast_in_dim3A_510 : f32 to vector<16xf32>
        tpu.vector_store_idx %arg14[%get3A_291], %broadcast_in_dim3A_511 {add = true} : memref<10240xf32, #tpu.memory_space<vmem>>[vector<16xi32>], vector<16xf32>,
      } else {
      }
      %sub3A_297 = vector.broadcast %mul3A_5 : i32 to vector<16xi32>
      %sub3A_298 = arith.subi %get3A_291, %sub3A_297 : vector<16xi32>
      %ge3A_299 = arith.constant 0 : i32
      %ge3A_300 = vector.broadcast %ge3A_299 : i32 to vector<16xi32>
      %ge3A_301 = arith.cmpi sge, %sub3A_298, %ge3A_300 : vector<16xi32>
      %lt3A_302 = arith.constant 5120 : i32
      %lt3A_303 = vector.broadcast %lt3A_302 : i32 to vector<16xi32>
      %lt3A_304 = arith.cmpi slt, %sub3A_298, %lt3A_303 : vector<16xi32>
      %and3A_305 = arith.andi %ge3A_301, %lt3A_304 : vector<16xi1>
      %jit3A_306 = arith.constant 5120 : i32
      %broadcast_in_dim3A_307 = vector.broadcast %jit3A_306 : i32 to vector<16xi32>
      %select_n3A_308 = arith.select %and3A_305, %sub3A_298, %broadcast_in_dim3A_307 : vector<16xi1>, vector<16xi32>
      %swap3A_309 = arith.constant 0 : index
      %swap3A_310 = tpu.vector_load %arg9[%swap3A_309] {strides = array<i32>} : memref<80xi32, #tpu.memory_space<vmem>>, vector<16xi32>,
      tpu.vector_store %arg9[%swap3A_309], %select_n3A_308 {strides = array<i32>} : memref<80xi32, #tpu.memory_space<vmem>>, vector<16xi32>,
      %get3A_311 = arith.constant 16 : index
      %get3A_312 = tpu.vector_load %arg9[%get3A_311] {strides = array<i32>} : memref<80xi32, #tpu.memory_space<vmem>>, vector<16xi32>,
      %eq3A_313 = arith.constant 0 : i32
      %eq3A_314 = arith.cmpi eq, %arg0, %eq3A_313 : i32
      %convert_element_type3A_315 = arith.extui %eq3A_314 : i1 to i32
      %cond3A_316 = arith.constant 0 : i32
      %cond3A_317 = arith.cmpi ne, %convert_element_type3A_315, %cond3A_316 : i32
      scf.if %cond3A_317 {
        %broadcast_in_dim3A_510 = arith.constant 1.000000e+00 : f32
        %broadcast_in_dim3A_511 = vector.broadcast %broadcast_in_dim3A_510 : f32 to vector<16xf32>
        tpu.vector_store_idx %arg14[%get3A_312], %broadcast_in_dim3A_511 {add = true} : memref<10240xf32, #tpu.memory_space<vmem>>[vector<16xi32>], vector<16xf32>,
      } else {
      }
      %sub3A_318 = vector.broadcast %mul3A_5 : i32 to vector<16xi32>
      %sub3A_319 = arith.subi %get3A_312, %sub3A_318 : vector<16xi32>
      %ge3A_320 = arith.constant 0 : i32
      %ge3A_321 = vector.broadcast %ge3A_320 : i32 to vector<16xi32>
      %ge3A_322 = arith.cmpi sge, %sub3A_319, %ge3A_321 : vector<16xi32>
      %lt3A_323 = arith.constant 5120 : i32
      %lt3A_324 = vector.broadcast %lt3A_323 : i32 to vector<16xi32>
      %lt3A_325 = arith.cmpi slt, %sub3A_319, %lt3A_324 : vector<16xi32>
      %and3A_326 = arith.andi %ge3A_322, %lt3A_325 : vector<16xi1>
      %jit3A_327 = arith.constant 5120 : i32
      %broadcast_in_dim3A_328 = vector.broadcast %jit3A_327 : i32 to vector<16xi32>
      %select_n3A_329 = arith.select %and3A_326, %sub3A_319, %broadcast_in_dim3A_328 : vector<16xi1>, vector<16xi32>
      %swap3A_330 = arith.constant 16 : index
      %swap3A_331 = tpu.vector_load %arg9[%swap3A_330] {strides = array<i32>} : memref<80xi32, #tpu.memory_space<vmem>>, vector<16xi32>,
      tpu.vector_store %arg9[%swap3A_330], %select_n3A_329 {strides = array<i32>} : memref<80xi32, #tpu.memory_space<vmem>>, vector<16xi32>,
      %get3A_332 = arith.constant 32 : index
      %get3A_333 = tpu.vector_load %arg9[%get3A_332] {strides = array<i32>} : memref<80xi32, #tpu.memory_space<vmem>>, vector<16xi32>,
      %eq3A_334 = arith.constant 0 : i32
      %eq3A_335 = arith.cmpi eq, %arg0, %eq3A_334 : i32
      %convert_element_type3A_336 = arith.extui %eq3A_335 : i1 to i32
      %cond3A_337 = arith.constant 0 : i32
      %cond3A_338 = arith.cmpi ne, %convert_element_type3A_336, %cond3A_337 : i32
      scf.if %cond3A_338 {
        %broadcast_in_dim3A_510 = arith.constant 1.000000e+00 : f32
        %broadcast_in_dim3A_511 = vector.broadcast %broadcast_in_dim3A_510 : f32 to vector<16xf32>
        tpu.vector_store_idx %arg14[%get3A_333], %broadcast_in_dim3A_511 {add = true} : memref<10240xf32, #tpu.memory_space<vmem>>[vector<16xi32>], vector<16xf32>,
      } else {
      }
      %sub3A_339 = vector.broadcast %mul3A_5 : i32 to vector<16xi32>
      %sub3A_340 = arith.subi %get3A_333, %sub3A_339 : vector<16xi32>
      %ge3A_341 = arith.constant 0 : i32
      %ge3A_342 = vector.broadcast %ge3A_341 : i32 to vector<16xi32>
      %ge3A_343 = arith.cmpi sge, %sub3A_340, %ge3A_342 : vector<16xi32>
      %lt3A_344 = arith.constant 5120 : i32
      %lt3A_345 = vector.broadcast %lt3A_344 : i32 to vector<16xi32>
      %lt3A_346 = arith.cmpi slt, %sub3A_340, %lt3A_345 : vector<16xi32>
      %and3A_347 = arith.andi %ge3A_343, %lt3A_346 : vector<16xi1>
      %jit3A_348 = arith.constant 5120 : i32
      %broadcast_in_dim3A_349 = vector.broadcast %jit3A_348 : i32 to vector<16xi32>
      %select_n3A_350 = arith.select %and3A_347, %sub3A_340, %broadcast_in_dim3A_349 : vector<16xi1>, vector<16xi32>
      %swap3A_351 = arith.constant 32 : index
      %swap3A_352 = tpu.vector_load %arg9[%swap3A_351] {strides = array<i32>} : memref<80xi32, #tpu.memory_space<vmem>>, vector<16xi32>,
      tpu.vector_store %arg9[%swap3A_351], %select_n3A_350 {strides = array<i32>} : memref<80xi32, #tpu.memory_space<vmem>>, vector<16xi32>,
      %get3A_353 = arith.constant 48 : index
      %get3A_354 = tpu.vector_load %arg9[%get3A_353] {strides = array<i32>} : memref<80xi32, #tpu.memory_space<vmem>>, vector<16xi32>,
      %eq3A_355 = arith.constant 0 : i32
      %eq3A_356 = arith.cmpi eq, %arg0, %eq3A_355 : i32
      %convert_element_type3A_357 = arith.extui %eq3A_356 : i1 to i32
      %cond3A_358 = arith.constant 0 : i32
      %cond3A_359 = arith.cmpi ne, %convert_element_type3A_357, %cond3A_358 : i32
      scf.if %cond3A_359 {
        %broadcast_in_dim3A_510 = arith.constant 1.000000e+00 : f32
        %broadcast_in_dim3A_511 = vector.broadcast %broadcast_in_dim3A_510 : f32 to vector<16xf32>
        tpu.vector_store_idx %arg14[%get3A_354], %broadcast_in_dim3A_511 {add = true} : memref<10240xf32, #tpu.memory_space<vmem>>[vector<16xi32>], vector<16xf32>,
      } else {
      }
      %sub3A_360 = vector.broadcast %mul3A_5 : i32 to vector<16xi32>
      %sub3A_361 = arith.subi %get3A_354, %sub3A_360 : vector<16xi32>
      %ge3A_362 = arith.constant 0 : i32
      %ge3A_363 = vector.broadcast %ge3A_362 : i32 to vector<16xi32>
      %ge3A_364 = arith.cmpi sge, %sub3A_361, %ge3A_363 : vector<16xi32>
      %lt3A_365 = arith.constant 5120 : i32
      %lt3A_366 = vector.broadcast %lt3A_365 : i32 to vector<16xi32>
      %lt3A_367 = arith.cmpi slt, %sub3A_361, %lt3A_366 : vector<16xi32>
      %and3A_368 = arith.andi %ge3A_364, %lt3A_367 : vector<16xi1>
      %jit3A_369 = arith.constant 5120 : i32
      %broadcast_in_dim3A_370 = vector.broadcast %jit3A_369 : i32 to vector<16xi32>
      %select_n3A_371 = arith.select %and3A_368, %sub3A_361, %broadcast_in_dim3A_370 : vector<16xi1>, vector<16xi32>
      %swap3A_372 = arith.constant 48 : index
      %swap3A_373 = tpu.vector_load %arg9[%swap3A_372] {strides = array<i32>} : memref<80xi32, #tpu.memory_space<vmem>>, vector<16xi32>,
      tpu.vector_store %arg9[%swap3A_372], %select_n3A_371 {strides = array<i32>} : memref<80xi32, #tpu.memory_space<vmem>>, vector<16xi32>,
      %get3A_374 = arith.constant 64 : index
      %get3A_375 = tpu.vector_load %arg9[%get3A_374] {strides = array<i32>} : memref<80xi32, #tpu.memory_space<vmem>>, vector<16xi32>,
      %eq3A_376 = arith.constant 0 : i32
      %eq3A_377 = arith.cmpi eq, %arg0, %eq3A_376 : i32
      %convert_element_type3A_378 = arith.extui %eq3A_377 : i1 to i32
      %cond3A_379 = arith.constant 0 : i32
      %cond3A_380 = arith.cmpi ne, %convert_element_type3A_378, %cond3A_379 : i32
      scf.if %cond3A_380 {
        %broadcast_in_dim3A_510 = arith.constant 1.000000e+00 : f32
        %broadcast_in_dim3A_511 = vector.broadcast %broadcast_in_dim3A_510 : f32 to vector<16xf32>
        tpu.vector_store_idx %arg14[%get3A_375], %broadcast_in_dim3A_511 {add = true} : memref<10240xf32, #tpu.memory_space<vmem>>[vector<16xi32>], vector<16xf32>,
      } else {
      }
      %sub3A_381 = vector.broadcast %mul3A_5 : i32 to vector<16xi32>
      %sub3A_382 = arith.subi %get3A_375, %sub3A_381 : vector<16xi32>
      %ge3A_383 = arith.constant 0 : i32
      %ge3A_384 = vector.broadcast %ge3A_383 : i32 to vector<16xi32>
      %ge3A_385 = arith.cmpi sge, %sub3A_382, %ge3A_384 : vector<16xi32>
      %lt3A_386 = arith.constant 5120 : i32
      %lt3A_387 = vector.broadcast %lt3A_386 : i32 to vector<16xi32>
      %lt3A_388 = arith.cmpi slt, %sub3A_382, %lt3A_387 : vector<16xi32>
      %and3A_389 = arith.andi %ge3A_385, %lt3A_388 : vector<16xi1>
      %jit3A_390 = arith.constant 5120 : i32
      %broadcast_in_dim3A_391 = vector.broadcast %jit3A_390 : i32 to vector<16xi32>
      %select_n3A_392 = arith.select %and3A_389, %sub3A_382, %broadcast_in_dim3A_391 : vector<16xi1>, vector<16xi32>
      %swap3A_393 = arith.constant 64 : index
      %swap3A_394 = tpu.vector_load %arg9[%swap3A_393] {strides = array<i32>} : memref<80xi32, #tpu.memory_space<vmem>>, vector<16xi32>,
      tpu.vector_store %arg9[%swap3A_393], %select_n3A_392 {strides = array<i32>} : memref<80xi32, #tpu.memory_space<vmem>>, vector<16xi32>,
      %dma_wait3A_395 = arith.constant 0 : i32
      %dma_wait3A_396 = tpu.memref_slice %arg2[%multiple_of3A_152, %dma_wait3A_395] : memref<320000x128xf32, #tpu.memory_space<hbm>> -> memref<80x128xf32, #tpu.memory_space<hbm>>
      %dma_wait3A_397 = arith.constant 0 : i32
      %dma_wait3A_398 = tpu.memref_slice %arg2[%multiple_of3A_152, %dma_wait3A_397] : memref<320000x128xf32, #tpu.memory_space<hbm>> -> memref<80x128xf32, #tpu.memory_space<hbm>>
      tpu.wait_dma2 semaphore(%arg19 : memref<!tpu.dma_semaphore, #tpu.memory_space<semaphore_mem>>) src(%dma_wait3A_398 : memref<80x128xf32, #tpu.memory_space<hbm>>) dst(%arg12 : memref<80x128xf32, #tpu.memory_space<vmem>>)
      "tpu.region"() ({
        %run_scoped3A = tpu.sem_alloc : memref<!tpu.dma_semaphore, #tpu.memory_space<semaphore_mem>>
        %dma_start3A_510 = arith.constant 0 : i32
        %dma_start3A_511 = arith.constant 0 : i32
        %dma_start3A_512 = tpu.memref_slice %arg21[%dma_start3A_510, %dma_start3A_511] : memref<5128x128xf32, #tpu.memory_space<vmem_shared>> -> memref<5128x128xf32, #tpu.memory_space<vmem_shared>>
        tpu.enqueue_indirect_dma source(%arg12 : memref<80x128xf32, #tpu.memory_space<vmem>>) target(%dma_start3A_512 : memref<5128x128xf32, #tpu.memory_space<vmem_shared>>) offsets(%arg9 : memref<80xi32, #tpu.memory_space<vmem>>) semaphore(%run_scoped3A : memref<!tpu.dma_semaphore, #tpu.memory_space<semaphore_mem>>) {add = true}
        %dma_wait3A_513 = arith.constant 0 : i32
        %dma_wait3A_514 = arith.constant 0 : i32
        %dma_wait3A_515 = tpu.memref_slice %arg21[%dma_wait3A_513, %dma_wait3A_514] : memref<5128x128xf32, #tpu.memory_space<vmem_shared>> -> memref<5128x128xf32, #tpu.memory_space<vmem_shared>>
        tpu.wait_indirect_dma semaphore(%run_scoped3A : memref<!tpu.dma_semaphore, #tpu.memory_space<semaphore_mem>>) src(%arg12 : memref<80x128xf32, #tpu.memory_space<vmem>>) dst(%dma_wait3A_515 : memref<5128x128xf32, #tpu.memory_space<vmem_shared>>)
        tpu.yield
      }) : () -> ()
      %dma_wait3A_399 = tpu.memref_slice %arg3[%multiple_of3A_160] : memref<320000xi32, #tpu.memory_space<hbm>> -> memref<80xi32, #tpu.memory_space<hbm>>
      %dma_wait3A_400 = tpu.memref_slice %arg3[%multiple_of3A_160] : memref<320000xi32, #tpu.memory_space<hbm>> -> memref<80xi32, #tpu.memory_space<hbm>>
      tpu.wait_dma2 semaphore(%arg17 : memref<!tpu.dma_semaphore, #tpu.memory_space<semaphore_mem>>) src(%dma_wait3A_400 : memref<80xi32, #tpu.memory_space<hbm>>) dst(%arg10 : memref<80xi32, #tpu.memory_space<vmem>>)
      %get3A_401 = arith.constant 0 : index
      %get3A_402 = tpu.vector_load %arg10[%get3A_401] {strides = array<i32>} : memref<80xi32, #tpu.memory_space<vmem>>, vector<16xi32>,
      %eq3A_403 = arith.constant 0 : i32
      %eq3A_404 = arith.cmpi eq, %arg0, %eq3A_403 : i32
      %convert_element_type3A_405 = arith.extui %eq3A_404 : i1 to i32
      %cond3A_406 = arith.constant 0 : i32
      %cond3A_407 = arith.cmpi ne, %convert_element_type3A_405, %cond3A_406 : i32
      scf.if %cond3A_407 {
        %broadcast_in_dim3A_510 = arith.constant 1.000000e+00 : f32
        %broadcast_in_dim3A_511 = vector.broadcast %broadcast_in_dim3A_510 : f32 to vector<16xf32>
        tpu.vector_store_idx %arg14[%get3A_402], %broadcast_in_dim3A_511 {add = true} : memref<10240xf32, #tpu.memory_space<vmem>>[vector<16xi32>], vector<16xf32>,
      } else {
      }
      %sub3A_408 = vector.broadcast %mul3A_5 : i32 to vector<16xi32>
      %sub3A_409 = arith.subi %get3A_402, %sub3A_408 : vector<16xi32>
      %ge3A_410 = arith.constant 0 : i32
      %ge3A_411 = vector.broadcast %ge3A_410 : i32 to vector<16xi32>
      %ge3A_412 = arith.cmpi sge, %sub3A_409, %ge3A_411 : vector<16xi32>
      %lt3A_413 = arith.constant 5120 : i32
      %lt3A_414 = vector.broadcast %lt3A_413 : i32 to vector<16xi32>
      %lt3A_415 = arith.cmpi slt, %sub3A_409, %lt3A_414 : vector<16xi32>
      %and3A_416 = arith.andi %ge3A_412, %lt3A_415 : vector<16xi1>
      %jit3A_417 = arith.constant 5120 : i32
      %broadcast_in_dim3A_418 = vector.broadcast %jit3A_417 : i32 to vector<16xi32>
      %select_n3A_419 = arith.select %and3A_416, %sub3A_409, %broadcast_in_dim3A_418 : vector<16xi1>, vector<16xi32>
      %swap3A_420 = arith.constant 0 : index
      %swap3A_421 = tpu.vector_load %arg10[%swap3A_420] {strides = array<i32>} : memref<80xi32, #tpu.memory_space<vmem>>, vector<16xi32>,
      tpu.vector_store %arg10[%swap3A_420], %select_n3A_419 {strides = array<i32>} : memref<80xi32, #tpu.memory_space<vmem>>, vector<16xi32>,
      %get3A_422 = arith.constant 16 : index
      %get3A_423 = tpu.vector_load %arg10[%get3A_422] {strides = array<i32>} : memref<80xi32, #tpu.memory_space<vmem>>, vector<16xi32>,
      %eq3A_424 = arith.constant 0 : i32
      %eq3A_425 = arith.cmpi eq, %arg0, %eq3A_424 : i32
      %convert_element_type3A_426 = arith.extui %eq3A_425 : i1 to i32
      %cond3A_427 = arith.constant 0 : i32
      %cond3A_428 = arith.cmpi ne, %convert_element_type3A_426, %cond3A_427 : i32
      scf.if %cond3A_428 {
        %broadcast_in_dim3A_510 = arith.constant 1.000000e+00 : f32
        %broadcast_in_dim3A_511 = vector.broadcast %broadcast_in_dim3A_510 : f32 to vector<16xf32>
        tpu.vector_store_idx %arg14[%get3A_423], %broadcast_in_dim3A_511 {add = true} : memref<10240xf32, #tpu.memory_space<vmem>>[vector<16xi32>], vector<16xf32>,
      } else {
      }
      %sub3A_429 = vector.broadcast %mul3A_5 : i32 to vector<16xi32>
      %sub3A_430 = arith.subi %get3A_423, %sub3A_429 : vector<16xi32>
      %ge3A_431 = arith.constant 0 : i32
      %ge3A_432 = vector.broadcast %ge3A_431 : i32 to vector<16xi32>
      %ge3A_433 = arith.cmpi sge, %sub3A_430, %ge3A_432 : vector<16xi32>
      %lt3A_434 = arith.constant 5120 : i32
      %lt3A_435 = vector.broadcast %lt3A_434 : i32 to vector<16xi32>
      %lt3A_436 = arith.cmpi slt, %sub3A_430, %lt3A_435 : vector<16xi32>
      %and3A_437 = arith.andi %ge3A_433, %lt3A_436 : vector<16xi1>
      %jit3A_438 = arith.constant 5120 : i32
      %broadcast_in_dim3A_439 = vector.broadcast %jit3A_438 : i32 to vector<16xi32>
      %select_n3A_440 = arith.select %and3A_437, %sub3A_430, %broadcast_in_dim3A_439 : vector<16xi1>, vector<16xi32>
      %swap3A_441 = arith.constant 16 : index
      %swap3A_442 = tpu.vector_load %arg10[%swap3A_441] {strides = array<i32>} : memref<80xi32, #tpu.memory_space<vmem>>, vector<16xi32>,
      tpu.vector_store %arg10[%swap3A_441], %select_n3A_440 {strides = array<i32>} : memref<80xi32, #tpu.memory_space<vmem>>, vector<16xi32>,
      %get3A_443 = arith.constant 32 : index
      %get3A_444 = tpu.vector_load %arg10[%get3A_443] {strides = array<i32>} : memref<80xi32, #tpu.memory_space<vmem>>, vector<16xi32>,
      %eq3A_445 = arith.constant 0 : i32
      %eq3A_446 = arith.cmpi eq, %arg0, %eq3A_445 : i32
      %convert_element_type3A_447 = arith.extui %eq3A_446 : i1 to i32
      %cond3A_448 = arith.constant 0 : i32
      %cond3A_449 = arith.cmpi ne, %convert_element_type3A_447, %cond3A_448 : i32
      scf.if %cond3A_449 {
        %broadcast_in_dim3A_510 = arith.constant 1.000000e+00 : f32
        %broadcast_in_dim3A_511 = vector.broadcast %broadcast_in_dim3A_510 : f32 to vector<16xf32>
        tpu.vector_store_idx %arg14[%get3A_444], %broadcast_in_dim3A_511 {add = true} : memref<10240xf32, #tpu.memory_space<vmem>>[vector<16xi32>], vector<16xf32>,
      } else {
      }
      %sub3A_450 = vector.broadcast %mul3A_5 : i32 to vector<16xi32>
      %sub3A_451 = arith.subi %get3A_444, %sub3A_450 : vector<16xi32>
      %ge3A_452 = arith.constant 0 : i32
      %ge3A_453 = vector.broadcast %ge3A_452 : i32 to vector<16xi32>
      %ge3A_454 = arith.cmpi sge, %sub3A_451, %ge3A_453 : vector<16xi32>
      %lt3A_455 = arith.constant 5120 : i32
      %lt3A_456 = vector.broadcast %lt3A_455 : i32 to vector<16xi32>
      %lt3A_457 = arith.cmpi slt, %sub3A_451, %lt3A_456 : vector<16xi32>
      %and3A_458 = arith.andi %ge3A_454, %lt3A_457 : vector<16xi1>
      %jit3A_459 = arith.constant 5120 : i32
      %broadcast_in_dim3A_460 = vector.broadcast %jit3A_459 : i32 to vector<16xi32>
      %select_n3A_461 = arith.select %and3A_458, %sub3A_451, %broadcast_in_dim3A_460 : vector<16xi1>, vector<16xi32>
      %swap3A_462 = arith.constant 32 : index
      %swap3A_463 = tpu.vector_load %arg10[%swap3A_462] {strides = array<i32>} : memref<80xi32, #tpu.memory_space<vmem>>, vector<16xi32>,
      tpu.vector_store %arg10[%swap3A_462], %select_n3A_461 {strides = array<i32>} : memref<80xi32, #tpu.memory_space<vmem>>, vector<16xi32>,
      %get3A_464 = arith.constant 48 : index
      %get3A_465 = tpu.vector_load %arg10[%get3A_464] {strides = array<i32>} : memref<80xi32, #tpu.memory_space<vmem>>, vector<16xi32>,
      %eq3A_466 = arith.constant 0 : i32
      %eq3A_467 = arith.cmpi eq, %arg0, %eq3A_466 : i32
      %convert_element_type3A_468 = arith.extui %eq3A_467 : i1 to i32
      %cond3A_469 = arith.constant 0 : i32
      %cond3A_470 = arith.cmpi ne, %convert_element_type3A_468, %cond3A_469 : i32
      scf.if %cond3A_470 {
        %broadcast_in_dim3A_510 = arith.constant 1.000000e+00 : f32
        %broadcast_in_dim3A_511 = vector.broadcast %broadcast_in_dim3A_510 : f32 to vector<16xf32>
        tpu.vector_store_idx %arg14[%get3A_465], %broadcast_in_dim3A_511 {add = true} : memref<10240xf32, #tpu.memory_space<vmem>>[vector<16xi32>], vector<16xf32>,
      } else {
      }
      %sub3A_471 = vector.broadcast %mul3A_5 : i32 to vector<16xi32>
      %sub3A_472 = arith.subi %get3A_465, %sub3A_471 : vector<16xi32>
      %ge3A_473 = arith.constant 0 : i32
      %ge3A_474 = vector.broadcast %ge3A_473 : i32 to vector<16xi32>
      %ge3A_475 = arith.cmpi sge, %sub3A_472, %ge3A_474 : vector<16xi32>
      %lt3A_476 = arith.constant 5120 : i32
      %lt3A_477 = vector.broadcast %lt3A_476 : i32 to vector<16xi32>
      %lt3A_478 = arith.cmpi slt, %sub3A_472, %lt3A_477 : vector<16xi32>
      %and3A_479 = arith.andi %ge3A_475, %lt3A_478 : vector<16xi1>
      %jit3A_480 = arith.constant 5120 : i32
      %broadcast_in_dim3A_481 = vector.broadcast %jit3A_480 : i32 to vector<16xi32>
      %select_n3A_482 = arith.select %and3A_479, %sub3A_472, %broadcast_in_dim3A_481 : vector<16xi1>, vector<16xi32>
      %swap3A_483 = arith.constant 48 : index
      %swap3A_484 = tpu.vector_load %arg10[%swap3A_483] {strides = array<i32>} : memref<80xi32, #tpu.memory_space<vmem>>, vector<16xi32>,
      tpu.vector_store %arg10[%swap3A_483], %select_n3A_482 {strides = array<i32>} : memref<80xi32, #tpu.memory_space<vmem>>, vector<16xi32>,
      %get3A_485 = arith.constant 64 : index
      %get3A_486 = tpu.vector_load %arg10[%get3A_485] {strides = array<i32>} : memref<80xi32, #tpu.memory_space<vmem>>, vector<16xi32>,
      %eq3A_487 = arith.constant 0 : i32
      %eq3A_488 = arith.cmpi eq, %arg0, %eq3A_487 : i32
      %convert_element_type3A_489 = arith.extui %eq3A_488 : i1 to i32
      %cond3A_490 = arith.constant 0 : i32
      %cond3A_491 = arith.cmpi ne, %convert_element_type3A_489, %cond3A_490 : i32
      scf.if %cond3A_491 {
        %broadcast_in_dim3A_510 = arith.constant 1.000000e+00 : f32
        %broadcast_in_dim3A_511 = vector.broadcast %broadcast_in_dim3A_510 : f32 to vector<16xf32>
        tpu.vector_store_idx %arg14[%get3A_486], %broadcast_in_dim3A_511 {add = true} : memref<10240xf32, #tpu.memory_space<vmem>>[vector<16xi32>], vector<16xf32>,
      } else {
      }
      %sub3A_492 = vector.broadcast %mul3A_5 : i32 to vector<16xi32>
      %sub3A_493 = arith.subi %get3A_486, %sub3A_492 : vector<16xi32>
      %ge3A_494 = arith.constant 0 : i32
      %ge3A_495 = vector.broadcast %ge3A_494 : i32 to vector<16xi32>
      %ge3A_496 = arith.cmpi sge, %sub3A_493, %ge3A_495 : vector<16xi32>
      %lt3A_497 = arith.constant 5120 : i32
      %lt3A_498 = vector.broadcast %lt3A_497 : i32 to vector<16xi32>
      %lt3A_499 = arith.cmpi slt, %sub3A_493, %lt3A_498 : vector<16xi32>
      %and3A_500 = arith.andi %ge3A_496, %lt3A_499 : vector<16xi1>
      %jit3A_501 = arith.constant 5120 : i32
      %broadcast_in_dim3A_502 = vector.broadcast %jit3A_501 : i32 to vector<16xi32>
      %select_n3A_503 = arith.select %and3A_500, %sub3A_493, %broadcast_in_dim3A_502 : vector<16xi1>, vector<16xi32>
      %swap3A_504 = arith.constant 64 : index
      %swap3A_505 = tpu.vector_load %arg10[%swap3A_504] {strides = array<i32>} : memref<80xi32, #tpu.memory_space<vmem>>, vector<16xi32>,
      tpu.vector_store %arg10[%swap3A_504], %select_n3A_503 {strides = array<i32>} : memref<80xi32, #tpu.memory_space<vmem>>, vector<16xi32>,
      %dma_wait3A_506 = arith.constant 0 : i32
      %dma_wait3A_507 = tpu.memref_slice %arg2[%multiple_of3A_160, %dma_wait3A_506] : memref<320000x128xf32, #tpu.memory_space<hbm>> -> memref<80x128xf32, #tpu.memory_space<hbm>>
      %dma_wait3A_508 = arith.constant 0 : i32
      %dma_wait3A_509 = tpu.memref_slice %arg2[%multiple_of3A_160, %dma_wait3A_508] : memref<320000x128xf32, #tpu.memory_space<hbm>> -> memref<80x128xf32, #tpu.memory_space<hbm>>
      tpu.wait_dma2 semaphore(%arg20 : memref<!tpu.dma_semaphore, #tpu.memory_space<semaphore_mem>>) src(%dma_wait3A_509 : memref<80x128xf32, #tpu.memory_space<hbm>>) dst(%arg13 : memref<80x128xf32, #tpu.memory_space<vmem>>)
      "tpu.region"() ({
        %run_scoped3A = tpu.sem_alloc : memref<!tpu.dma_semaphore, #tpu.memory_space<semaphore_mem>>
        %dma_start3A_510 = arith.constant 0 : i32
        %dma_start3A_511 = arith.constant 0 : i32
        %dma_start3A_512 = tpu.memref_slice %arg21[%dma_start3A_510, %dma_start3A_511] : memref<5128x128xf32, #tpu.memory_space<vmem_shared>> -> memref<5128x128xf32, #tpu.memory_space<vmem_shared>>
        tpu.enqueue_indirect_dma source(%arg13 : memref<80x128xf32, #tpu.memory_space<vmem>>) target(%dma_start3A_512 : memref<5128x128xf32, #tpu.memory_space<vmem_shared>>) offsets(%arg10 : memref<80xi32, #tpu.memory_space<vmem>>) semaphore(%run_scoped3A : memref<!tpu.dma_semaphore, #tpu.memory_space<semaphore_mem>>) {add = true}
        %dma_wait3A_513 = arith.constant 0 : i32
        %dma_wait3A_514 = arith.constant 0 : i32
        %dma_wait3A_515 = tpu.memref_slice %arg21[%dma_wait3A_513, %dma_wait3A_514] : memref<5128x128xf32, #tpu.memory_space<vmem_shared>> -> memref<5128x128xf32, #tpu.memory_space<vmem_shared>>
        tpu.wait_indirect_dma semaphore(%run_scoped3A : memref<!tpu.dma_semaphore, #tpu.memory_space<semaphore_mem>>) src(%arg13 : memref<80x128xf32, #tpu.memory_space<vmem>>) dst(%dma_wait3A_515 : memref<5128x128xf32, #tpu.memory_space<vmem_shared>>)
        tpu.yield
      }) : () -> ()
    }
    %scan3A_17 = arith.constant 83 : i32
    %add3A_18 = arith.constant 19920 : i32
    %add3A_19 = arith.addi %multiple_of3A, %add3A_18 : i32
    %multiple_of3A_20 = tpu.assume_multiple %add3A_19, 8 : i32
    "tpu.region"() ({
      %run_scoped3A = tpu.sem_alloc : memref<!tpu.dma_semaphore, #tpu.memory_space<semaphore_mem>>
      %dma_start3A = tpu.memref_slice %arg3[%multiple_of3A_20] : memref<320000xi32, #tpu.memory_space<hbm>> -> memref<80xi32, #tpu.memory_space<hbm>>
      %dma_start3A_136 = tpu.memref_slice %arg3[%multiple_of3A_20] : memref<320000xi32, #tpu.memory_space<hbm>> -> memref<80xi32, #tpu.memory_space<hbm>>
      tpu.enqueue_dma source(%dma_start3A_136 : memref<80xi32, #tpu.memory_space<hbm>>) target(%arg8 : memref<80xi32, #tpu.memory_space<vmem>>) target_semaphore(%run_scoped3A : memref<!tpu.dma_semaphore, #tpu.memory_space<semaphore_mem>>)
      %dma_wait3A = tpu.memref_slice %arg3[%multiple_of3A_20] : memref<320000xi32, #tpu.memory_space<hbm>> -> memref<80xi32, #tpu.memory_space<hbm>>
      %dma_wait3A_137 = tpu.memref_slice %arg3[%multiple_of3A_20] : memref<320000xi32, #tpu.memory_space<hbm>> -> memref<80xi32, #tpu.memory_space<hbm>>
      tpu.wait_dma2 semaphore(%run_scoped3A : memref<!tpu.dma_semaphore, #tpu.memory_space<semaphore_mem>>) src(%dma_wait3A_137 : memref<80xi32, #tpu.memory_space<hbm>>) dst(%arg8 : memref<80xi32, #tpu.memory_space<vmem>>)
      tpu.yield
    }) : () -> ()
    "tpu.region"() ({
      %run_scoped3A = tpu.sem_alloc : memref<!tpu.dma_semaphore, #tpu.memory_space<semaphore_mem>>
      %dma_start3A = arith.constant 0 : i32
      %dma_start3A_136 = tpu.memref_slice %arg2[%multiple_of3A_20, %dma_start3A] : memref<320000x128xf32, #tpu.memory_space<hbm>> -> memref<80x128xf32, #tpu.memory_space<hbm>>
      %dma_start3A_137 = arith.constant 0 : i32
      %dma_start3A_138 = tpu.memref_slice %arg2[%multiple_of3A_20, %dma_start3A_137] : memref<320000x128xf32, #tpu.memory_space<hbm>> -> memref<80x128xf32, #tpu.memory_space<hbm>>
      tpu.enqueue_dma source(%dma_start3A_138 : memref<80x128xf32, #tpu.memory_space<hbm>>) target(%arg11 : memref<80x128xf32, #tpu.memory_space<vmem>>) target_semaphore(%run_scoped3A : memref<!tpu.dma_semaphore, #tpu.memory_space<semaphore_mem>>)
      %dma_wait3A = arith.constant 0 : i32
      %dma_wait3A_139 = tpu.memref_slice %arg2[%multiple_of3A_20, %dma_wait3A] : memref<320000x128xf32, #tpu.memory_space<hbm>> -> memref<80x128xf32, #tpu.memory_space<hbm>>
      %dma_wait3A_140 = arith.constant 0 : i32
      %dma_wait3A_141 = tpu.memref_slice %arg2[%multiple_of3A_20, %dma_wait3A_140] : memref<320000x128xf32, #tpu.memory_space<hbm>> -> memref<80x128xf32, #tpu.memory_space<hbm>>
      tpu.wait_dma2 semaphore(%run_scoped3A : memref<!tpu.dma_semaphore, #tpu.memory_space<semaphore_mem>>) src(%dma_wait3A_141 : memref<80x128xf32, #tpu.memory_space<hbm>>) dst(%arg11 : memref<80x128xf32, #tpu.memory_space<vmem>>)
      tpu.yield
    }) : () -> ()
    %get3A = arith.constant 0 : index
    %get3A_21 = tpu.vector_load %arg8[%get3A] {strides = array<i32>} : memref<80xi32, #tpu.memory_space<vmem>>, vector<16xi32>,
    %eq3A = arith.constant 0 : i32
    %eq3A_22 = arith.cmpi eq, %arg0, %eq3A : i32
    %convert_element_type3A = arith.extui %eq3A_22 : i1 to i32
    %cond3A = arith.constant 0 : i32
    %cond3A_23 = arith.cmpi ne, %convert_element_type3A, %cond3A : i32
    scf.if %cond3A_23 {
      %broadcast_in_dim3A_136 = arith.constant 1.000000e+00 : f32
      %broadcast_in_dim3A_137 = vector.broadcast %broadcast_in_dim3A_136 : f32 to vector<16xf32>
      tpu.vector_store_idx %arg14[%get3A_21], %broadcast_in_dim3A_137 {add = true} : memref<10240xf32, #tpu.memory_space<vmem>>[vector<16xi32>], vector<16xf32>,
    } else {
    }
    %sub3A = vector.broadcast %mul3A_5 : i32 to vector<16xi32>
    %sub3A_24 = arith.subi %get3A_21, %sub3A : vector<16xi32>
    %ge3A = arith.constant 0 : i32
    %ge3A_25 = vector.broadcast %ge3A : i32 to vector<16xi32>
    %ge3A_26 = arith.cmpi sge, %sub3A_24, %ge3A_25 : vector<16xi32>
    %lt3A = arith.constant 5120 : i32
    %lt3A_27 = vector.broadcast %lt3A : i32 to vector<16xi32>
    %lt3A_28 = arith.cmpi slt, %sub3A_24, %lt3A_27 : vector<16xi32>
    %and3A = arith.andi %ge3A_26, %lt3A_28 : vector<16xi1>
    %jit3A = arith.constant 5120 : i32
    %broadcast_in_dim3A = vector.broadcast %jit3A : i32 to vector<16xi32>
    %select_n3A = arith.select %and3A, %sub3A_24, %broadcast_in_dim3A : vector<16xi1>, vector<16xi32>
    %swap3A = arith.constant 0 : index
    %swap3A_29 = tpu.vector_load %arg8[%swap3A] {strides = array<i32>} : memref<80xi32, #tpu.memory_space<vmem>>, vector<16xi32>,
    tpu.vector_store %arg8[%swap3A], %select_n3A {strides = array<i32>} : memref<80xi32, #tpu.memory_space<vmem>>, vector<16xi32>,
    %get3A_30 = arith.constant 16 : index
    %get3A_31 = tpu.vector_load %arg8[%get3A_30] {strides = array<i32>} : memref<80xi32, #tpu.memory_space<vmem>>, vector<16xi32>,
    %eq3A_32 = arith.constant 0 : i32
    %eq3A_33 = arith.cmpi eq, %arg0, %eq3A_32 : i32
    %convert_element_type3A_34 = arith.extui %eq3A_33 : i1 to i32
    %cond3A_35 = arith.constant 0 : i32
    %cond3A_36 = arith.cmpi ne, %convert_element_type3A_34, %cond3A_35 : i32
    scf.if %cond3A_36 {
      %broadcast_in_dim3A_136 = arith.constant 1.000000e+00 : f32
      %broadcast_in_dim3A_137 = vector.broadcast %broadcast_in_dim3A_136 : f32 to vector<16xf32>
      tpu.vector_store_idx %arg14[%get3A_31], %broadcast_in_dim3A_137 {add = true} : memref<10240xf32, #tpu.memory_space<vmem>>[vector<16xi32>], vector<16xf32>,
    } else {
    }
    %sub3A_37 = vector.broadcast %mul3A_5 : i32 to vector<16xi32>
    %sub3A_38 = arith.subi %get3A_31, %sub3A_37 : vector<16xi32>
    %ge3A_39 = arith.constant 0 : i32
    %ge3A_40 = vector.broadcast %ge3A_39 : i32 to vector<16xi32>
    %ge3A_41 = arith.cmpi sge, %sub3A_38, %ge3A_40 : vector<16xi32>
    %lt3A_42 = arith.constant 5120 : i32
    %lt3A_43 = vector.broadcast %lt3A_42 : i32 to vector<16xi32>
    %lt3A_44 = arith.cmpi slt, %sub3A_38, %lt3A_43 : vector<16xi32>
    %and3A_45 = arith.andi %ge3A_41, %lt3A_44 : vector<16xi1>
    %jit3A_46 = arith.constant 5120 : i32
    %broadcast_in_dim3A_47 = vector.broadcast %jit3A_46 : i32 to vector<16xi32>
    %select_n3A_48 = arith.select %and3A_45, %sub3A_38, %broadcast_in_dim3A_47 : vector<16xi1>, vector<16xi32>
    %swap3A_49 = arith.constant 16 : index
    %swap3A_50 = tpu.vector_load %arg8[%swap3A_49] {strides = array<i32>} : memref<80xi32, #tpu.memory_space<vmem>>, vector<16xi32>,
    tpu.vector_store %arg8[%swap3A_49], %select_n3A_48 {strides = array<i32>} : memref<80xi32, #tpu.memory_space<vmem>>, vector<16xi32>,
    %get3A_51 = arith.constant 32 : index
    %get3A_52 = tpu.vector_load %arg8[%get3A_51] {strides = array<i32>} : memref<80xi32, #tpu.memory_space<vmem>>, vector<16xi32>,
    %eq3A_53 = arith.constant 0 : i32
    %eq3A_54 = arith.cmpi eq, %arg0, %eq3A_53 : i32
    %convert_element_type3A_55 = arith.extui %eq3A_54 : i1 to i32
    %cond3A_56 = arith.constant 0 : i32
    %cond3A_57 = arith.cmpi ne, %convert_element_type3A_55, %cond3A_56 : i32
    scf.if %cond3A_57 {
      %broadcast_in_dim3A_136 = arith.constant 1.000000e+00 : f32
      %broadcast_in_dim3A_137 = vector.broadcast %broadcast_in_dim3A_136 : f32 to vector<16xf32>
      tpu.vector_store_idx %arg14[%get3A_52], %broadcast_in_dim3A_137 {add = true} : memref<10240xf32, #tpu.memory_space<vmem>>[vector<16xi32>], vector<16xf32>,
    } else {
    }
    %sub3A_58 = vector.broadcast %mul3A_5 : i32 to vector<16xi32>
    %sub3A_59 = arith.subi %get3A_52, %sub3A_58 : vector<16xi32>
    %ge3A_60 = arith.constant 0 : i32
    %ge3A_61 = vector.broadcast %ge3A_60 : i32 to vector<16xi32>
    %ge3A_62 = arith.cmpi sge, %sub3A_59, %ge3A_61 : vector<16xi32>
    %lt3A_63 = arith.constant 5120 : i32
    %lt3A_64 = vector.broadcast %lt3A_63 : i32 to vector<16xi32>
    %lt3A_65 = arith.cmpi slt, %sub3A_59, %lt3A_64 : vector<16xi32>
    %and3A_66 = arith.andi %ge3A_62, %lt3A_65 : vector<16xi1>
    %jit3A_67 = arith.constant 5120 : i32
    %broadcast_in_dim3A_68 = vector.broadcast %jit3A_67 : i32 to vector<16xi32>
    %select_n3A_69 = arith.select %and3A_66, %sub3A_59, %broadcast_in_dim3A_68 : vector<16xi1>, vector<16xi32>
    %swap3A_70 = arith.constant 32 : index
    %swap3A_71 = tpu.vector_load %arg8[%swap3A_70] {strides = array<i32>} : memref<80xi32, #tpu.memory_space<vmem>>, vector<16xi32>,
    tpu.vector_store %arg8[%swap3A_70], %select_n3A_69 {strides = array<i32>} : memref<80xi32, #tpu.memory_space<vmem>>, vector<16xi32>,
    %get3A_72 = arith.constant 48 : index
    %get3A_73 = tpu.vector_load %arg8[%get3A_72] {strides = array<i32>} : memref<80xi32, #tpu.memory_space<vmem>>, vector<16xi32>,
    %eq3A_74 = arith.constant 0 : i32
    %eq3A_75 = arith.cmpi eq, %arg0, %eq3A_74 : i32
    %convert_element_type3A_76 = arith.extui %eq3A_75 : i1 to i32
    %cond3A_77 = arith.constant 0 : i32
    %cond3A_78 = arith.cmpi ne, %convert_element_type3A_76, %cond3A_77 : i32
    scf.if %cond3A_78 {
      %broadcast_in_dim3A_136 = arith.constant 1.000000e+00 : f32
      %broadcast_in_dim3A_137 = vector.broadcast %broadcast_in_dim3A_136 : f32 to vector<16xf32>
      tpu.vector_store_idx %arg14[%get3A_73], %broadcast_in_dim3A_137 {add = true} : memref<10240xf32, #tpu.memory_space<vmem>>[vector<16xi32>], vector<16xf32>,
    } else {
    }
    %sub3A_79 = vector.broadcast %mul3A_5 : i32 to vector<16xi32>
    %sub3A_80 = arith.subi %get3A_73, %sub3A_79 : vector<16xi32>
    %ge3A_81 = arith.constant 0 : i32
    %ge3A_82 = vector.broadcast %ge3A_81 : i32 to vector<16xi32>
    %ge3A_83 = arith.cmpi sge, %sub3A_80, %ge3A_82 : vector<16xi32>
    %lt3A_84 = arith.constant 5120 : i32
    %lt3A_85 = vector.broadcast %lt3A_84 : i32 to vector<16xi32>
    %lt3A_86 = arith.cmpi slt, %sub3A_80, %lt3A_85 : vector<16xi32>
    %and3A_87 = arith.andi %ge3A_83, %lt3A_86 : vector<16xi1>
    %jit3A_88 = arith.constant 5120 : i32
    %broadcast_in_dim3A_89 = vector.broadcast %jit3A_88 : i32 to vector<16xi32>
    %select_n3A_90 = arith.select %and3A_87, %sub3A_80, %broadcast_in_dim3A_89 : vector<16xi1>, vector<16xi32>
    %swap3A_91 = arith.constant 48 : index
    %swap3A_92 = tpu.vector_load %arg8[%swap3A_91] {strides = array<i32>} : memref<80xi32, #tpu.memory_space<vmem>>, vector<16xi32>,
    tpu.vector_store %arg8[%swap3A_91], %select_n3A_90 {strides = array<i32>} : memref<80xi32, #tpu.memory_space<vmem>>, vector<16xi32>,
    %get3A_93 = arith.constant 64 : index
    %get3A_94 = tpu.vector_load %arg8[%get3A_93] {strides = array<i32>} : memref<80xi32, #tpu.memory_space<vmem>>, vector<16xi32>,
    %eq3A_95 = arith.constant 0 : i32
    %eq3A_96 = arith.cmpi eq, %arg0, %eq3A_95 : i32
    %convert_element_type3A_97 = arith.extui %eq3A_96 : i1 to i32
    %cond3A_98 = arith.constant 0 : i32
    %cond3A_99 = arith.cmpi ne, %convert_element_type3A_97, %cond3A_98 : i32
    scf.if %cond3A_99 {
      %broadcast_in_dim3A_136 = arith.constant 1.000000e+00 : f32
      %broadcast_in_dim3A_137 = vector.broadcast %broadcast_in_dim3A_136 : f32 to vector<16xf32>
      tpu.vector_store_idx %arg14[%get3A_94], %broadcast_in_dim3A_137 {add = true} : memref<10240xf32, #tpu.memory_space<vmem>>[vector<16xi32>], vector<16xf32>,
    } else {
    }
    %sub3A_100 = vector.broadcast %mul3A_5 : i32 to vector<16xi32>
    %sub3A_101 = arith.subi %get3A_94, %sub3A_100 : vector<16xi32>
    %ge3A_102 = arith.constant 0 : i32
    %ge3A_103 = vector.broadcast %ge3A_102 : i32 to vector<16xi32>
    %ge3A_104 = arith.cmpi sge, %sub3A_101, %ge3A_103 : vector<16xi32>
    %lt3A_105 = arith.constant 5120 : i32
    %lt3A_106 = vector.broadcast %lt3A_105 : i32 to vector<16xi32>
    %lt3A_107 = arith.cmpi slt, %sub3A_101, %lt3A_106 : vector<16xi32>
    %and3A_108 = arith.andi %ge3A_104, %lt3A_107 : vector<16xi1>
    %jit3A_109 = arith.constant 5120 : i32
    %broadcast_in_dim3A_110 = vector.broadcast %jit3A_109 : i32 to vector<16xi32>
    %select_n3A_111 = arith.select %and3A_108, %sub3A_101, %broadcast_in_dim3A_110 : vector<16xi1>, vector<16xi32>
    %swap3A_112 = arith.constant 64 : index
    %swap3A_113 = tpu.vector_load %arg8[%swap3A_112] {strides = array<i32>} : memref<80xi32, #tpu.memory_space<vmem>>, vector<16xi32>,
    tpu.vector_store %arg8[%swap3A_112], %select_n3A_111 {strides = array<i32>} : memref<80xi32, #tpu.memory_space<vmem>>, vector<16xi32>,
    "tpu.region"() ({
      %run_scoped3A = tpu.sem_alloc : memref<!tpu.dma_semaphore, #tpu.memory_space<semaphore_mem>>
      %dma_start3A = arith.constant 0 : i32
      %dma_start3A_136 = arith.constant 0 : i32
      %dma_start3A_137 = tpu.memref_slice %arg21[%dma_start3A, %dma_start3A_136] : memref<5128x128xf32, #tpu.memory_space<vmem_shared>> -> memref<5128x128xf32, #tpu.memory_space<vmem_shared>>
      tpu.enqueue_indirect_dma source(%arg11 : memref<80x128xf32, #tpu.memory_space<vmem>>) target(%dma_start3A_137 : memref<5128x128xf32, #tpu.memory_space<vmem_shared>>) offsets(%arg8 : memref<80xi32, #tpu.memory_space<vmem>>) semaphore(%run_scoped3A : memref<!tpu.dma_semaphore, #tpu.memory_space<semaphore_mem>>) {add = true}
      %dma_wait3A = arith.constant 0 : i32
      %dma_wait3A_138 = arith.constant 0 : i32
      %dma_wait3A_139 = tpu.memref_slice %arg21[%dma_wait3A, %dma_wait3A_138] : memref<5128x128xf32, #tpu.memory_space<vmem_shared>> -> memref<5128x128xf32, #tpu.memory_space<vmem_shared>>
      tpu.wait_indirect_dma semaphore(%run_scoped3A : memref<!tpu.dma_semaphore, #tpu.memory_space<semaphore_mem>>) src(%arg11 : memref<80x128xf32, #tpu.memory_space<vmem>>) dst(%dma_wait3A_139 : memref<5128x128xf32, #tpu.memory_space<vmem_shared>>)
      tpu.yield
    }) : () -> ()
    %barrier3A_114 = arith.constant 0 : index
    tpu.barrier barrier_id(%barrier3A_114)
    %add3A_115 = arith.constant 0 : i32
    %add3A_116 = arith.addi %multiple_of3A_3, %add3A_115 : i32
    "tpu.region"() ({
      %run_scoped3A = tpu.sem_alloc : memref<!tpu.dma_semaphore, #tpu.memory_space<semaphore_mem>>
      %dma_start3A = arith.constant 0 : i32
      %dma_start3A_136 = tpu.memref_slice %arg21[%add3A_116, %dma_start3A] : memref<5128x128xf32, #tpu.memory_space<vmem_shared>> -> memref<80x128xf32, #tpu.memory_space<vmem_shared>>
      %dma_start3A_137 = arith.constant 0 : i32
      %dma_start3A_138 = tpu.memref_slice %arg21[%add3A_116, %dma_start3A_137] : memref<5128x128xf32, #tpu.memory_space<vmem_shared>> -> memref<80x128xf32, #tpu.memory_space<vmem_shared>>
      tpu.enqueue_dma source(%dma_start3A_138 : memref<80x128xf32, #tpu.memory_space<vmem_shared>>) target(%arg11 : memref<80x128xf32, #tpu.memory_space<vmem>>) target_semaphore(%run_scoped3A : memref<!tpu.dma_semaphore, #tpu.memory_space<semaphore_mem>>)
      %dma_wait3A = arith.constant 0 : i32
      %dma_wait3A_139 = tpu.memref_slice %arg21[%add3A_116, %dma_wait3A] : memref<5128x128xf32, #tpu.memory_space<vmem_shared>> -> memref<80x128xf32, #tpu.memory_space<vmem_shared>>
      %dma_wait3A_140 = arith.constant 0 : i32
      %dma_wait3A_141 = tpu.memref_slice %arg21[%add3A_116, %dma_wait3A_140] : memref<5128x128xf32, #tpu.memory_space<vmem_shared>> -> memref<80x128xf32, #tpu.memory_space<vmem_shared>>
      tpu.wait_dma2 semaphore(%run_scoped3A : memref<!tpu.dma_semaphore, #tpu.memory_space<semaphore_mem>>) src(%dma_wait3A_141 : memref<80x128xf32, #tpu.memory_space<vmem_shared>>) dst(%arg11 : memref<80x128xf32, #tpu.memory_space<vmem>>)
      tpu.yield
    }) : () -> ()
    %add3A_117 = arith.constant 0 : i32
    %add3A_118 = arith.addi %multiple_of3A_3, %add3A_117 : i32
    "tpu.region"() ({
      %run_scoped3A = tpu.sem_alloc : memref<!tpu.dma_semaphore, #tpu.memory_space<semaphore_mem>>
      %dma_start3A = arith.constant 0 : i32
      %dma_start3A_136 = tpu.memref_slice %arg6[%arg0, %add3A_118, %dma_start3A] : memref<2x5120x128xf32, #tpu.memory_space<hbm>> -> memref<1x80x128xf32, #tpu.memory_space<hbm>>
      %dma_start3A_137 = tpu.memref_squeeze %dma_start3A_136 : memref<1x80x128xf32, #tpu.memory_space<hbm>> -> memref<80x128xf32, #tpu.memory_space<hbm>>
      %dma_start3A_138 = arith.constant 0 : i32
      %dma_start3A_139 = tpu.memref_slice %arg6[%arg0, %add3A_118, %dma_start3A_138] : memref<2x5120x128xf32, #tpu.memory_space<hbm>> -> memref<1x80x128xf32, #tpu.memory_space<hbm>>
      %dma_start3A_140 = tpu.memref_squeeze %dma_start3A_139 : memref<1x80x128xf32, #tpu.memory_space<hbm>> -> memref<80x128xf32, #tpu.memory_space<hbm>>
      tpu.enqueue_dma source(%arg11 : memref<80x128xf32, #tpu.memory_space<vmem>>) target(%dma_start3A_140 : memref<80x128xf32, #tpu.memory_space<hbm>>) target_semaphore(%run_scoped3A : memref<!tpu.dma_semaphore, #tpu.memory_space<semaphore_mem>>)
      %dma_wait3A = arith.constant 0 : i32
      %dma_wait3A_141 = tpu.memref_slice %arg6[%arg0, %add3A_118, %dma_wait3A] : memref<2x5120x128xf32, #tpu.memory_space<hbm>> -> memref<1x80x128xf32, #tpu.memory_space<hbm>>
      %dma_wait3A_142 = tpu.memref_squeeze %dma_wait3A_141 : memref<1x80x128xf32, #tpu.memory_space<hbm>> -> memref<80x128xf32, #tpu.memory_space<hbm>>
      %dma_wait3A_143 = arith.constant 0 : i32
      %dma_wait3A_144 = tpu.memref_slice %arg6[%arg0, %add3A_118, %dma_wait3A_143] : memref<2x5120x128xf32, #tpu.memory_space<hbm>> -> memref<1x80x128xf32, #tpu.memory_space<hbm>>
      %dma_wait3A_145 = tpu.memref_squeeze %dma_wait3A_144 : memref<1x80x128xf32, #tpu.memory_space<hbm>> -> memref<80x128xf32, #tpu.memory_space<hbm>>
      tpu.wait_dma2 semaphore(%run_scoped3A : memref<!tpu.dma_semaphore, #tpu.memory_space<semaphore_mem>>) src(%arg11 : memref<80x128xf32, #tpu.memory_space<vmem>>) dst(%dma_wait3A_145 : memref<80x128xf32, #tpu.memory_space<hbm>>)
      tpu.yield
    }) : () -> ()
    %add3A_119 = arith.constant 80 : i32
    %add3A_120 = arith.addi %multiple_of3A_3, %add3A_119 : i32
    "tpu.region"() ({
      %run_scoped3A = tpu.sem_alloc : memref<!tpu.dma_semaphore, #tpu.memory_space<semaphore_mem>>
      %dma_start3A = arith.constant 0 : i32
      %dma_start3A_136 = tpu.memref_slice %arg21[%add3A_120, %dma_start3A] : memref<5128x128xf32, #tpu.memory_space<vmem_shared>> -> memref<80x128xf32, #tpu.memory_space<vmem_shared>>
      %dma_start3A_137 = arith.constant 0 : i32
      %dma_start3A_138 = tpu.memref_slice %arg21[%add3A_120, %dma_start3A_137] : memref<5128x128xf32, #tpu.memory_space<vmem_shared>> -> memref<80x128xf32, #tpu.memory_space<vmem_shared>>
      tpu.enqueue_dma source(%dma_start3A_138 : memref<80x128xf32, #tpu.memory_space<vmem_shared>>) target(%arg11 : memref<80x128xf32, #tpu.memory_space<vmem>>) target_semaphore(%run_scoped3A : memref<!tpu.dma_semaphore, #tpu.memory_space<semaphore_mem>>)
      %dma_wait3A = arith.constant 0 : i32
      %dma_wait3A_139 = tpu.memref_slice %arg21[%add3A_120, %dma_wait3A] : memref<5128x128xf32, #tpu.memory_space<vmem_shared>> -> memref<80x128xf32, #tpu.memory_space<vmem_shared>>
      %dma_wait3A_140 = arith.constant 0 : i32
      %dma_wait3A_141 = tpu.memref_slice %arg21[%add3A_120, %dma_wait3A_140] : memref<5128x128xf32, #tpu.memory_space<vmem_shared>> -> memref<80x128xf32, #tpu.memory_space<vmem_shared>>
      tpu.wait_dma2 semaphore(%run_scoped3A : memref<!tpu.dma_semaphore, #tpu.memory_space<semaphore_mem>>) src(%dma_wait3A_141 : memref<80x128xf32, #tpu.memory_space<vmem_shared>>) dst(%arg11 : memref<80x128xf32, #tpu.memory_space<vmem>>)
      tpu.yield
    }) : () -> ()
    %add3A_121 = arith.constant 80 : i32
    %add3A_122 = arith.addi %multiple_of3A_3, %add3A_121 : i32
    "tpu.region"() ({
      %run_scoped3A = tpu.sem_alloc : memref<!tpu.dma_semaphore, #tpu.memory_space<semaphore_mem>>
      %dma_start3A = arith.constant 0 : i32
      %dma_start3A_136 = tpu.memref_slice %arg6[%arg0, %add3A_122, %dma_start3A] : memref<2x5120x128xf32, #tpu.memory_space<hbm>> -> memref<1x80x128xf32, #tpu.memory_space<hbm>>
      %dma_start3A_137 = tpu.memref_squeeze %dma_start3A_136 : memref<1x80x128xf32, #tpu.memory_space<hbm>> -> memref<80x128xf32, #tpu.memory_space<hbm>>
      %dma_start3A_138 = arith.constant 0 : i32
      %dma_start3A_139 = tpu.memref_slice %arg6[%arg0, %add3A_122, %dma_start3A_138] : memref<2x5120x128xf32, #tpu.memory_space<hbm>> -> memref<1x80x128xf32, #tpu.memory_space<hbm>>
      %dma_start3A_140 = tpu.memref_squeeze %dma_start3A_139 : memref<1x80x128xf32, #tpu.memory_space<hbm>> -> memref<80x128xf32, #tpu.memory_space<hbm>>
      tpu.enqueue_dma source(%arg11 : memref<80x128xf32, #tpu.memory_space<vmem>>) target(%dma_start3A_140 : memref<80x128xf32, #tpu.memory_space<hbm>>) target_semaphore(%run_scoped3A : memref<!tpu.dma_semaphore, #tpu.memory_space<semaphore_mem>>)
      %dma_wait3A = arith.constant 0 : i32
      %dma_wait3A_141 = tpu.memref_slice %arg6[%arg0, %add3A_122, %dma_wait3A] : memref<2x5120x128xf32, #tpu.memory_space<hbm>> -> memref<1x80x128xf32, #tpu.memory_space<hbm>>
      %dma_wait3A_142 = tpu.memref_squeeze %dma_wait3A_141 : memref<1x80x128xf32, #tpu.memory_space<hbm>> -> memref<80x128xf32, #tpu.memory_space<hbm>>
      %dma_wait3A_143 = arith.constant 0 : i32
      %dma_wait3A_144 = tpu.memref_slice %arg6[%arg0, %add3A_122, %dma_wait3A_143] : memref<2x5120x128xf32, #tpu.memory_space<hbm>> -> memref<1x80x128xf32, #tpu.memory_space<hbm>>
      %dma_wait3A_145 = tpu.memref_squeeze %dma_wait3A_144 : memref<1x80x128xf32, #tpu.memory_space<hbm>> -> memref<80x128xf32, #tpu.memory_space<hbm>>
      tpu.wait_dma2 semaphore(%run_scoped3A : memref<!tpu.dma_semaphore, #tpu.memory_space<semaphore_mem>>) src(%arg11 : memref<80x128xf32, #tpu.memory_space<vmem>>) dst(%dma_wait3A_145 : memref<80x128xf32, #tpu.memory_space<hbm>>)
      tpu.yield
    }) : () -> ()
    %add3A_123 = arith.constant 160 : i32
    %add3A_124 = arith.addi %multiple_of3A_3, %add3A_123 : i32
    "tpu.region"() ({
      %run_scoped3A = tpu.sem_alloc : memref<!tpu.dma_semaphore, #tpu.memory_space<semaphore_mem>>
      %dma_start3A = arith.constant 0 : i32
      %dma_start3A_136 = tpu.memref_slice %arg21[%add3A_124, %dma_start3A] : memref<5128x128xf32, #tpu.memory_space<vmem_shared>> -> memref<80x128xf32, #tpu.memory_space<vmem_shared>>
      %dma_start3A_137 = arith.constant 0 : i32
      %dma_start3A_138 = tpu.memref_slice %arg21[%add3A_124, %dma_start3A_137] : memref<5128x128xf32, #tpu.memory_space<vmem_shared>> -> memref<80x128xf32, #tpu.memory_space<vmem_shared>>
      tpu.enqueue_dma source(%dma_start3A_138 : memref<80x128xf32, #tpu.memory_space<vmem_shared>>) target(%arg11 : memref<80x128xf32, #tpu.memory_space<vmem>>) target_semaphore(%run_scoped3A : memref<!tpu.dma_semaphore, #tpu.memory_space<semaphore_mem>>)
      %dma_wait3A = arith.constant 0 : i32
      %dma_wait3A_139 = tpu.memref_slice %arg21[%add3A_124, %dma_wait3A] : memref<5128x128xf32, #tpu.memory_space<vmem_shared>> -> memref<80x128xf32, #tpu.memory_space<vmem_shared>>
      %dma_wait3A_140 = arith.constant 0 : i32
      %dma_wait3A_141 = tpu.memref_slice %arg21[%add3A_124, %dma_wait3A_140] : memref<5128x128xf32, #tpu.memory_space<vmem_shared>> -> memref<80x128xf32, #tpu.memory_space<vmem_shared>>
      tpu.wait_dma2 semaphore(%run_scoped3A : memref<!tpu.dma_semaphore, #tpu.memory_space<semaphore_mem>>) src(%dma_wait3A_141 : memref<80x128xf32, #tpu.memory_space<vmem_shared>>) dst(%arg11 : memref<80x128xf32, #tpu.memory_space<vmem>>)
      tpu.yield
    }) : () -> ()
    %add3A_125 = arith.constant 160 : i32
    %add3A_126 = arith.addi %multiple_of3A_3, %add3A_125 : i32
    "tpu.region"() ({
      %run_scoped3A = tpu.sem_alloc : memref<!tpu.dma_semaphore, #tpu.memory_space<semaphore_mem>>
      %dma_start3A = arith.constant 0 : i32
      %dma_start3A_136 = tpu.memref_slice %arg6[%arg0, %add3A_126, %dma_start3A] : memref<2x5120x128xf32, #tpu.memory_space<hbm>> -> memref<1x80x128xf32, #tpu.memory_space<hbm>>
      %dma_start3A_137 = tpu.memref_squeeze %dma_start3A_136 : memref<1x80x128xf32, #tpu.memory_space<hbm>> -> memref<80x128xf32, #tpu.memory_space<hbm>>
      %dma_start3A_138 = arith.constant 0 : i32
      %dma_start3A_139 = tpu.memref_slice %arg6[%arg0, %add3A_126, %dma_start3A_138] : memref<2x5120x128xf32, #tpu.memory_space<hbm>> -> memref<1x80x128xf32, #tpu.memory_space<hbm>>
      %dma_start3A_140 = tpu.memref_squeeze %dma_start3A_139 : memref<1x80x128xf32, #tpu.memory_space<hbm>> -> memref<80x128xf32, #tpu.memory_space<hbm>>
      tpu.enqueue_dma source(%arg11 : memref<80x128xf32, #tpu.memory_space<vmem>>) target(%dma_start3A_140 : memref<80x128xf32, #tpu.memory_space<hbm>>) target_semaphore(%run_scoped3A : memref<!tpu.dma_semaphore, #tpu.memory_space<semaphore_mem>>)
      %dma_wait3A = arith.constant 0 : i32
      %dma_wait3A_141 = tpu.memref_slice %arg6[%arg0, %add3A_126, %dma_wait3A] : memref<2x5120x128xf32, #tpu.memory_space<hbm>> -> memref<1x80x128xf32, #tpu.memory_space<hbm>>
      %dma_wait3A_142 = tpu.memref_squeeze %dma_wait3A_141 : memref<1x80x128xf32, #tpu.memory_space<hbm>> -> memref<80x128xf32, #tpu.memory_space<hbm>>
      %dma_wait3A_143 = arith.constant 0 : i32
      %dma_wait3A_144 = tpu.memref_slice %arg6[%arg0, %add3A_126, %dma_wait3A_143] : memref<2x5120x128xf32, #tpu.memory_space<hbm>> -> memref<1x80x128xf32, #tpu.memory_space<hbm>>
      %dma_wait3A_145 = tpu.memref_squeeze %dma_wait3A_144 : memref<1x80x128xf32, #tpu.memory_space<hbm>> -> memref<80x128xf32, #tpu.memory_space<hbm>>
      tpu.wait_dma2 semaphore(%run_scoped3A : memref<!tpu.dma_semaphore, #tpu.memory_space<semaphore_mem>>) src(%arg11 : memref<80x128xf32, #tpu.memory_space<vmem>>) dst(%dma_wait3A_145 : memref<80x128xf32, #tpu.memory_space<hbm>>)
      tpu.yield
    }) : () -> ()
    %add3A_127 = arith.constant 240 : i32
    %add3A_128 = arith.addi %multiple_of3A_3, %add3A_127 : i32
    "tpu.region"() ({
      %run_scoped3A = tpu.sem_alloc : memref<!tpu.dma_semaphore, #tpu.memory_space<semaphore_mem>>
      %dma_start3A = arith.constant 0 : i32
      %dma_start3A_136 = tpu.memref_slice %arg21[%add3A_128, %dma_start3A] : memref<5128x128xf32, #tpu.memory_space<vmem_shared>> -> memref<80x128xf32, #tpu.memory_space<vmem_shared>>
      %dma_start3A_137 = arith.constant 0 : i32
      %dma_start3A_138 = tpu.memref_slice %arg21[%add3A_128, %dma_start3A_137] : memref<5128x128xf32, #tpu.memory_space<vmem_shared>> -> memref<80x128xf32, #tpu.memory_space<vmem_shared>>
      tpu.enqueue_dma source(%dma_start3A_138 : memref<80x128xf32, #tpu.memory_space<vmem_shared>>) target(%arg11 : memref<80x128xf32, #tpu.memory_space<vmem>>) target_semaphore(%run_scoped3A : memref<!tpu.dma_semaphore, #tpu.memory_space<semaphore_mem>>)
      %dma_wait3A = arith.constant 0 : i32
      %dma_wait3A_139 = tpu.memref_slice %arg21[%add3A_128, %dma_wait3A] : memref<5128x128xf32, #tpu.memory_space<vmem_shared>> -> memref<80x128xf32, #tpu.memory_space<vmem_shared>>
      %dma_wait3A_140 = arith.constant 0 : i32
      %dma_wait3A_141 = tpu.memref_slice %arg21[%add3A_128, %dma_wait3A_140] : memref<5128x128xf32, #tpu.memory_space<vmem_shared>> -> memref<80x128xf32, #tpu.memory_space<vmem_shared>>
      tpu.wait_dma2 semaphore(%run_scoped3A : memref<!tpu.dma_semaphore, #tpu.memory_space<semaphore_mem>>) src(%dma_wait3A_141 : memref<80x128xf32, #tpu.memory_space<vmem_shared>>) dst(%arg11 : memref<80x128xf32, #tpu.memory_space<vmem>>)
      tpu.yield
    }) : () -> ()
    %add3A_129 = arith.constant 240 : i32
    %add3A_130 = arith.addi %multiple_of3A_3, %add3A_129 : i32
    "tpu.region"() ({
      %run_scoped3A = tpu.sem_alloc : memref<!tpu.dma_semaphore, #tpu.memory_space<semaphore_mem>>
      %dma_start3A = arith.constant 0 : i32
      %dma_start3A_136 = tpu.memref_slice %arg6[%arg0, %add3A_130, %dma_start3A] : memref<2x5120x128xf32, #tpu.memory_space<hbm>> -> memref<1x80x128xf32, #tpu.memory_space<hbm>>
      %dma_start3A_137 = tpu.memref_squeeze %dma_start3A_136 : memref<1x80x128xf32, #tpu.memory_space<hbm>> -> memref<80x128xf32, #tpu.memory_space<hbm>>
      %dma_start3A_138 = arith.constant 0 : i32
      %dma_start3A_139 = tpu.memref_slice %arg6[%arg0, %add3A_130, %dma_start3A_138] : memref<2x5120x128xf32, #tpu.memory_space<hbm>> -> memref<1x80x128xf32, #tpu.memory_space<hbm>>
      %dma_start3A_140 = tpu.memref_squeeze %dma_start3A_139 : memref<1x80x128xf32, #tpu.memory_space<hbm>> -> memref<80x128xf32, #tpu.memory_space<hbm>>
      tpu.enqueue_dma source(%arg11 : memref<80x128xf32, #tpu.memory_space<vmem>>) target(%dma_start3A_140 : memref<80x128xf32, #tpu.memory_space<hbm>>) target_semaphore(%run_scoped3A : memref<!tpu.dma_semaphore, #tpu.memory_space<semaphore_mem>>)
      %dma_wait3A = arith.constant 0 : i32
      %dma_wait3A_141 = tpu.memref_slice %arg6[%arg0, %add3A_130, %dma_wait3A] : memref<2x5120x128xf32, #tpu.memory_space<hbm>> -> memref<1x80x128xf32, #tpu.memory_space<hbm>>
      %dma_wait3A_142 = tpu.memref_squeeze %dma_wait3A_141 : memref<1x80x128xf32, #tpu.memory_space<hbm>> -> memref<80x128xf32, #tpu.memory_space<hbm>>
      %dma_wait3A_143 = arith.constant 0 : i32
      %dma_wait3A_144 = tpu.memref_slice %arg6[%arg0, %add3A_130, %dma_wait3A_143] : memref<2x5120x128xf32, #tpu.memory_space<hbm>> -> memref<1x80x128xf32, #tpu.memory_space<hbm>>
      %dma_wait3A_145 = tpu.memref_squeeze %dma_wait3A_144 : memref<1x80x128xf32, #tpu.memory_space<hbm>> -> memref<80x128xf32, #tpu.memory_space<hbm>>
      tpu.wait_dma2 semaphore(%run_scoped3A : memref<!tpu.dma_semaphore, #tpu.memory_space<semaphore_mem>>) src(%arg11 : memref<80x128xf32, #tpu.memory_space<vmem>>) dst(%dma_wait3A_145 : memref<80x128xf32, #tpu.memory_space<hbm>>)
      tpu.yield
    }) : () -> ()
    %eq3A_131 = arith.constant 0 : i32
    %eq3A_132 = arith.cmpi eq, %arg0, %eq3A_131 : i32
    %convert_element_type3A_133 = arith.extui %eq3A_132 : i1 to i32
    %cond3A_134 = arith.constant 0 : i32
    %cond3A_135 = arith.cmpi ne, %convert_element_type3A_133, %cond3A_134 : i32
    scf.if %cond3A_135 {
      %mul3A_136 = arith.constant 10240 : i32
      %mul3A_137 = arith.muli %arg1, %mul3A_136 : i32
      "tpu.region"() ({
        %run_scoped3A = tpu.sem_alloc : memref<!tpu.dma_semaphore, #tpu.memory_space<semaphore_mem>>
        %dma_start3A = tpu.memref_slice %arg7[%mul3A_137] : memref<163840xf32, #tpu.memory_space<hbm>> -> memref<10240xf32, #tpu.memory_space<hbm>>
        %dma_start3A_138 = tpu.memref_slice %arg7[%mul3A_137] : memref<163840xf32, #tpu.memory_space<hbm>> -> memref<10240xf32, #tpu.memory_space<hbm>>
        tpu.enqueue_dma source(%arg14 : memref<10240xf32, #tpu.memory_space<vmem>>) target(%dma_start3A_138 : memref<10240xf32, #tpu.memory_space<hbm>>) target_semaphore(%run_scoped3A : memref<!tpu.dma_semaphore, #tpu.memory_space<semaphore_mem>>)
        %dma_wait3A = tpu.memref_slice %arg7[%mul3A_137] : memref<163840xf32, #tpu.memory_space<hbm>> -> memref<10240xf32, #tpu.memory_space<hbm>>
        %dma_wait3A_139 = tpu.memref_slice %arg7[%mul3A_137] : memref<163840xf32, #tpu.memory_space<hbm>> -> memref<10240xf32, #tpu.memory_space<hbm>>
        tpu.wait_dma2 semaphore(%run_scoped3A : memref<!tpu.dma_semaphore, #tpu.memory_space<semaphore_mem>>) src(%arg14 : memref<10240xf32, #tpu.memory_space<vmem>>) dst(%dma_wait3A_139 : memref<10240xf32, #tpu.memory_space<hbm>>)
        tpu.yield
      }) : () -> ()
    } else {
    }
    return
  }
}

module attributes {stable_mosaic.version = 14 : i64} {
  func.func @_passa_body(%arg0: i32, %arg1: memref<2560x128xf32, #tpu.memory_space<vmem>>, %arg2: memref<2560x128xf32, #tpu.memory_space<vmem>>, %arg3: memref<2560x128xf32, #tpu.memory_space<vmem>>, %arg4: memref<128x128xf32, #tpu.memory_space<vmem>>, %arg5: memref<1x128xf32, #tpu.memory_space<vmem>>, %arg6: memref<2560x128xbf16, #tpu.memory_space<vmem>>, %arg7: memref<1x128xf32, #tpu.memory_space<vmem>>, %arg8: memref<1x128xf32, #tpu.memory_space<vmem>>) attributes {dimension_semantics = [#tpu.dimension_semantics<arbitrary>], iteration_bounds = array<i64: 125>, scalar_prefetch = 0 : i64, scratch_operands = 0 : i64, tpu.core_type = #tpu.core_type<tc>, window_params = [{transform_indices = @transform_0, window_bounds = array<i64: 2560, 128>}, {transform_indices = @transform_1, window_bounds = array<i64: 2560, 128>}, {transform_indices = @transform_2, window_bounds = array<i64: 2560, 128>}, {pipeline_mode = #tpu.pipeline_mode<synchronous>, transform_indices = @transform_3, window_bounds = array<i64: 128, 128>}, {pipeline_mode = #tpu.pipeline_mode<synchronous>, transform_indices = @transform_4, window_bounds = array<i64: 1, 128>}, {transform_indices = @transform_5, window_bounds = array<i64: 2560, 128>}, {pipeline_mode = #tpu.pipeline_mode<synchronous>, transform_indices = @transform_6, window_bounds = array<i64: 1, 128>}, {pipeline_mode = #tpu.pipeline_mode<synchronous>, transform_indices = @transform_7, window_bounds = array<i64: 1, 128>}]} {
    %get3A = arith.constant 0 : index
    %get3A_0 = arith.constant 0 : index
    %get3A_1 = vector.load %arg3[%get3A, %get3A_0] : memref<2560x128xf32, #tpu.memory_space<vmem>>, vector<2560x128xf32>
    %get3A_2 = arith.constant 0 : index
    %get3A_3 = arith.constant 0 : index
    %get3A_4 = vector.load %arg4[%get3A_2, %get3A_3] : memref<128x128xf32, #tpu.memory_space<vmem>>, vector<128x128xf32>
    %dot_general3A = arith.constant dense<0.000000e+00> : vector<2560x128xf32>
    %dot_general3A_5 = tpu.matmul %get3A_1, %get3A_4, %dot_general3A {dimension_numbers = #tpu.dot_dimension_numbers<[1], [0], [0], [1], [0, 0, 1, 1], [], []>, transpose_lhs_hint = false} : vector<2560x128xf32>, vector<128x128xf32>, vector<2560x128xf32> -> vector<2560x128xf32>
    %get3A_6 = arith.constant 0 : index
    %get3A_7 = arith.constant 0 : index
    %get3A_8 = vector.load %arg1[%get3A_6, %get3A_7] : memref<2560x128xf32, #tpu.memory_space<vmem>>, vector<2560x128xf32>
    %add3A = arith.addf %dot_general3A_5, %get3A_8 : vector<2560x128xf32>
    %get3A_9 = arith.constant 0 : index
    %get3A_10 = arith.constant 0 : index
    %get3A_11 = vector.load %arg2[%get3A_9, %get3A_10] : memref<2560x128xf32, #tpu.memory_space<vmem>>, vector<2560x128xf32>
    %add3A_12 = arith.addf %add3A, %get3A_11 : vector<2560x128xf32>
    %get3A_13 = arith.constant 0 : index
    %get3A_14 = arith.constant 0 : index
    %get3A_15 = vector.load %arg5[%get3A_13, %get3A_14] : memref<1x128xf32, #tpu.memory_space<vmem>>, vector<1x128xf32>
    %add3A_16 = vector.broadcast %get3A_15 : vector<1x128xf32> to vector<2560x128xf32>
    %add3A_17 = arith.addf %add3A_12, %add3A_16 : vector<2560x128xf32>
    %convert_element_type3A = arith.truncf %add3A_17 : vector<2560x128xf32> to vector<2560x128xbf16>
    %swap3A = arith.constant 0 : index
    %swap3A_18 = arith.constant 0 : index
    %swap3A_19 = vector.load %arg6[%swap3A, %swap3A_18] : memref<2560x128xbf16, #tpu.memory_space<vmem>>, vector<2560x128xbf16>
    tpu.vector_store %arg6[%swap3A, %swap3A_18], %convert_element_type3A {strides = array<i32>} : memref<2560x128xbf16, #tpu.memory_space<vmem>>, vector<2560x128xbf16>,
    %reduce_sum3A = arith.constant dense<0.000000e+00> : vector<128xf32>
    %reduce_sum3A_20 = vector.multi_reduction <add>, %add3A_17, %reduce_sum3A [0] : vector<2560x128xf32> to vector<128xf32>
    %broadcast_in_dim3A = vector.shape_cast %reduce_sum3A_20 : vector<128xf32> to vector<1x128xf32>
    %mul3A = arith.mulf %add3A_17, %add3A_17 : vector<2560x128xf32>
    %reduce_sum3A_21 = arith.constant dense<0.000000e+00> : vector<128xf32>
    %reduce_sum3A_22 = vector.multi_reduction <add>, %mul3A, %reduce_sum3A_21 [0] : vector<2560x128xf32> to vector<128xf32>
    %broadcast_in_dim3A_23 = vector.shape_cast %reduce_sum3A_22 : vector<128xf32> to vector<1x128xf32>
    %eq3A = arith.constant 0 : i32
    %eq3A_24 = arith.cmpi eq, %arg0, %eq3A : i32
    %convert_element_type3A_25 = arith.extui %eq3A_24 : i1 to i32
    %cond3A = arith.constant 0 : i32
    %cond3A_26 = arith.cmpi ne, %convert_element_type3A_25, %cond3A : i32
    scf.if %cond3A_26 {
      %swap3A_31 = arith.constant 0 : index
      %swap3A_32 = arith.constant 0 : index
      %swap3A_33 = vector.load %arg7[%swap3A_31, %swap3A_32] : memref<1x128xf32, #tpu.memory_space<vmem>>, vector<1x128xf32>
      tpu.vector_store %arg7[%swap3A_31, %swap3A_32], %broadcast_in_dim3A {strides = array<i32>} : memref<1x128xf32, #tpu.memory_space<vmem>>, vector<1x128xf32>,
      %swap3A_34 = arith.constant 0 : index
      %swap3A_35 = arith.constant 0 : index
      %swap3A_36 = vector.load %arg8[%swap3A_34, %swap3A_35] : memref<1x128xf32, #tpu.memory_space<vmem>>, vector<1x128xf32>
      tpu.vector_store %arg8[%swap3A_34, %swap3A_35], %broadcast_in_dim3A_23 {strides = array<i32>} : memref<1x128xf32, #tpu.memory_space<vmem>>, vector<1x128xf32>,
    } else {
    }
    %ne3A = arith.constant 0 : i32
    %ne3A_27 = arith.cmpi ne, %arg0, %ne3A : i32
    %convert_element_type3A_28 = arith.extui %ne3A_27 : i1 to i32
    %cond3A_29 = arith.constant 0 : i32
    %cond3A_30 = arith.cmpi ne, %convert_element_type3A_28, %cond3A_29 : i32
    scf.if %cond3A_30 {
      %get3A_31 = arith.constant 0 : index
      %get3A_32 = arith.constant 0 : index
      %get3A_33 = vector.load %arg7[%get3A_31, %get3A_32] : memref<1x128xf32, #tpu.memory_space<vmem>>, vector<1x128xf32>
      %add3A_34 = arith.addf %get3A_33, %broadcast_in_dim3A : vector<1x128xf32>
      %swap3A_35 = arith.constant 0 : index
      %swap3A_36 = arith.constant 0 : index
      %swap3A_37 = vector.load %arg7[%swap3A_35, %swap3A_36] : memref<1x128xf32, #tpu.memory_space<vmem>>, vector<1x128xf32>
      tpu.vector_store %arg7[%swap3A_35, %swap3A_36], %add3A_34 {strides = array<i32>} : memref<1x128xf32, #tpu.memory_space<vmem>>, vector<1x128xf32>,
      %get3A_38 = arith.constant 0 : index
      %get3A_39 = arith.constant 0 : index
      %get3A_40 = vector.load %arg8[%get3A_38, %get3A_39] : memref<1x128xf32, #tpu.memory_space<vmem>>, vector<1x128xf32>
      %add3A_41 = arith.addf %get3A_40, %broadcast_in_dim3A_23 : vector<1x128xf32>
      %swap3A_42 = arith.constant 0 : index
      %swap3A_43 = arith.constant 0 : index
      %swap3A_44 = vector.load %arg8[%swap3A_42, %swap3A_43] : memref<1x128xf32, #tpu.memory_space<vmem>>, vector<1x128xf32>
      tpu.vector_store %arg8[%swap3A_42, %swap3A_43], %add3A_41 {strides = array<i32>} : memref<1x128xf32, #tpu.memory_space<vmem>>, vector<1x128xf32>,
    } else {
    }
    return
  }
  func.func @transform_0(%arg0: i32) -> (i32, i32) {
    %c0_i32 = arith.constant 0 : i32
    %c0_i32_0 = arith.constant 0 : i32
    return %arg0, %c0_i32 : i32, i32
  }
  func.func @transform_1(%arg0: i32) -> (i32, i32) {
    %c0_i32 = arith.constant 0 : i32
    %c0_i32_0 = arith.constant 0 : i32
    return %arg0, %c0_i32 : i32, i32
  }
  func.func @transform_2(%arg0: i32) -> (i32, i32) {
    %c0_i32 = arith.constant 0 : i32
    %c0_i32_0 = arith.constant 0 : i32
    return %arg0, %c0_i32 : i32, i32
  }
  func.func @transform_3(%arg0: i32) -> (i32, i32) {
    %c0_i32 = arith.constant 0 : i32
    %c0_i32_0 = arith.constant 0 : i32
    %c0_i32_1 = arith.constant 0 : i32
    return %c0_i32, %c0_i32_0 : i32, i32
  }
  func.func @transform_4(%arg0: i32) -> (i32, i32) {
    %c0_i32 = arith.constant 0 : i32
    %c0_i32_0 = arith.constant 0 : i32
    %c0_i32_1 = arith.constant 0 : i32
    return %c0_i32, %c0_i32_0 : i32, i32
  }
  func.func @transform_5(%arg0: i32) -> (i32, i32) {
    %c0_i32 = arith.constant 0 : i32
    %c0_i32_0 = arith.constant 0 : i32
    return %arg0, %c0_i32 : i32, i32
  }
  func.func @transform_6(%arg0: i32) -> (i32, i32) {
    %c0_i32 = arith.constant 0 : i32
    %c0_i32_0 = arith.constant 0 : i32
    %c0_i32_1 = arith.constant 0 : i32
    return %c0_i32, %c0_i32_0 : i32, i32
  }
  func.func @transform_7(%arg0: i32) -> (i32, i32) {
    %c0_i32 = arith.constant 0 : i32
    %c0_i32_0 = arith.constant 0 : i32
    %c0_i32_1 = arith.constant 0 : i32
    return %c0_i32, %c0_i32_0 : i32, i32
  }
}

module attributes {stable_mosaic.version = 14 : i64} {
  func.func @_passb_body(%arg0: i32, %arg1: memref<2560x128xbf16, #tpu.memory_space<vmem>>, %arg2: memref<1x128xf32, #tpu.memory_space<vmem>>, %arg3: memref<1x128xf32, #tpu.memory_space<vmem>>, %arg4: memref<1x128xf32, #tpu.memory_space<vmem>>, %arg5: memref<1x128xf32, #tpu.memory_space<vmem>>, %arg6: memref<128x128xf32, #tpu.memory_space<vmem>>, %arg7: memref<1x128xf32, #tpu.memory_space<vmem>>, %arg8: memref<2560x128xbf16, #tpu.memory_space<vmem>>, %arg9: memref<1x128xf32, #tpu.memory_space<vmem>>, %arg10: memref<1x128xf32, #tpu.memory_space<vmem>>) attributes {dimension_semantics = [#tpu.dimension_semantics<arbitrary>], iteration_bounds = array<i64: 125>, scalar_prefetch = 0 : i64, scratch_operands = 0 : i64, tpu.core_type = #tpu.core_type<tc>, window_params = [{transform_indices = @transform_0, window_bounds = array<i64: 2560, 128>}, {pipeline_mode = #tpu.pipeline_mode<synchronous>, transform_indices = @transform_1, window_bounds = array<i64: 1, 128>}, {pipeline_mode = #tpu.pipeline_mode<synchronous>, transform_indices = @transform_2, window_bounds = array<i64: 1, 128>}, {pipeline_mode = #tpu.pipeline_mode<synchronous>, transform_indices = @transform_3, window_bounds = array<i64: 1, 128>}, {pipeline_mode = #tpu.pipeline_mode<synchronous>, transform_indices = @transform_4, window_bounds = array<i64: 1, 128>}, {pipeline_mode = #tpu.pipeline_mode<synchronous>, transform_indices = @transform_5, window_bounds = array<i64: 128, 128>}, {pipeline_mode = #tpu.pipeline_mode<synchronous>, transform_indices = @transform_6, window_bounds = array<i64: 1, 128>}, {transform_indices = @transform_7, window_bounds = array<i64: 2560, 128>}, {pipeline_mode = #tpu.pipeline_mode<synchronous>, transform_indices = @transform_8, window_bounds = array<i64: 1, 128>}, {pipeline_mode = #tpu.pipeline_mode<synchronous>, transform_indices = @transform_9, window_bounds = array<i64: 1, 128>}]} {
    %get3A = arith.constant 0 : index
    %get3A_0 = arith.constant 0 : index
    %get3A_1 = vector.load %arg2[%get3A, %get3A_0] : memref<1x128xf32, #tpu.memory_space<vmem>>, vector<1x128xf32>
    %get3A_2 = arith.constant 0 : index
    %get3A_3 = arith.constant 0 : index
    %get3A_4 = vector.load %arg3[%get3A_2, %get3A_3] : memref<1x128xf32, #tpu.memory_space<vmem>>, vector<1x128xf32>
    %get3A_5 = arith.constant 0 : index
    %get3A_6 = arith.constant 0 : index
    %get3A_7 = vector.load %arg4[%get3A_5, %get3A_6] : memref<1x128xf32, #tpu.memory_space<vmem>>, vector<1x128xf32>
    %get3A_8 = arith.constant 0 : index
    %get3A_9 = arith.constant 0 : index
    %get3A_10 = vector.load %arg5[%get3A_8, %get3A_9] : memref<1x128xf32, #tpu.memory_space<vmem>>, vector<1x128xf32>
    %mul3A = arith.constant 3.125000e-06 : f32
    %mul3A_11 = vector.broadcast %mul3A : f32 to vector<1x128xf32>
    %mul3A_12 = arith.mulf %get3A_1, %mul3A_11 : vector<1x128xf32>
    %mul3A_13 = arith.constant 3.125000e-06 : f32
    %mul3A_14 = vector.broadcast %mul3A_13 : f32 to vector<1x128xf32>
    %mul3A_15 = arith.mulf %get3A_4, %mul3A_14 : vector<1x128xf32>
    %mul3A_16 = arith.mulf %mul3A_12, %mul3A_12 : vector<1x128xf32>
    %sub3A = arith.subf %mul3A_15, %mul3A_16 : vector<1x128xf32>
    %add3A = arith.constant 9.99999974E-6 : f32
    %add3A_17 = vector.broadcast %add3A : f32 to vector<1x128xf32>
    %add3A_18 = arith.addf %sub3A, %add3A_17 : vector<1x128xf32>
    %rsqrt3A = math.rsqrt %add3A_18 : vector<1x128xf32>
    %mul3A_19 = arith.mulf %rsqrt3A, %get3A_7 : vector<1x128xf32>
    %mul3A_20 = arith.mulf %mul3A_12, %mul3A_19 : vector<1x128xf32>
    %sub3A_21 = arith.subf %get3A_10, %mul3A_20 : vector<1x128xf32>
    %get3A_22 = arith.constant 0 : index
    %get3A_23 = arith.constant 0 : index
    %get3A_24 = vector.load %arg1[%get3A_22, %get3A_23] : memref<2560x128xbf16, #tpu.memory_space<vmem>>, vector<2560x128xbf16>
    %convert_element_type3A = arith.extf %get3A_24 : vector<2560x128xbf16> to vector<2560x128xf32>
    %mul3A_25 = vector.broadcast %mul3A_19 : vector<1x128xf32> to vector<2560x128xf32>
    %mul3A_26 = arith.mulf %convert_element_type3A, %mul3A_25 : vector<2560x128xf32>
    %add3A_27 = vector.broadcast %sub3A_21 : vector<1x128xf32> to vector<2560x128xf32>
    %add3A_28 = arith.addf %mul3A_26, %add3A_27 : vector<2560x128xf32>
    %logistic3A = arith.negf %add3A_28 : vector<2560x128xf32>
    %logistic3A_29 = math.exp %logistic3A : vector<2560x128xf32>
    %logistic3A_30 = arith.constant 1.000000e+00 : f32
    %logistic3A_31 = vector.broadcast %logistic3A_30 : f32 to vector<2560x128xf32>
    %logistic3A_32 = arith.addf %logistic3A_31, %logistic3A_29 : vector<2560x128xf32>
    %logistic3A_33 = arith.divf %logistic3A_31, %logistic3A_32 : vector<2560x128xf32>
    %mul3A_34 = arith.mulf %add3A_28, %logistic3A_33 : vector<2560x128xf32>
    %get3A_35 = arith.constant 0 : index
    %get3A_36 = arith.constant 0 : index
    %get3A_37 = vector.load %arg6[%get3A_35, %get3A_36] : memref<128x128xf32, #tpu.memory_space<vmem>>, vector<128x128xf32>
    %dot_general3A = arith.constant dense<0.000000e+00> : vector<2560x128xf32>
    %dot_general3A_38 = tpu.matmul %mul3A_34, %get3A_37, %dot_general3A {dimension_numbers = #tpu.dot_dimension_numbers<[1], [0], [0], [1], [0, 0, 1, 1], [], []>, transpose_lhs_hint = false} : vector<2560x128xf32>, vector<128x128xf32>, vector<2560x128xf32> -> vector<2560x128xf32>
    %get3A_39 = arith.constant 0 : index
    %get3A_40 = arith.constant 0 : index
    %get3A_41 = vector.load %arg7[%get3A_39, %get3A_40] : memref<1x128xf32, #tpu.memory_space<vmem>>, vector<1x128xf32>
    %add3A_42 = vector.broadcast %get3A_41 : vector<1x128xf32> to vector<2560x128xf32>
    %add3A_43 = arith.addf %dot_general3A_38, %add3A_42 : vector<2560x128xf32>
    %convert_element_type3A_44 = arith.truncf %add3A_43 : vector<2560x128xf32> to vector<2560x128xbf16>
    %swap3A = arith.constant 0 : index
    %swap3A_45 = arith.constant 0 : index
    %swap3A_46 = vector.load %arg8[%swap3A, %swap3A_45] : memref<2560x128xbf16, #tpu.memory_space<vmem>>, vector<2560x128xbf16>
    tpu.vector_store %arg8[%swap3A, %swap3A_45], %convert_element_type3A_44 {strides = array<i32>} : memref<2560x128xbf16, #tpu.memory_space<vmem>>, vector<2560x128xbf16>,
    %reduce_sum3A = arith.constant dense<0.000000e+00> : vector<128xf32>
    %reduce_sum3A_47 = vector.multi_reduction <add>, %add3A_43, %reduce_sum3A [0] : vector<2560x128xf32> to vector<128xf32>
    %broadcast_in_dim3A = vector.shape_cast %reduce_sum3A_47 : vector<128xf32> to vector<1x128xf32>
    %mul3A_48 = arith.mulf %add3A_43, %add3A_43 : vector<2560x128xf32>
    %reduce_sum3A_49 = arith.constant dense<0.000000e+00> : vector<128xf32>
    %reduce_sum3A_50 = vector.multi_reduction <add>, %mul3A_48, %reduce_sum3A_49 [0] : vector<2560x128xf32> to vector<128xf32>
    %broadcast_in_dim3A_51 = vector.shape_cast %reduce_sum3A_50 : vector<128xf32> to vector<1x128xf32>
    %eq3A = arith.constant 0 : i32
    %eq3A_52 = arith.cmpi eq, %arg0, %eq3A : i32
    %convert_element_type3A_53 = arith.extui %eq3A_52 : i1 to i32
    %cond3A = arith.constant 0 : i32
    %cond3A_54 = arith.cmpi ne, %convert_element_type3A_53, %cond3A : i32
    scf.if %cond3A_54 {
      %swap3A_59 = arith.constant 0 : index
      %swap3A_60 = arith.constant 0 : index
      %swap3A_61 = vector.load %arg9[%swap3A_59, %swap3A_60] : memref<1x128xf32, #tpu.memory_space<vmem>>, vector<1x128xf32>
      tpu.vector_store %arg9[%swap3A_59, %swap3A_60], %broadcast_in_dim3A {strides = array<i32>} : memref<1x128xf32, #tpu.memory_space<vmem>>, vector<1x128xf32>,
      %swap3A_62 = arith.constant 0 : index
      %swap3A_63 = arith.constant 0 : index
      %swap3A_64 = vector.load %arg10[%swap3A_62, %swap3A_63] : memref<1x128xf32, #tpu.memory_space<vmem>>, vector<1x128xf32>
      tpu.vector_store %arg10[%swap3A_62, %swap3A_63], %broadcast_in_dim3A_51 {strides = array<i32>} : memref<1x128xf32, #tpu.memory_space<vmem>>, vector<1x128xf32>,
    } else {
    }
    %ne3A = arith.constant 0 : i32
    %ne3A_55 = arith.cmpi ne, %arg0, %ne3A : i32
    %convert_element_type3A_56 = arith.extui %ne3A_55 : i1 to i32
    %cond3A_57 = arith.constant 0 : i32
    %cond3A_58 = arith.cmpi ne, %convert_element_type3A_56, %cond3A_57 : i32
    scf.if %cond3A_58 {
      %get3A_59 = arith.constant 0 : index
      %get3A_60 = arith.constant 0 : index
      %get3A_61 = vector.load %arg9[%get3A_59, %get3A_60] : memref<1x128xf32, #tpu.memory_space<vmem>>, vector<1x128xf32>
      %add3A_62 = arith.addf %get3A_61, %broadcast_in_dim3A : vector<1x128xf32>
      %swap3A_63 = arith.constant 0 : index
      %swap3A_64 = arith.constant 0 : index
      %swap3A_65 = vector.load %arg9[%swap3A_63, %swap3A_64] : memref<1x128xf32, #tpu.memory_space<vmem>>, vector<1x128xf32>
      tpu.vector_store %arg9[%swap3A_63, %swap3A_64], %add3A_62 {strides = array<i32>} : memref<1x128xf32, #tpu.memory_space<vmem>>, vector<1x128xf32>,
      %get3A_66 = arith.constant 0 : index
      %get3A_67 = arith.constant 0 : index
      %get3A_68 = vector.load %arg10[%get3A_66, %get3A_67] : memref<1x128xf32, #tpu.memory_space<vmem>>, vector<1x128xf32>
      %add3A_69 = arith.addf %get3A_68, %broadcast_in_dim3A_51 : vector<1x128xf32>
      %swap3A_70 = arith.constant 0 : index
      %swap3A_71 = arith.constant 0 : index
      %swap3A_72 = vector.load %arg10[%swap3A_70, %swap3A_71] : memref<1x128xf32, #tpu.memory_space<vmem>>, vector<1x128xf32>
      tpu.vector_store %arg10[%swap3A_70, %swap3A_71], %add3A_69 {strides = array<i32>} : memref<1x128xf32, #tpu.memory_space<vmem>>, vector<1x128xf32>,
    } else {
    }
    return
  }
  func.func @transform_0(%arg0: i32) -> (i32, i32) {
    %c0_i32 = arith.constant 0 : i32
    %c0_i32_0 = arith.constant 0 : i32
    return %arg0, %c0_i32 : i32, i32
  }
  func.func @transform_1(%arg0: i32) -> (i32, i32) {
    %c0_i32 = arith.constant 0 : i32
    %c0_i32_0 = arith.constant 0 : i32
    %c0_i32_1 = arith.constant 0 : i32
    return %c0_i32, %c0_i32_0 : i32, i32
  }
  func.func @transform_2(%arg0: i32) -> (i32, i32) {
    %c0_i32 = arith.constant 0 : i32
    %c0_i32_0 = arith.constant 0 : i32
    %c0_i32_1 = arith.constant 0 : i32
    return %c0_i32, %c0_i32_0 : i32, i32
  }
  func.func @transform_3(%arg0: i32) -> (i32, i32) {
    %c0_i32 = arith.constant 0 : i32
    %c0_i32_0 = arith.constant 0 : i32
    %c0_i32_1 = arith.constant 0 : i32
    return %c0_i32, %c0_i32_0 : i32, i32
  }
  func.func @transform_4(%arg0: i32) -> (i32, i32) {
    %c0_i32 = arith.constant 0 : i32
    %c0_i32_0 = arith.constant 0 : i32
    %c0_i32_1 = arith.constant 0 : i32
    return %c0_i32, %c0_i32_0 : i32, i32
  }
  func.func @transform_5(%arg0: i32) -> (i32, i32) {
    %c0_i32 = arith.constant 0 : i32
    %c0_i32_0 = arith.constant 0 : i32
    %c0_i32_1 = arith.constant 0 : i32
    return %c0_i32, %c0_i32_0 : i32, i32
  }
  func.func @transform_6(%arg0: i32) -> (i32, i32) {
    %c0_i32 = arith.constant 0 : i32
    %c0_i32_0 = arith.constant 0 : i32
    %c0_i32_1 = arith.constant 0 : i32
    return %c0_i32, %c0_i32_0 : i32, i32
  }
  func.func @transform_7(%arg0: i32) -> (i32, i32) {
    %c0_i32 = arith.constant 0 : i32
    %c0_i32_0 = arith.constant 0 : i32
    return %arg0, %c0_i32 : i32, i32
  }
  func.func @transform_8(%arg0: i32) -> (i32, i32) {
    %c0_i32 = arith.constant 0 : i32
    %c0_i32_0 = arith.constant 0 : i32
    %c0_i32_1 = arith.constant 0 : i32
    return %c0_i32, %c0_i32_0 : i32, i32
  }
  func.func @transform_9(%arg0: i32) -> (i32, i32) {
    %c0_i32 = arith.constant 0 : i32
    %c0_i32_0 = arith.constant 0 : i32
    %c0_i32_1 = arith.constant 0 : i32
    return %c0_i32, %c0_i32_0 : i32, i32
  }
}

module attributes {stable_mosaic.version = 14 : i64} {
  func.func @_proj_body(%arg0: memref<10000x128xf32, #tpu.memory_space<vmem>>, %arg1: memref<128x128xf32, #tpu.memory_space<vmem>>, %arg2: memref<128x128xf32, #tpu.memory_space<vmem>>, %arg3: memref<10000x128xf32, #tpu.memory_space<vmem>>, %arg4: memref<10000x128xf32, #tpu.memory_space<vmem>>) attributes {dimension_semantics = [], scalar_prefetch = 0 : i64, scratch_operands = 0 : i64, tpu.core_type = #tpu.core_type<tc>} {
    %get3A = arith.constant 0 : index
    %get3A_0 = arith.constant 0 : index
    %get3A_1 = vector.load %arg0[%get3A, %get3A_0] : memref<10000x128xf32, #tpu.memory_space<vmem>>, vector<10000x128xf32>
    %get3A_2 = arith.constant 0 : index
    %get3A_3 = arith.constant 0 : index
    %get3A_4 = vector.load %arg1[%get3A_2, %get3A_3] : memref<128x128xf32, #tpu.memory_space<vmem>>, vector<128x128xf32>
    %dot_general3A = arith.constant dense<0.000000e+00> : vector<10000x128xf32>
    %dot_general3A_5 = tpu.matmul %get3A_1, %get3A_4, %dot_general3A {dimension_numbers = #tpu.dot_dimension_numbers<[1], [0], [0], [1], [0, 0, 1, 1], [], []>, transpose_lhs_hint = false} : vector<10000x128xf32>, vector<128x128xf32>, vector<10000x128xf32> -> vector<10000x128xf32>
    %swap3A = arith.constant 0 : index
    %swap3A_6 = arith.constant 0 : index
    %swap3A_7 = vector.load %arg3[%swap3A, %swap3A_6] : memref<10000x128xf32, #tpu.memory_space<vmem>>, vector<10000x128xf32>
    tpu.vector_store %arg3[%swap3A, %swap3A_6], %dot_general3A_5 {strides = array<i32>} : memref<10000x128xf32, #tpu.memory_space<vmem>>, vector<10000x128xf32>,
    %get3A_8 = arith.constant 0 : index
    %get3A_9 = arith.constant 0 : index
    %get3A_10 = vector.load %arg2[%get3A_8, %get3A_9] : memref<128x128xf32, #tpu.memory_space<vmem>>, vector<128x128xf32>
    %dot_general3A_11 = arith.constant dense<0.000000e+00> : vector<10000x128xf32>
    %dot_general3A_12 = tpu.matmul %get3A_1, %get3A_10, %dot_general3A_11 {dimension_numbers = #tpu.dot_dimension_numbers<[1], [0], [0], [1], [0, 0, 1, 1], [], []>, transpose_lhs_hint = false} : vector<10000x128xf32>, vector<128x128xf32>, vector<10000x128xf32> -> vector<10000x128xf32>
    %swap3A_13 = arith.constant 0 : index
    %swap3A_14 = arith.constant 0 : index
    %swap3A_15 = vector.load %arg4[%swap3A_13, %swap3A_14] : memref<10000x128xf32, #tpu.memory_space<vmem>>, vector<10000x128xf32>
    tpu.vector_store %arg4[%swap3A_13, %swap3A_14], %dot_general3A_12 {strides = array<i32>} : memref<10000x128xf32, #tpu.memory_space<vmem>>, vector<10000x128xf32>,
    return
  }
}

module attributes {stable_mosaic.version = 14 : i64} {
  func.func @_passc_body(%arg0: i32, %arg1: memref<2560x128xbf16, #tpu.memory_space<vmem>>, %arg2: memref<2560x128xf32, #tpu.memory_space<vmem>>, %arg3: memref<1x128xf32, #tpu.memory_space<vmem>>, %arg4: memref<1x128xf32, #tpu.memory_space<vmem>>, %arg5: memref<1x128xf32, #tpu.memory_space<vmem>>, %arg6: memref<1x128xf32, #tpu.memory_space<vmem>>, %arg7: memref<2560x128xf32, #tpu.memory_space<vmem>>) attributes {dimension_semantics = [#tpu.dimension_semantics<arbitrary>], iteration_bounds = array<i64: 125>, scalar_prefetch = 0 : i64, scratch_operands = 0 : i64, tpu.core_type = #tpu.core_type<tc>, window_params = [{transform_indices = @transform_0, window_bounds = array<i64: 2560, 128>}, {transform_indices = @transform_1, window_bounds = array<i64: 2560, 128>}, {pipeline_mode = #tpu.pipeline_mode<synchronous>, transform_indices = @transform_2, window_bounds = array<i64: 1, 128>}, {pipeline_mode = #tpu.pipeline_mode<synchronous>, transform_indices = @transform_3, window_bounds = array<i64: 1, 128>}, {pipeline_mode = #tpu.pipeline_mode<synchronous>, transform_indices = @transform_4, window_bounds = array<i64: 1, 128>}, {pipeline_mode = #tpu.pipeline_mode<synchronous>, transform_indices = @transform_5, window_bounds = array<i64: 1, 128>}, {transform_indices = @transform_6, window_bounds = array<i64: 2560, 128>}]} {
    %get3A = arith.constant 0 : index
    %get3A_0 = arith.constant 0 : index
    %get3A_1 = vector.load %arg3[%get3A, %get3A_0] : memref<1x128xf32, #tpu.memory_space<vmem>>, vector<1x128xf32>
    %get3A_2 = arith.constant 0 : index
    %get3A_3 = arith.constant 0 : index
    %get3A_4 = vector.load %arg4[%get3A_2, %get3A_3] : memref<1x128xf32, #tpu.memory_space<vmem>>, vector<1x128xf32>
    %get3A_5 = arith.constant 0 : index
    %get3A_6 = arith.constant 0 : index
    %get3A_7 = vector.load %arg5[%get3A_5, %get3A_6] : memref<1x128xf32, #tpu.memory_space<vmem>>, vector<1x128xf32>
    %get3A_8 = arith.constant 0 : index
    %get3A_9 = arith.constant 0 : index
    %get3A_10 = vector.load %arg6[%get3A_8, %get3A_9] : memref<1x128xf32, #tpu.memory_space<vmem>>, vector<1x128xf32>
    %mul3A = arith.constant 3.125000e-06 : f32
    %mul3A_11 = vector.broadcast %mul3A : f32 to vector<1x128xf32>
    %mul3A_12 = arith.mulf %get3A_1, %mul3A_11 : vector<1x128xf32>
    %mul3A_13 = arith.constant 3.125000e-06 : f32
    %mul3A_14 = vector.broadcast %mul3A_13 : f32 to vector<1x128xf32>
    %mul3A_15 = arith.mulf %get3A_4, %mul3A_14 : vector<1x128xf32>
    %mul3A_16 = arith.mulf %mul3A_12, %mul3A_12 : vector<1x128xf32>
    %sub3A = arith.subf %mul3A_15, %mul3A_16 : vector<1x128xf32>
    %add3A = arith.constant 9.99999974E-6 : f32
    %add3A_17 = vector.broadcast %add3A : f32 to vector<1x128xf32>
    %add3A_18 = arith.addf %sub3A, %add3A_17 : vector<1x128xf32>
    %rsqrt3A = math.rsqrt %add3A_18 : vector<1x128xf32>
    %mul3A_19 = arith.mulf %rsqrt3A, %get3A_7 : vector<1x128xf32>
    %mul3A_20 = arith.mulf %mul3A_12, %mul3A_19 : vector<1x128xf32>
    %sub3A_21 = arith.subf %get3A_10, %mul3A_20 : vector<1x128xf32>
    %get3A_22 = arith.constant 0 : index
    %get3A_23 = arith.constant 0 : index
    %get3A_24 = vector.load %arg1[%get3A_22, %get3A_23] : memref<2560x128xbf16, #tpu.memory_space<vmem>>, vector<2560x128xbf16>
    %convert_element_type3A = arith.extf %get3A_24 : vector<2560x128xbf16> to vector<2560x128xf32>
    %mul3A_25 = vector.broadcast %mul3A_19 : vector<1x128xf32> to vector<2560x128xf32>
    %mul3A_26 = arith.mulf %convert_element_type3A, %mul3A_25 : vector<2560x128xf32>
    %add3A_27 = vector.broadcast %sub3A_21 : vector<1x128xf32> to vector<2560x128xf32>
    %add3A_28 = arith.addf %mul3A_26, %add3A_27 : vector<2560x128xf32>
    %get3A_29 = arith.constant 0 : index
    %get3A_30 = arith.constant 0 : index
    %get3A_31 = vector.load %arg2[%get3A_29, %get3A_30] : memref<2560x128xf32, #tpu.memory_space<vmem>>, vector<2560x128xf32>
    %add3A_32 = arith.addf %add3A_28, %get3A_31 : vector<2560x128xf32>
    %logistic3A = arith.negf %add3A_32 : vector<2560x128xf32>
    %logistic3A_33 = math.exp %logistic3A : vector<2560x128xf32>
    %logistic3A_34 = arith.constant 1.000000e+00 : f32
    %logistic3A_35 = vector.broadcast %logistic3A_34 : f32 to vector<2560x128xf32>
    %logistic3A_36 = arith.addf %logistic3A_35, %logistic3A_33 : vector<2560x128xf32>
    %logistic3A_37 = arith.divf %logistic3A_35, %logistic3A_36 : vector<2560x128xf32>
    %mul3A_38 = arith.mulf %add3A_32, %logistic3A_37 : vector<2560x128xf32>
    %swap3A = arith.constant 0 : index
    %swap3A_39 = arith.constant 0 : index
    %swap3A_40 = vector.load %arg7[%swap3A, %swap3A_39] : memref<2560x128xf32, #tpu.memory_space<vmem>>, vector<2560x128xf32>
    tpu.vector_store %arg7[%swap3A, %swap3A_39], %mul3A_38 {strides = array<i32>} : memref<2560x128xf32, #tpu.memory_space<vmem>>, vector<2560x128xf32>,
    return
  }
  func.func @transform_0(%arg0: i32) -> (i32, i32) {
    %c0_i32 = arith.constant 0 : i32
    %c0_i32_0 = arith.constant 0 : i32
    return %arg0, %c0_i32 : i32, i32
  }
  func.func @transform_1(%arg0: i32) -> (i32, i32) {
    %c0_i32 = arith.constant 0 : i32
    %c0_i32_0 = arith.constant 0 : i32
    return %arg0, %c0_i32 : i32, i32
  }
  func.func @transform_2(%arg0: i32) -> (i32, i32) {
    %c0_i32 = arith.constant 0 : i32
    %c0_i32_0 = arith.constant 0 : i32
    %c0_i32_1 = arith.constant 0 : i32
    return %c0_i32, %c0_i32_0 : i32, i32
  }
  func.func @transform_3(%arg0: i32) -> (i32, i32) {
    %c0_i32 = arith.constant 0 : i32
    %c0_i32_0 = arith.constant 0 : i32
    %c0_i32_1 = arith.constant 0 : i32
    return %c0_i32, %c0_i32_0 : i32, i32
  }
  func.func @transform_4(%arg0: i32) -> (i32, i32) {
    %c0_i32 = arith.constant 0 : i32
    %c0_i32_0 = arith.constant 0 : i32
    %c0_i32_1 = arith.constant 0 : i32
    return %c0_i32, %c0_i32_0 : i32, i32
  }
  func.func @transform_5(%arg0: i32) -> (i32, i32) {
    %c0_i32 = arith.constant 0 : i32
    %c0_i32_0 = arith.constant 0 : i32
    %c0_i32_1 = arith.constant 0 : i32
    return %c0_i32, %c0_i32_0 : i32, i32
  }
  func.func @transform_6(%arg0: i32) -> (i32, i32) {
    %c0_i32 = arith.constant 0 : i32
    %c0_i32_0 = arith.constant 0 : i32
    return %arg0, %c0_i32 : i32, i32
  }
}

module attributes {stable_mosaic.version = 14 : i64} {
  func.func @_node_body(%arg0: memref<10000x128xf32, #tpu.memory_space<vmem>>, %arg1: memref<2x5120x128xf32, #tpu.memory_space<vmem>>, %arg2: memref<10240x16xf32, #tpu.memory_space<vmem>>, %arg3: memref<128x128xf32, #tpu.memory_space<vmem>>, %arg4: memref<128x128xf32, #tpu.memory_space<vmem>>, %arg5: memref<1x128xf32, #tpu.memory_space<vmem>>, %arg6: memref<1x128xf32, #tpu.memory_space<vmem>>, %arg7: memref<1x128xf32, #tpu.memory_space<vmem>>, %arg8: memref<128x128xf32, #tpu.memory_space<vmem>>, %arg9: memref<1x128xf32, #tpu.memory_space<vmem>>, %arg10: memref<1x128xf32, #tpu.memory_space<vmem>>, %arg11: memref<1x128xf32, #tpu.memory_space<vmem>>, %arg12: memref<10000x128xf32, #tpu.memory_space<vmem>>) attributes {dimension_semantics = [], scalar_prefetch = 0 : i64, scratch_operands = 0 : i64, tpu.core_type = #tpu.core_type<tc>} {
    %get3A = arith.constant 0 : index
    %get3A_0 = arith.constant 0 : index
    %get3A_1 = vector.load %arg0[%get3A, %get3A_0] : memref<10000x128xf32, #tpu.memory_space<vmem>>, vector<10000x128xf32>
    %get3A_2 = arith.constant 0 : index
    %get3A_3 = arith.constant 0 : index
    %get3A_4 = vector.load %arg2[%get3A_2, %get3A_3] : memref<10240x16xf32, #tpu.memory_space<vmem>>, vector<10240x16xf32>
    %reduce_sum3A = arith.constant dense<0.000000e+00> : vector<10240xf32>
    %reduce_sum3A_5 = vector.multi_reduction <add>, %get3A_4, %reduce_sum3A [1] : vector<10240x16xf32> to vector<10240xf32>
    %broadcast_in_dim3A = vector.shape_cast %reduce_sum3A_5 : vector<10240xf32> to vector<10240x1xf32>
    %slice3A = vector.extract_strided_slice %broadcast_in_dim3A {offsets = [0, 0], sizes = [10000, 1], strides = [1, 1]} : vector<10240x1xf32> to vector<10000x1xf32>
    %get3A_6 = arith.constant 0 : index
    %get3A_7 = arith.constant 0 : index
    %get3A_8 = arith.constant 0 : index
    %get3A_9 = vector.load %arg1[%get3A_6, %get3A_7, %get3A_8] : memref<2x5120x128xf32, #tpu.memory_space<vmem>>, vector<1x5120x128xf32>
    %get3A_10 = vector.shape_cast %get3A_9 : vector<1x5120x128xf32> to vector<5120x128xf32>
    %get3A_11 = arith.constant 1 : index
    %get3A_12 = arith.constant 0 : index
    %get3A_13 = arith.constant 0 : index
    %get3A_14 = vector.load %arg1[%get3A_11, %get3A_12, %get3A_13] : memref<2x5120x128xf32, #tpu.memory_space<vmem>>, vector<1x5120x128xf32>
    %get3A_15 = vector.shape_cast %get3A_14 : vector<1x5120x128xf32> to vector<5120x128xf32>
    %concatenate3A = tpu.concatenate %get3A_10, %get3A_15 in 0 : vector<5120x128xf32>, vector<5120x128xf32> -> vector<10240x128xf32>
    %slice3A_16 = vector.extract_strided_slice %concatenate3A {offsets = [0, 0], sizes = [10000, 128], strides = [1, 1]} : vector<10240x128xf32> to vector<10000x128xf32>
    %max3A = arith.constant 1.000000e+00 : f32
    %max3A_17 = vector.broadcast %max3A : f32 to vector<10000x1xf32>
    %max3A_18 = arith.maximumf %slice3A, %max3A_17 : vector<10000x1xf32>
    %div3A = vector.broadcast %max3A_18 : vector<10000x1xf32> to vector<10000x128xf32>
    %div3A_19 = arith.divf %slice3A_16, %div3A : vector<10000x128xf32>
    %get3A_20 = arith.constant 0 : index
    %get3A_21 = arith.constant 0 : index
    %get3A_22 = vector.load %arg3[%get3A_20, %get3A_21] : memref<128x128xf32, #tpu.memory_space<vmem>>, vector<128x128xf32>
    %dot_general3A = arith.constant dense<0.000000e+00> : vector<10000x128xf32>
    %dot_general3A_23 = tpu.matmul %get3A_1, %get3A_22, %dot_general3A {dimension_numbers = #tpu.dot_dimension_numbers<[1], [0], [0], [1], [0, 0, 1, 1], [], []>, transpose_lhs_hint = false} : vector<10000x128xf32>, vector<128x128xf32>, vector<10000x128xf32> -> vector<10000x128xf32>
    %get3A_24 = arith.constant 0 : index
    %get3A_25 = arith.constant 0 : index
    %get3A_26 = vector.load %arg4[%get3A_24, %get3A_25] : memref<128x128xf32, #tpu.memory_space<vmem>>, vector<128x128xf32>
    %dot_general3A_27 = arith.constant dense<0.000000e+00> : vector<10000x128xf32>
    %dot_general3A_28 = tpu.matmul %div3A_19, %get3A_26, %dot_general3A_27 {dimension_numbers = #tpu.dot_dimension_numbers<[1], [0], [0], [1], [0, 0, 1, 1], [], []>, transpose_lhs_hint = false} : vector<10000x128xf32>, vector<128x128xf32>, vector<10000x128xf32> -> vector<10000x128xf32>
    %add3A = arith.addf %dot_general3A_23, %dot_general3A_28 : vector<10000x128xf32>
    %get3A_29 = arith.constant 0 : index
    %get3A_30 = arith.constant 0 : index
    %get3A_31 = vector.load %arg5[%get3A_29, %get3A_30] : memref<1x128xf32, #tpu.memory_space<vmem>>, vector<1x128xf32>
    %add3A_32 = vector.broadcast %get3A_31 : vector<1x128xf32> to vector<10000x128xf32>
    %add3A_33 = arith.addf %add3A, %add3A_32 : vector<10000x128xf32>
    %reduce_sum3A_34 = arith.constant dense<0.000000e+00> : vector<128xf32>
    %reduce_sum3A_35 = vector.multi_reduction <add>, %add3A_33, %reduce_sum3A_34 [0] : vector<10000x128xf32> to vector<128xf32>
    %broadcast_in_dim3A_36 = vector.shape_cast %reduce_sum3A_35 : vector<128xf32> to vector<1x128xf32>
    %div3A_37 = arith.constant 1.000000e+04 : f32
    %div3A_38 = vector.broadcast %div3A_37 : f32 to vector<1x128xf32>
    %div3A_39 = arith.divf %broadcast_in_dim3A_36, %div3A_38 : vector<1x128xf32>
    %mul3A = arith.mulf %add3A_33, %add3A_33 : vector<10000x128xf32>
    %reduce_sum3A_40 = arith.constant dense<0.000000e+00> : vector<128xf32>
    %reduce_sum3A_41 = vector.multi_reduction <add>, %mul3A, %reduce_sum3A_40 [0] : vector<10000x128xf32> to vector<128xf32>
    %broadcast_in_dim3A_42 = vector.shape_cast %reduce_sum3A_41 : vector<128xf32> to vector<1x128xf32>
    %div3A_43 = arith.constant 1.000000e+04 : f32
    %div3A_44 = vector.broadcast %div3A_43 : f32 to vector<1x128xf32>
    %div3A_45 = arith.divf %broadcast_in_dim3A_42, %div3A_44 : vector<1x128xf32>
    %mul3A_46 = arith.mulf %div3A_39, %div3A_39 : vector<1x128xf32>
    %sub3A = arith.subf %div3A_45, %mul3A_46 : vector<1x128xf32>
    %sub3A_47 = vector.broadcast %div3A_39 : vector<1x128xf32> to vector<10000x128xf32>
    %sub3A_48 = arith.subf %add3A_33, %sub3A_47 : vector<10000x128xf32>
    %add3A_49 = arith.constant 9.99999974E-6 : f32
    %add3A_50 = vector.broadcast %add3A_49 : f32 to vector<1x128xf32>
    %add3A_51 = arith.addf %sub3A, %add3A_50 : vector<1x128xf32>
    %rsqrt3A = math.rsqrt %add3A_51 : vector<1x128xf32>
    %mul3A_52 = vector.broadcast %rsqrt3A : vector<1x128xf32> to vector<10000x128xf32>
    %mul3A_53 = arith.mulf %sub3A_48, %mul3A_52 : vector<10000x128xf32>
    %get3A_54 = arith.constant 0 : index
    %get3A_55 = arith.constant 0 : index
    %get3A_56 = vector.load %arg6[%get3A_54, %get3A_55] : memref<1x128xf32, #tpu.memory_space<vmem>>, vector<1x128xf32>
    %mul3A_57 = vector.broadcast %get3A_56 : vector<1x128xf32> to vector<10000x128xf32>
    %mul3A_58 = arith.mulf %mul3A_53, %mul3A_57 : vector<10000x128xf32>
    %get3A_59 = arith.constant 0 : index
    %get3A_60 = arith.constant 0 : index
    %get3A_61 = vector.load %arg7[%get3A_59, %get3A_60] : memref<1x128xf32, #tpu.memory_space<vmem>>, vector<1x128xf32>
    %add3A_62 = vector.broadcast %get3A_61 : vector<1x128xf32> to vector<10000x128xf32>
    %add3A_63 = arith.addf %mul3A_58, %add3A_62 : vector<10000x128xf32>
    %logistic3A = arith.negf %add3A_63 : vector<10000x128xf32>
    %logistic3A_64 = math.exp %logistic3A : vector<10000x128xf32>
    %logistic3A_65 = arith.constant 1.000000e+00 : f32
    %logistic3A_66 = vector.broadcast %logistic3A_65 : f32 to vector<10000x128xf32>
    %logistic3A_67 = arith.addf %logistic3A_66, %logistic3A_64 : vector<10000x128xf32>
    %logistic3A_68 = arith.divf %logistic3A_66, %logistic3A_67 : vector<10000x128xf32>
    %mul3A_69 = arith.mulf %add3A_63, %logistic3A_68 : vector<10000x128xf32>
    %get3A_70 = arith.constant 0 : index
    %get3A_71 = arith.constant 0 : index
    %get3A_72 = vector.load %arg8[%get3A_70, %get3A_71] : memref<128x128xf32, #tpu.memory_space<vmem>>, vector<128x128xf32>
    %dot_general3A_73 = arith.constant dense<0.000000e+00> : vector<10000x128xf32>
    %dot_general3A_74 = tpu.matmul %mul3A_69, %get3A_72, %dot_general3A_73 {dimension_numbers = #tpu.dot_dimension_numbers<[1], [0], [0], [1], [0, 0, 1, 1], [], []>, transpose_lhs_hint = false} : vector<10000x128xf32>, vector<128x128xf32>, vector<10000x128xf32> -> vector<10000x128xf32>
    %get3A_75 = arith.constant 0 : index
    %get3A_76 = arith.constant 0 : index
    %get3A_77 = vector.load %arg9[%get3A_75, %get3A_76] : memref<1x128xf32, #tpu.memory_space<vmem>>, vector<1x128xf32>
    %add3A_78 = vector.broadcast %get3A_77 : vector<1x128xf32> to vector<10000x128xf32>
    %add3A_79 = arith.addf %dot_general3A_74, %add3A_78 : vector<10000x128xf32>
    %reduce_sum3A_80 = arith.constant dense<0.000000e+00> : vector<128xf32>
    %reduce_sum3A_81 = vector.multi_reduction <add>, %add3A_79, %reduce_sum3A_80 [0] : vector<10000x128xf32> to vector<128xf32>
    %broadcast_in_dim3A_82 = vector.shape_cast %reduce_sum3A_81 : vector<128xf32> to vector<1x128xf32>
    %div3A_83 = arith.constant 1.000000e+04 : f32
    %div3A_84 = vector.broadcast %div3A_83 : f32 to vector<1x128xf32>
    %div3A_85 = arith.divf %broadcast_in_dim3A_82, %div3A_84 : vector<1x128xf32>
    %mul3A_86 = arith.mulf %add3A_79, %add3A_79 : vector<10000x128xf32>
    %reduce_sum3A_87 = arith.constant dense<0.000000e+00> : vector<128xf32>
    %reduce_sum3A_88 = vector.multi_reduction <add>, %mul3A_86, %reduce_sum3A_87 [0] : vector<10000x128xf32> to vector<128xf32>
    %broadcast_in_dim3A_89 = vector.shape_cast %reduce_sum3A_88 : vector<128xf32> to vector<1x128xf32>
    %div3A_90 = arith.constant 1.000000e+04 : f32
    %div3A_91 = vector.broadcast %div3A_90 : f32 to vector<1x128xf32>
    %div3A_92 = arith.divf %broadcast_in_dim3A_89, %div3A_91 : vector<1x128xf32>
    %mul3A_93 = arith.mulf %div3A_85, %div3A_85 : vector<1x128xf32>
    %sub3A_94 = arith.subf %div3A_92, %mul3A_93 : vector<1x128xf32>
    %sub3A_95 = vector.broadcast %div3A_85 : vector<1x128xf32> to vector<10000x128xf32>
    %sub3A_96 = arith.subf %add3A_79, %sub3A_95 : vector<10000x128xf32>
    %add3A_97 = arith.constant 9.99999974E-6 : f32
    %add3A_98 = vector.broadcast %add3A_97 : f32 to vector<1x128xf32>
    %add3A_99 = arith.addf %sub3A_94, %add3A_98 : vector<1x128xf32>
    %rsqrt3A_100 = math.rsqrt %add3A_99 : vector<1x128xf32>
    %mul3A_101 = vector.broadcast %rsqrt3A_100 : vector<1x128xf32> to vector<10000x128xf32>
    %mul3A_102 = arith.mulf %sub3A_96, %mul3A_101 : vector<10000x128xf32>
    %get3A_103 = arith.constant 0 : index
    %get3A_104 = arith.constant 0 : index
    %get3A_105 = vector.load %arg10[%get3A_103, %get3A_104] : memref<1x128xf32, #tpu.memory_space<vmem>>, vector<1x128xf32>
    %mul3A_106 = vector.broadcast %get3A_105 : vector<1x128xf32> to vector<10000x128xf32>
    %mul3A_107 = arith.mulf %mul3A_102, %mul3A_106 : vector<10000x128xf32>
    %get3A_108 = arith.constant 0 : index
    %get3A_109 = arith.constant 0 : index
    %get3A_110 = vector.load %arg11[%get3A_108, %get3A_109] : memref<1x128xf32, #tpu.memory_space<vmem>>, vector<1x128xf32>
    %add3A_111 = vector.broadcast %get3A_110 : vector<1x128xf32> to vector<10000x128xf32>
    %add3A_112 = arith.addf %mul3A_107, %add3A_111 : vector<10000x128xf32>
    %add3A_113 = arith.addf %add3A_112, %get3A_1 : vector<10000x128xf32>
    %logistic3A_114 = arith.negf %add3A_113 : vector<10000x128xf32>
    %logistic3A_115 = math.exp %logistic3A_114 : vector<10000x128xf32>
    %logistic3A_116 = arith.constant 1.000000e+00 : f32
    %logistic3A_117 = vector.broadcast %logistic3A_116 : f32 to vector<10000x128xf32>
    %logistic3A_118 = arith.addf %logistic3A_117, %logistic3A_115 : vector<10000x128xf32>
    %logistic3A_119 = arith.divf %logistic3A_117, %logistic3A_118 : vector<10000x128xf32>
    %mul3A_120 = arith.mulf %add3A_113, %logistic3A_119 : vector<10000x128xf32>
    %swap3A = arith.constant 0 : index
    %swap3A_121 = arith.constant 0 : index
    %swap3A_122 = vector.load %arg12[%swap3A, %swap3A_121] : memref<10000x128xf32, #tpu.memory_space<vmem>>, vector<10000x128xf32>
    tpu.vector_store %arg12[%swap3A, %swap3A_121], %mul3A_120 {strides = array<i32>} : memref<10000x128xf32, #tpu.memory_space<vmem>>, vector<10000x128xf32>,
    return
  }
}

</mosaic_0001>

<sc_bundles>
// kernel: kernel.12.cloned.1.call-start
scs
__scs_entry_jumppad:
0x0: {  	(pc) =	sbr.rel $0x88, $3  }
0x1: {  	(tag) =	ssettag $0x0;
	lr =	simm.s32 $0x1  }
0x2: {  	[smem:$0x3F8E] =	sst lr;
	_ =	strace $0xD0000000  }
0x3: {  	_ = 	snop  }
0x4: {  	_ = 	snop  }
0x5: {  	_ = 	snop  }
0x6: {  	_ = 	snop  }
0x7: {  	_ = 	snop  }
__scs_overlays_trampoline_lowered:
0x8: {  	[smem:$0x3F9D] =	sst s0  }
0x9: {  	[smem:$0x3F9E] =	sst s1  }
0xa: {  	[smem:$0x3F9F] =	sst s2  }
0xb: {  	[smem:$0x3FA0] =	sst s3  }
0xc: {  	[smem:$0x3FA1] =	sst s4  }
0xd: {  	[smem:$0x3FA2] =	sst s5  }
0xe: {  	[smem:$0x3FA3] =	sst s6  }
0xf: {  	[smem:$0x3FA4] =	sst s7  }
0x10: {  	[smem:$0x3FA5] =	sst s8  }
0x11: {  	[smem:$0x3FA6] =	sst s9;
	s0 =	simm.s32 @!p0 $0x0  }
0x12: {  	s1 =	sld [smem:$0x3F8C];
	s0 =	simm.s32 @p0 $0x1  }
0x13: {  	[smem:$0x3FA7] =	sst s0;
	s0 =	simm.s32 @!p1 $0x0  }
0x14: {  	s2 =	sld [smem:$0x3F8B];
	s0 =	simm.s32 @p1 $0x1  }
0x15: {  	[smem:$0x3FA8] =	sst s0;
	s0 =	simm.s32 @!p2 $0x0  }
0x16: {  	s3 =	sld [smem:$0x3FDB];
	s0 =	simm.s32 @p2 $0x1  }
0x17: {  	s4 =	simm.s32 $0x1BF5;
	[smem:$0x3FAA] =	sst s0  }
0x18: {  	s0 =	sld [smem:$0x3F8D];
	_ =	swait.ge [sflag:s4], $0x0  }
0x19: {  	s7 =	sld [smem:$0x3F8E]  }
0x1a: {  	s8 =	sadd.s32 $0xFFFFE003, lr  }
0x1b: {  	s9 =	sadd.s32 $0xFFFFFEF7, lr;
	s5 =	simm.s32 $0xFFFFFFFF;
	p2 =	slt.u32 s8, $0xFFFFF086  }
0x1c: {  	p1 =	slt.u32 s9, $0xF7A;
	s5 =	simm.s32 @!p2 $0x0  }
0x1d: {  	s5 =	simm.s32 @p1 $0x1;
	p0 =	seq.s32 s7, s2  }
0x1e: {  	s7 =	smul.u32 @!p0 $0xF7A, s2;
	p2 =	seq.s32 @!p0 s5, $0x0  }
0x1f: {  	s9 =	smul.u32 $0xF7A, s1;
	s8 =	simm.s32 @!p0 $0x1BF5;
	p2 =	por !p2, p0  }
0x20: {  	[sflag:s8] =	ssyncset.s32 @!p0 $0xFFFFF086;
	s6 =	sadd.s32 @!p0 s3, s7;
	s7 =	simm.s32 @!p0 $0x108  }
0x21: {  	s3 =	sadd.s32 s3, s9;
	s6 =	sadd.s32 @!p0 $0x88, s6;
	s7 =	simm.s32 @p2 $0x1082  }
0x22: {  	[simem:s7], [sflag:s8] =	dma.local @!p0 [hbm:s6], $0xF7A  }
0x23: {  	s9 =	sor.u32 $0xD0000000, s2;
	s6 =	simm.s32 $0x108;
	_ =	swait.ge @!p0 [sflag:s8], $0x0  }
0x24: {  	s3 =	sadd.s32 $0x88, s3;
	s6 =	simm.s32 @!p1 $0x1082;
	[sflag:s4] =	ssyncset.s32 $0xFFFFF086  }
0x25: {  	[simem:s6], [sflag:s4] =	dma.local [hbm:s3], $0xF7A  }
0x26: {  	[smem:$0x3F8E] =	sst s1;
	(tag) =	ssettag s2;
	_ =	strace s9  }
0x27: {  	s1 =	sld [smem:$0x3F9E]  }
0x28: {  	s2 =	sld [smem:$0x3F9F]  }
0x29: {  	s4 =	sld [smem:$0x3FA1]  }
0x2a: {  	p0 =	seq.s32 s5, $0x0;
	s5 =	sld [smem:$0x3FA2]  }
0x2b: {  	s6 =	sld [smem:$0x3FA3]  }
0x2c: {  	s7 =	sld [smem:$0x3FA4]  }
0x2d: {  	s3 =	simm.s32 $0x108;
	s8 =	sld [smem:$0x3FA5]  }
0x2e: {  	s3 =	simm.s32 @!p0 $0x1082;
	s9 =	sld [smem:$0x3FA6]  }
0x2f: {  	lr =	sadd.s32 s0, s3;
	s0 =	sld [smem:$0x3F9D]  }
0x30: {  	s3 =	sld [smem:$0x3FA0]  }
0x31: {  	[smem:$0x3FA9] =	sst s10  }
0x32: {  	s10 =	sld [smem:$0x3FA7];
	_ =	sdelay $0x3  }
0x33: {  	p0 =	seq.s32 s10, $0x1;
	s10 =	sld [smem:$0x3FA9];
	_ =	sdelay $0x3  }
0x34: {  	[smem:$0x3FA9] =	sst s10  }
0x35: {  	s10 =	sld [smem:$0x3FA8];
	_ =	sdelay $0x3  }
0x36: {  	p1 =	seq.s32 s10, $0x1;
	s10 =	sld [smem:$0x3FA9];
	_ =	sdelay $0x3  }
0x37: {  	[smem:$0x3FA9] =	sst s10  }
0x38: {  	s10 =	sld [smem:$0x3FAA]  }
0x39: {  	_ = 	snop;
	(pc) =	sbr.ind lr, $3  }
0x3a: {  	_ = 	snop  }
0x3b: {  	_ = 	snop  }
0x3c: {  	p2 =	seq.s32 s10, $0x1;
	s10 =	sld [smem:$0x3FA9]  }
0x3d: {  	_ =	shalt  }
0x3e: {  	_ =	shalt  }
0x3f: {  	_ =	shalt  }
0x40: {  	_ =	shalt  }
0x41: {  	_ =	shalt  }
0x42: {  	_ =	shalt  }
0x43: {  	_ =	shalt  }
0x44: {  	_ =	shalt  }
0x45: {  	_ =	shalt  }
0x46: {  	_ =	shalt  }
0x47: {  	_ =	shalt  }
0x48: {  	_ =	shalt  }
0x49: {  	_ =	shalt  }
0x4a: {  	_ =	shalt  }
0x4b: {  	_ =	shalt  }
0x4c: {  	_ =	shalt  }
0x4d: {  	_ =	shalt  }
0x4e: {  	_ =	shalt  }
0x4f: {  	_ =	shalt  }
0x50: {  	_ =	shalt  }
0x51: {  	_ =	shalt  }
0x52: {  	_ =	shalt  }
0x53: {  	_ =	shalt  }
0x54: {  	_ =	shalt  }
0x55: {  	_ =	shalt  }
0x56: {  	_ =	shalt  }
0x57: {  	_ =	shalt  }
0x58: {  	_ =	shalt  }
0x59: {  	_ =	shalt  }
0x5a: {  	_ =	shalt  }
0x5b: {  	_ =	shalt  }
0x5c: {  	_ =	shalt  }
0x5d: {  	_ =	shalt  }
0x5e: {  	_ =	shalt  }
0x5f: {  	_ =	shalt  }
0x60: {  	_ =	shalt  }
0x61: {  	_ =	shalt  }
0x62: {  	_ =	shalt  }
0x63: {  	_ =	shalt  }
0x64: {  	_ =	shalt  }
0x65: {  	_ =	shalt  }
0x66: {  	_ =	shalt  }
0x67: {  	_ =	shalt  }
0x68: {  	_ =	shalt  }
0x69: {  	_ =	shalt  }
0x6a: {  	_ =	shalt  }
0x6b: {  	_ =	shalt  }
0x6c: {  	_ =	shalt  }
0x6d: {  	_ =	shalt  }
0x6e: {  	_ =	shalt  }
0x6f: {  	_ =	shalt  }
0x70: {  	_ =	shalt  }
0x71: {  	_ =	shalt  }
0x72: {  	_ =	shalt  }
0x73: {  	_ =	shalt  }
0x74: {  	_ =	shalt  }
0x75: {  	_ =	shalt  }
0x76: {  	_ =	shalt  }
0x77: {  	_ =	shalt  }
0x78: {  	_ =	shalt  }
0x79: {  	_ =	shalt  }
0x7a: {  	_ =	shalt  }
0x7b: {  	_ =	shalt  }
0x7c: {  	_ =	shalt  }
0x7d: {  	_ =	shalt  }
0x7e: {  	_ =	shalt  }
0x7f: {  	_ =	shalt  }
0x80: {  	_ =	shalt  }
0x81: {  	_ =	shalt  }
0x82: {  	_ =	shalt  }
0x83: {  	_ =	shalt  }
0x84: {  	_ =	shalt  }
0x85: {  	_ =	shalt  }
0x86: {  	_ =	shalt  }
0x87: {  	_ =	shalt  }
.Lfunc_end0:
.L_simem_size_0:
called_computation.1_lowered:
.L_overlay_start_0:
0x88: {  	s2 =	sld [smem:$0x3FD9]  }
0x89: {  	s3 =	sld [smem:$0x3FFE];
	_ =	sdelay $0x1  }
0x8a: {  	s1 =	srdreg.scid  }
0x8b: {  	s0 =	sand.u32 $0x1, s1  }
0x8c: {  	s14 =	sshll.u32 s0, $0xA;
	s2 =	sadd.s32 s3, s2  }
0x8d: {  	s2 =	sadd.s32 s2, s14  }
0x8e: {  	[smem:$0x3FB5] =	sst s2  }
0x8f: {  	_ = 	snop  }
0x90: {  	s2 =	sld [smem:$0x3FD0];
	_ =	sdelay $0x2  }
0x91: {  	s15 =	simm.s32 $0xA;
	s4 =	simm.s32 $0x10  }
0x92: {  	[smem:s4], [sflag:s15] =	dma.local [hbm:s2], $0x1  }
0x93: {  	_ =	swait.eq [sflag:s15], $0x1  }
0x94: {  	[sflag:s15] =	ssyncset.done $0x0  }
0x95: {  	s16 =	sld [smem:$0x10];
	[sflag:s15] =	ssyncadd.s32 $0xFFFFFFFF  }
0x96: {  	s17 =	sld [smem:$0x11];
	(tm) =	ssettm $0x1  }
0x97: {  	s18 =	sld [smem:$0x3FFB];
	_ =	sdelay $0x3  }
0x98: {  	_ =	strace s18  }
0x99: {  	s4 =	sld [smem:$0x3FFC];
	_ =	sdelay $0x3  }
0x9a: {  	_ =	strace s4  }
0x9b: {  	s4 =	sld [smem:$0x3FFD];
	_ =	sdelay $0x3  }
0x9c: {  	_ =	strace s4  }
0x9d: {  	_ =	strace $0x8FFFFFFF  }
0x9e: {  	s19 =	sld [smem:$0x3FDB];
	_ =	sdelay $0x1  }
0x9f: {  	s5 =	simm.s32 $_scs_section_size  }
0xa0: {  	s6 =	simm.s32 $_size__tile_overlayer_lowered;
	s7 =	simm.s32 $_tile_overlayer_lowered  }
0xa1: {  	s22 =	simm.s32 $0x1BFF;
	s21 =	sshll.u32 s7, $0x1;
	s4 =	sadd.s32 s5, s19  }
0xa2: {  	s8 =	simm.s32 $0x0;
	s20 =	sshll.u32 s6, $0x1;
	s6 =	sadd.s32 s21, s4  }
0xa3: {  	[timem:s8], [sflag:s22] =	dma.local [hbm:s6], s20  }
0xa4: {  	_ =	swait.ge [sflag:s22], s20  }
0xa5: {  	s5 =	ssub.s32 $0x0, s20;
	[sflag:s22] =	ssyncset.done $0x0  }
0xa6: {  	[sflag:s22] =	ssyncadd.s32 s5;
	_ =	sdelay $0x1  }
0xa7: {  	s23 =	simm.s32 $0x1B8B  }
0xa8: {  	_ =	swait.ge [sflag:s23], $0x1  }
0xa9: {  	[sflag:s23] =	ssyncset.done $0x0  }
0xaa: {  	s25 =	simm.s32 $0x1B8E;
	s24 =	sld [smem:$0x3FFE];
	[sflag:s23] =	ssyncadd.s32 $0xFFFFFFFF  }
0xab: {  	s26 =	simm.s32 $execute0_lowered;
	[smem:$0x3FD2] =	sst s25  }
0xac: {  	s6 =	sshll.u32 s26, $0x1;
	_ =	strace $0x80000049;
	[dreg:$0x1] =	wrdreg $0xFFFFFFFF  }
0xad: {  	s28 =	simm.s32 $_size_execute0_lowered;
	s4 =	sadd.s32 s4, s6;
	[dreg:$0x0] =	wrdreg $0x0  }
0xae: {  	s6 =	sshll.u32 s28, $0x1;
	[dreg:$0x2] =	wrdreg s4  }
0xaf: {  	[dreg:$0x3] =	wrdreg s6  }
0xb0: {  	[dreg:$0x4] =	wrdreg $0xC0  }
0xb1: {  	_ =	task [dreg:s8], $0x5FFFF  }
0xb2: {  	[dreg:$0x1] =	wrdreg $0xFFFFFFFF  }
0xb3: {  	[dreg:$0x0] =	wrdreg $0x60  }
0xb4: {  	[dreg:$0x2] =	wrdreg s17  }
0xb5: {  	[dreg:$0x3] =	wrdreg s24  }
0xb6: {  	[dreg:$0x4] =	wrdreg s16  }
0xb7: {  	[dreg:$0x5] =	wrdreg $0xA1800  }
0xb8: {  	[dreg:$0x6] =	wrdreg $0x9  }
0xb9: {  	_ =	task.clear_ibuf [dreg:s8], $0x7FFFF;
	_ =	strace $0x90000049  }
0xba: {  	s29 =	simm.s32 $0x9;
	_ =	strace $0x8000004B  }
0xbb: {  	_ =	swait.ge [sflag:s29], $0x1  }
0xbc: {  	[sflag:s29] =	ssyncadd.s32 $0xFFFFFFFF  }
0xbd: {  	_ =	strace $0x9000004B  }
0xbe: {  	_ =	sfence  }
0xbf: {  	s30 =	sld [smem:$0x0];
	_ =	sdelay $0x2  }
0xc0: {  	s31 =	sshll.u32 s1, $0xD;
	s1 =	sshrl.u32 s1, $0x2  }
0xc1: {  	s3 =	sand.u32 $0x4000, s31;
	s1 =	sadd.s32 s1, s30  }
0xc2: {  	s0 =	sor.u32 s3, s0;
	s1 =	sshll.u32 s1, $0x11  }
0xc3: {  	s0 =	sor.u32 s1, s0  }
0xc4: {  	s0 =	sadd.s32 $0x8F2B, s0  }
0xc5: {  	[sflag:s0] =	ssyncadd.remote.s32 $0x1  }
0xc6: {  	_ =	sfence.sel $0xFFFF  }
0xc7: {  	[dreg:$0x0] =	wrdreg $0xFFFFFFFF;
	(pc) =	sbr.abs _section_cstart, $3  }
0xc8: {  	[dreg:$0x1] =	wrdreg $0xFFFFFFFF  }
0xc9: {  	_ =	task.clear_ibuf [dreg:s8], $0x2FFFF;
	_ =	strace $0x9FFFFFFF  }
0xca: {  	(tm) =	ssettm $0x7FFFFFFF  }
0xcb: {  	_ =	shalt  }
tec
execute0_lowered:
.L_overlay_start_1:
0x0: {  	(tag) =	ssettag $0x1  }
0x1: {  	s0 =	rddreg [dreg:$0x0]  }
0x2: {  	s3 =	rddreg [dreg:$0x1]  }
0x3: {  	s4 =	rddreg [dreg:$0x2]  }
0x4: {  	s1 =	rddreg [dreg:$0x3]  }
0x5: {  	s2 =	simm.s32 $0x0;
	s6 =	srdreg.scid;
	s20 =	stileid.u32  }
0x6: {  	s28 =	simm.s32 $0x1;
	s29 =	simm.s32 $0x4;
	s19 =	smul.u32 $0x28000, s20  }
0x7: {  	s30 =	simm.s32 $0x50;
	s31 =	simm.s32 $0x2;
	s10 =	smul.u32 $0xA000, s20  }
0x8: {  	[smem:$0x7FF] =	sst s2;
	s5 =	sadd.s32 $0xDE00, s3;
	s21 =	smul.u32 $0x4E20, s20  }
0x9: {  	s7 =	sadd.s32 $0x4600, s3;
	s11 =	sand.u32 $0x1, s6;
	s24 =	smul.u32 $0x500, s20  }
0xa: {  	s17 =	sadd.s32 $0x4000, s3;
	s3 =	sadd.s32 $0x17C00, s3;
	s25 =	smul.u32 $0x4E200, s20  }
0xb: {  	s20 =	smul.u32 $0x9C4, s20;
	_ =	strace $0x8000004A;
	[dreg:$0x5] =	wrdreg s7  }
0xc: {  	[dreg:$0x6] =	wrdreg s17;
	s18 =	ssub.s32 $0x2, s11;
	p0 =	seq.s32 s11, $0x0  }
0xd: {  	p1 =	sne.s32 s11, $0x0;
	s8 =	sshrl.u32 s18, $0x1;
	s22 =	sshrl.u32 s19, $0x2  }
0xe: {  	s19 =	smul.u32 $0x1400, s11;
	s12 =	sadd.s32 $0x2800, s10;
	s14 =	sadd.s32 $0x5000, s10  }
0xf: {  	s13 =	sadd.s32 $0x4DD0, s21;
	s15 =	sadd.s32 $0x7800, s10;
	s26 =	sadd.s32 s20, s5  }
0x10: {  	s20 =	simm.s32 $0x180;
	s21 =	simm.s32 $0x7;
	s17 =	ssub.s32 s18, s8  }
0x11: {  	s6 =	sadd.s32 s22, s1;
	s7 =	sadd.s32 s12, s1;
	s16 =	sshrl.u32 s13, $0x3  }
0x12: {  	s18 =	smul.u32 $0xA0000, s11;
	s8 =	sadd.s32 s14, s1;
	s9 =	sadd.s32 s15, s1  }
0x13: {  	s13 =	sshll.u32 s13, $0x4;
	s22 =	simm.s32 $0x6;
	s16 =	sadd.s32 s5, s16  }
0x14: {  	s13 =	sadd.s32 s0, s13;
	s17 =	smax.u32 s17, $0x1;
	[dreg:$0x7] =	wrdreg s16  }
0x15: {  	s10 =	sadd.s32 s10, s18;
	s12 =	sadd.s32 s18, s12;
	[dreg:$0x8] =	wrdreg s13  }
0x16: {  	s14 =	sadd.s32 s18, s14;
	s15 =	sadd.s32 s18, s15;
	s16 =	sadd.s32 s4, s24  }
0x17: {  	s18 =	sadd.s32 s25, s0;
	s24 =	simm.s32 $0x2980;
	s25 =	simm.s32 $0x100  }
0x18: {  	s0 =	simm.s32 $0x5;
	s4 =	simm.s32 $0x0;
	s10 =	sshrl.u32 s10, $0x3  }
0x19: {  	s23 =	sshrl.u32 s12, $0x3;
	s14 =	sshrl.u32 s14, $0x3;
	s15 =	sshrl.u32 s15, $0x3  }
0x1a: {  	s10 =	sadd.s32 s3, s10;
	s13 =	sadd.s32 s3, s23;
	s14 =	sadd.s32 s3, s14  }
0x1b: {  	s15 =	sadd.s32 s3, s15;
	s23 =	simm.s32 $0x80;
	s3 =	simm.s32 $0x3  }
0x1c: {  	v0 =	vmov s19;
	[dreg:$0x9] =	wrdreg s10;
	s10 =	sadd.s32 $0x14, s26;
	s26 =	simm.s32 $0x5180  }
.LBB2_1:
0x1d: {  	s5 =	rddreg [dreg:$0x5]  }
0x1e: {  	[tilespmem:s20], [sflag:$0x7] =	stream.linear.gather [hbm4b:s5+s2], $0x2800, $0x38;
	[tilespmem:$0x141C0] =	vst v63  }
0x1f: {  	_ =	swait.ge [sflag:s21], $0x2800  }
0x20: {  	[sflag:s21] =	ssyncset.done $0x0  }
0x21: {  	[sflag:s21] =	ssyncadd.s32 $0xFFFFD800  }
0x22: {  	[spmem:s6] =	stream.linear.scatter [tilespmem:s20], [sflag:$0x7], $0x2800, $0x38;
	[tilespmem:$0x141C0] =	vst v63  }
0x23: {  	_ =	swait.ge [sflag:s21], $0x2800  }
0x24: {  	[sflag:s21] =	ssyncset.done $0x0  }
0x25: {  	[sflag:s21] =	ssyncadd.s32 $0xFFFFD800  }
0x26: {  	[spmem:s7] =	stream.linear.scatter [tilespmem:s20], [sflag:$0x7], $0x2800, $0x38;
	[tilespmem:$0x141C0] =	vst v63  }
0x27: {  	_ =	swait.ge [sflag:s21], $0x2800  }
0x28: {  	[sflag:s21] =	ssyncset.done $0x0  }
0x29: {  	[sflag:s21] =	ssyncadd.s32 $0xFFFFD800  }
0x2a: {  	[spmem:s8] =	stream.linear.scatter [tilespmem:s20], [sflag:$0x7], $0x2800, $0x38;
	[tilespmem:$0x141C0] =	vst v63  }
0x2b: {  	_ =	swait.ge [sflag:s21], $0x2800  }
0x2c: {  	[sflag:s21] =	ssyncset.done $0x0  }
0x2d: {  	[sflag:s21] =	ssyncadd.s32 $0xFFFFD800  }
0x2e: {  	[spmem:s9] =	stream.linear.scatter [tilespmem:s20], [sflag:$0x7], $0x2800, $0x38;
	[tilespmem:$0x141C0] =	vst v63  }
0x2f: {  	_ =	swait.ge [sflag:s21], $0x2800  }
0x30: {  	[sflag:s21] =	ssyncset.done $0x0  }
0x31: {  	s11 =	simm.s32 $0x7980;
	s19 =	rddreg [dreg:$0x6];
	[sflag:s21] =	ssyncadd.s32 $0xFFFFD800  }
0x32: {  	[tilespmem:s11], [sflag:$0x7] =	stream.linear.gather [hbm4b:s19+s2], $0x2800, $0x38;
	[tilespmem:$0x141C0] =	vst v63  }
0x33: {  	_ =	swait.ge [sflag:s21], $0x2800  }
0x34: {  	[sflag:s21] =	ssyncset.done $0x0  }
0x35: {  	[sflag:s21] =	ssyncadd.s32 $0xFFFFD800  }
0x36: {  	s19 =	smov.u32 s10;
	s11 =	simm.s32 $0x0;
	[bflag:$0x0] =	sbarrier.arrive $0xFFFF  }
.LBB2_2:
0x37: {  	s5 =	sadd.s32 $0xFFFFFFEC, s19  }
0x38: {  	[tilespmem:s2], [sflag:$0x1] =	stream.linear.gather [hbm4b:s5+s2], $0x50, $0x38;
	[tilespmem:$0x141C0] =	vst v63  }
0x39: {  	s5 =	sadd.s32 s11, s18  }
0x3a: {  	[tilespmem:s20], [sflag:$0x4] =	stream.linear.gather [hbm4b:s5+s2], $0x2800, $0x38;
	[tilespmem:$0x141C0] =	vst v63  }
0x3b: {  	s12 =	sadd.s32 $0xFFFFFFF6, s19  }
0x3c: {  	[tilespmem:s23], [sflag:$0x2] =	stream.linear.gather [hbm4b:s12+s2], $0x50, $0x38;
	[tilespmem:$0x141C0] =	vst v63  }
0x3d: {  	s12 =	sadd.s32 $0x500, s5  }
0x3e: {  	[tilespmem:s24], [sflag:$0x5] =	stream.linear.gather [hbm4b:s12+s2], $0x2800, $0x38;
	[tilespmem:$0x141C0] =	vst v63  }
0x3f: {  	_ = 	snop  }
0x40: {  	[tilespmem:s25], [sflag:$0x3] =	stream.linear.gather [hbm4b:s19+s2], $0x50, $0x38;
	[tilespmem:$0x141C0] =	vst v63  }
0x41: {  	s5 =	sadd.s32 $0xA00, s5  }
0x42: {  	[tilespmem:s26], [sflag:$0x6] =	stream.linear.gather [hbm4b:s5+s2], $0x2800, $0x38;
	[tilespmem:$0x141C0] =	vst v63  }
0x43: {  	_ =	swait.ge [sflag:s28], $0x50  }
0x44: {  	[sflag:s28] =	ssyncset.done $0x0  }
0x45: {  	[sflag:s28] =	ssyncadd.s32 $0xFFFFFFB0  }
0x46: {  	v2 =	vld [tilespmem:$0x0];
	_ =	sdelay $0x6  }
0x47: {  	v1 =	vimm.f32 @p0 $1.000000000e+00;
	s5 =	simm.s32 @p0 $0x7980  }
0x48: {  	[tilespmem:v2+s5+$0x0] =	vst.idx.add.f32.msk @p0 $0xffff, v1  }
0x49: {  	v3 =	vld @p0 [tilespmem:$0x10];
	_ =	sdelay $0x4  }
0x4a: {  	v4 =	vsub.s32 @p0 v2, v0  }
0x4b: {  	v4 =	vmin.u32 @p0 v4, $0x1400  }
0x4c: {  	[tilespmem:$0x0] =	vst @p0 v4  }
0x4d: {  	[tilespmem:v3+s5+$0x0] =	vst.idx.add.f32.msk @p0 $0xffff, v1  }
0x4e: {  	v4 =	vld @p0 [tilespmem:$0x20];
	_ =	sdelay $0x4  }
0x4f: {  	v3 =	vsub.s32 @p0 v3, v0  }
0x50: {  	v3 =	vmin.u32 @p0 v3, $0x1400  }
0x51: {  	[tilespmem:$0x10] =	vst @p0 v3  }
0x52: {  	[tilespmem:v4+s5+$0x0] =	vst.idx.add.f32.msk @p0 $0xffff, v1  }
0x53: {  	v3 =	vld @p0 [tilespmem:$0x30];
	_ =	sdelay $0x4  }
0x54: {  	v4 =	vsub.s32 @p0 v4, v0  }
0x55: {  	v4 =	vmin.u32 @p0 v4, $0x1400  }
0x56: {  	[tilespmem:$0x20] =	vst @p0 v4  }
0x57: {  	[tilespmem:v3+s5+$0x0] =	vst.idx.add.f32.msk @p0 $0xffff, v1  }
0x58: {  	v4 =	vld @p0 [tilespmem:$0x40];
	_ =	sdelay $0x4  }
0x59: {  	v3 =	vsub.s32 @p0 v3, v0  }
0x5a: {  	v3 =	vmin.u32 @p0 v3, $0x1400  }
0x5b: {  	[tilespmem:$0x30] =	vst @p0 v3  }
0x5c: {  	[tilespmem:v4+s5+$0x0] =	vst.idx.add.f32.msk @p0 $0xffff, v1  }
0x5d: {  	v3 =	vld @!p0 [tilespmem:$0x10]  }
0x5e: {  	v5 =	vld @!p0 [tilespmem:$0x20]  }
0x5f: {  	v6 =	vld @!p0 [tilespmem:$0x30]  }
0x60: {  	v7 =	vld @!p0 [tilespmem:$0x40];
	_ =	sdelay $0x1  }
0x61: {  	v2 =	vsub.s32 @!p0 v2, v0  }
0x62: {  	v2 =	vmin.u32 @!p0 v2, $0x1400;
	v3 =	vsub.s32 @!p0 v3, v0  }
0x63: {  	[tilespmem:$0x0] =	vst @!p0 v2;
	v2 =	vmin.u32 @!p0 v3, $0x1400;
	v3 =	vsub.s32 @!p0 v5, v0  }
0x64: {  	v4 =	vpsel p0, v4, v7;
	[tilespmem:$0x10] =	vst @!p0 v2;
	v2 =	vmin.u32 @!p0 v3, $0x1400;
	v3 =	vsub.s32 @!p0 v6, v0  }
0x65: {  	[tilespmem:$0x20] =	vst @!p0 v2;
	v2 =	vmin.u32 @!p0 v3, $0x1400;
	v3 =	vsub.s32 v4, v0  }
0x66: {  	[tilespmem:$0x30] =	vst @!p0 v2;
	v2 =	vmin.u32 v3, $0x1400  }
0x67: {  	[tilespmem:$0x40] =	vst v2  }
0x68: {  	_ =	swait.ge [sflag:s29], $0x2800  }
0x69: {  	[sflag:s29] =	ssyncset.done $0x0  }
0x6a: {  	[sflag:s29] =	ssyncadd.s32 $0xFFFFD800  }
0x6b: {  	[spmem:s1] =	stream.indirect.scatter.add.f32 [tilespmem:s20], [sflag:$0x7], $0x80, s2, s30, $0xb8;
	[tilespmem:$0x141C0] =	vst v63  }
0x6c: {  	_ =	swait.ge [sflag:s21], $0x2800  }
0x6d: {  	[sflag:s21] =	ssyncset.done $0x0  }
0x6e: {  	[sflag:s21] =	ssyncadd.s32 $0xFFFFD800  }
0x6f: {  	_ =	swait.ge [sflag:s31], $0x50  }
0x70: {  	[sflag:s31] =	ssyncset.done $0x0  }
0x71: {  	[sflag:s31] =	ssyncadd.s32 $0xFFFFFFB0  }
0x72: {  	v2 =	vld [tilespmem:$0x80];
	_ =	sdelay $0x7  }
0x73: {  	[tilespmem:v2+s5+$0x0] =	vst.idx.add.f32.msk @p0 $0xffff, v1  }
0x74: {  	v3 =	vld @p0 [tilespmem:$0x90];
	_ =	sdelay $0x4  }
0x75: {  	v4 =	vsub.s32 @p0 v2, v0  }
0x76: {  	v4 =	vmin.u32 @p0 v4, $0x1400  }
0x77: {  	[tilespmem:$0x80] =	vst @p0 v4  }
0x78: {  	[tilespmem:v3+s5+$0x0] =	vst.idx.add.f32.msk @p0 $0xffff, v1  }
0x79: {  	v4 =	vld @p0 [tilespmem:$0xA0];
	_ =	sdelay $0x4  }
0x7a: {  	v3 =	vsub.s32 @p0 v3, v0  }
0x7b: {  	v3 =	vmin.u32 @p0 v3, $0x1400  }
0x7c: {  	[tilespmem:$0x90] =	vst @p0 v3  }
0x7d: {  	[tilespmem:v4+s5+$0x0] =	vst.idx.add.f32.msk @p0 $0xffff, v1  }
0x7e: {  	v3 =	vld @p0 [tilespmem:$0xB0];
	_ =	sdelay $0x4  }
0x7f: {  	v4 =	vsub.s32 @p0 v4, v0  }
0x80: {  	v4 =	vmin.u32 @p0 v4, $0x1400  }
0x81: {  	[tilespmem:$0xA0] =	vst @p0 v4  }
0x82: {  	[tilespmem:v3+s5+$0x0] =	vst.idx.add.f32.msk @p0 $0xffff, v1  }
0x83: {  	v4 =	vld @p0 [tilespmem:$0xC0];
	_ =	sdelay $0x4  }
0x84: {  	v3 =	vsub.s32 @p0 v3, v0  }
0x85: {  	v3 =	vmin.u32 @p0 v3, $0x1400  }
0x86: {  	[tilespmem:$0xB0] =	vst @p0 v3  }
0x87: {  	[tilespmem:v4+s5+$0x0] =	vst.idx.add.f32.msk @p0 $0xffff, v1  }
0x88: {  	v3 =	vld @!p0 [tilespmem:$0x90]  }
0x89: {  	v5 =	vld @!p0 [tilespmem:$0xA0]  }
0x8a: {  	v6 =	vld @!p0 [tilespmem:$0xB0]  }
0x8b: {  	v7 =	vld @!p0 [tilespmem:$0xC0];
	_ =	sdelay $0x1  }
0x8c: {  	v2 =	vsub.s32 @!p0 v2, v0  }
0x8d: {  	v2 =	vmin.u32 @!p0 v2, $0x1400;
	v3 =	vsub.s32 @!p0 v3, v0  }
0x8e: {  	[tilespmem:$0x80] =	vst @!p0 v2;
	v2 =	vmin.u32 @!p0 v3, $0x1400;
	v3 =	vsub.s32 @!p0 v5, v0  }
0x8f: {  	v4 =	vpsel p0, v4, v7;
	[tilespmem:$0x90] =	vst @!p0 v2;
	v2 =	vmin.u32 @!p0 v3, $0x1400;
	v3 =	vsub.s32 @!p0 v6, v0  }
0x90: {  	[tilespmem:$0xA0] =	vst @!p0 v2;
	v2 =	vmin.u32 @!p0 v3, $0x1400;
	v3 =	vsub.s32 v4, v0  }
0x91: {  	[tilespmem:$0xB0] =	vst @!p0 v2;
	v2 =	vmin.u32 v3, $0x1400  }
0x92: {  	[tilespmem:$0xC0] =	vst v2  }
0x93: {  	_ =	swait.ge [sflag:s0], $0x2800  }
0x94: {  	[sflag:s0] =	ssyncset.done $0x0  }
0x95: {  	[sflag:s0] =	ssyncadd.s32 $0xFFFFD800  }
0x96: {  	[spmem:s1] =	stream.indirect.scatter.add.f32 [tilespmem:s24], [sflag:$0x7], $0x80, s23, s30, $0xb8;
	[tilespmem:$0x141C0] =	vst v63  }
0x97: {  	_ =	swait.ge [sflag:s21], $0x2800  }
0x98: {  	[sflag:s21] =	ssyncset.done $0x0  }
0x99: {  	[sflag:s21] =	ssyncadd.s32 $0xFFFFD800  }
0x9a: {  	_ =	swait.ge [sflag:s3], $0x50  }
0x9b: {  	[sflag:s3] =	ssyncset.done $0x0  }
0x9c: {  	[sflag:s3] =	ssyncadd.s32 $0xFFFFFFB0  }
0x9d: {  	v2 =	vld [tilespmem:$0x100];
	_ =	sdelay $0x7  }
0x9e: {  	[tilespmem:v2+s5+$0x0] =	vst.idx.add.f32.msk @p0 $0xffff, v1  }
0x9f: {  	v3 =	vld @p0 [tilespmem:$0x110];
	_ =	sdelay $0x4  }
0xa0: {  	v4 =	vsub.s32 @p0 v2, v0  }
0xa1: {  	v4 =	vmin.u32 @p0 v4, $0x1400  }
0xa2: {  	[tilespmem:$0x100] =	vst @p0 v4  }
0xa3: {  	[tilespmem:v3+s5+$0x0] =	vst.idx.add.f32.msk @p0 $0xffff, v1  }
0xa4: {  	v4 =	vld @p0 [tilespmem:$0x120];
	_ =	sdelay $0x4  }
0xa5: {  	v3 =	vsub.s32 @p0 v3, v0  }
0xa6: {  	v3 =	vmin.u32 @p0 v3, $0x1400  }
0xa7: {  	[tilespmem:$0x110] =	vst @p0 v3  }
0xa8: {  	[tilespmem:v4+s5+$0x0] =	vst.idx.add.f32.msk @p0 $0xffff, v1  }
0xa9: {  	v3 =	vld @p0 [tilespmem:$0x130];
	_ =	sdelay $0x4  }
0xaa: {  	v4 =	vsub.s32 @p0 v4, v0  }
0xab: {  	v4 =	vmin.u32 @p0 v4, $0x1400  }
0xac: {  	[tilespmem:$0x120] =	vst @p0 v4  }
0xad: {  	[tilespmem:v3+s5+$0x0] =	vst.idx.add.f32.msk @p0 $0xffff, v1  }
0xae: {  	v4 =	vld @p0 [tilespmem:$0x140];
	_ =	sdelay $0x4  }
0xaf: {  	v3 =	vsub.s32 @p0 v3, v0  }
0xb0: {  	v3 =	vmin.u32 @p0 v3, $0x1400  }
0xb1: {  	[tilespmem:$0x130] =	vst @p0 v3  }
0xb2: {  	[tilespmem:v4+s5+$0x0] =	vst.idx.add.f32.msk @p0 $0xffff, v1  }
0xb3: {  	v3 =	vld @!p0 [tilespmem:$0x110]  }
0xb4: {  	v5 =	vld @!p0 [tilespmem:$0x120]  }
0xb5: {  	v6 =	vld @!p0 [tilespmem:$0x130]  }
0xb6: {  	v7 =	vld @!p0 [tilespmem:$0x140];
	_ =	sdelay $0x1  }
0xb7: {  	v2 =	vsub.s32 @!p0 v2, v0  }
0xb8: {  	v2 =	vmin.u32 @!p0 v2, $0x1400;
	v3 =	vsub.s32 @!p0 v3, v0  }
0xb9: {  	[tilespmem:$0x100] =	vst @!p0 v2;
	v2 =	vmin.u32 @!p0 v3, $0x1400;
	v3 =	vsub.s32 @!p0 v5, v0  }
0xba: {  	[tilespmem:$0x110] =	vst @!p0 v2;
	v2 =	vpsel p0, v4, v7;
	v3 =	vmin.u32 @!p0 v3, $0x1400;
	v4 =	vsub.s32 @!p0 v6, v0  }
0xbb: {  	[tilespmem:$0x120] =	vst @!p0 v3;
	v3 =	vmin.u32 @!p0 v4, $0x1400;
	v2 =	vsub.s32 v2, v0  }
0xbc: {  	[tilespmem:$0x130] =	vst @!p0 v3;
	v2 =	vmin.u32 v2, $0x1400  }
0xbd: {  	[tilespmem:$0x140] =	vst v2  }
0xbe: {  	s11 =	sadd.s32 $0xF00, s11;
	_ =	swait.ge [sflag:s22], $0x2800  }
0xbf: {  	p2 =	sne.s32 s11, $0x4DD00;
	[sflag:s22] =	ssyncset.done $0x0  }
.Ltmp0:
0xc0: {  	[sflag:s22] =	ssyncadd.s32 $0xFFFFD800;
	(pc) =	sbr.rel @p2 .LBB2_2-.Ltmp0, $4  }
0xc1: {  	[spmem:s1] =	stream.indirect.scatter.add.f32 [tilespmem:s26], [sflag:$0x7], $0x80, s25, s30, $0xb8;
	[tilespmem:$0x141C0] =	vst v63  }
0xc2: {  	_ =	swait.ge [sflag:s21], $0x2800  }
0xc3: {  	[sflag:s21] =	ssyncset.done $0x0  }
0xc4: {  	s19 =	sadd.s32 $0x1E, s19;
	[sflag:s21] =	ssyncadd.s32 $0xFFFFD800  }
0xc5: {  	s11 =	rddreg [dreg:$0x7]  }
0xc6: {  	[tilespmem:s2], [sflag:$0x7] =	stream.linear.gather [hbm4b:s11+s2], $0x50, $0x38;
	[tilespmem:$0x141C0] =	vst v63  }
0xc7: {  	_ =	swait.ge [sflag:s21], $0x50  }
0xc8: {  	[sflag:s21] =	ssyncset.done $0x0  }
0xc9: {  	s12 =	rddreg [dreg:$0x8];
	[sflag:s21] =	ssyncadd.s32 $0xFFFFFFB0  }
0xca: {  	[tilespmem:s20], [sflag:$0x7] =	stream.linear.gather [hbm4b:s12+s2], $0x2800, $0x38;
	[tilespmem:$0x141C0] =	vst v63  }
0xcb: {  	_ =	swait.ge [sflag:s21], $0x2800  }
0xcc: {  	[sflag:s21] =	ssyncset.done $0x0  }
0xcd: {  	[sflag:s21] =	ssyncadd.s32 $0xFFFFD800  }
0xce: {  	v2 =	vld [tilespmem:$0x0];
	_ =	sdelay $0x7  }
0xcf: {  	[tilespmem:v2+s5+$0x0] =	vst.idx.add.f32.msk @p0 $0xffff, v1  }
0xd0: {  	v3 =	vld @p0 [tilespmem:$0x10];
	_ =	sdelay $0x4  }
0xd1: {  	v4 =	vsub.s32 @p0 v2, v0  }
0xd2: {  	v4 =	vmin.u32 @p0 v4, $0x1400  }
0xd3: {  	[tilespmem:$0x0] =	vst @p0 v4  }
0xd4: {  	[tilespmem:v3+s5+$0x0] =	vst.idx.add.f32.msk @p0 $0xffff, v1  }
0xd5: {  	v4 =	vld @p0 [tilespmem:$0x20];
	_ =	sdelay $0x4  }
0xd6: {  	v3 =	vsub.s32 @p0 v3, v0  }
0xd7: {  	v3 =	vmin.u32 @p0 v3, $0x1400  }
0xd8: {  	[tilespmem:$0x10] =	vst @p0 v3  }
0xd9: {  	[tilespmem:v4+s5+$0x0] =	vst.idx.add.f32.msk @p0 $0xffff, v1  }
0xda: {  	v3 =	vld @p0 [tilespmem:$0x30];
	_ =	sdelay $0x4  }
0xdb: {  	v4 =	vsub.s32 @p0 v4, v0  }
0xdc: {  	v4 =	vmin.u32 @p0 v4, $0x1400  }
0xdd: {  	[tilespmem:$0x20] =	vst @p0 v4  }
0xde: {  	[tilespmem:v3+s5+$0x0] =	vst.idx.add.f32.msk @p0 $0xffff, v1  }
0xdf: {  	v4 =	vld @p0 [tilespmem:$0x40];
	_ =	sdelay $0x4  }
0xe0: {  	v3 =	vsub.s32 @p0 v3, v0  }
0xe1: {  	v3 =	vmin.u32 @p0 v3, $0x1400  }
0xe2: {  	[tilespmem:$0x30] =	vst @p0 v3  }
0xe3: {  	[tilespmem:v4+s5+$0x0] =	vst.idx.add.f32.msk @p0 $0xffff, v1  }
0xe4: {  	v1 =	vld @!p0 [tilespmem:$0x10]  }
0xe5: {  	v3 =	vld @!p0 [tilespmem:$0x20]  }
0xe6: {  	v5 =	vld @!p0 [tilespmem:$0x30]  }
0xe7: {  	v6 =	vld @!p0 [tilespmem:$0x40];
	_ =	sdelay $0x1  }
0xe8: {  	v2 =	vsub.s32 @!p0 v2, v0  }
0xe9: {  	v2 =	vmin.u32 @!p0 v2, $0x1400;
	v1 =	vsub.s32 @!p0 v1, v0  }
0xea: {  	[tilespmem:$0x0] =	vst @!p0 v2;
	v2 =	vsub.s32 @!p0 v3, v0;
	v1 =	vmin.u32 @!p0 v1, $0x1400  }
0xeb: {  	v3 =	vsub.s32 @!p0 v5, v0;
	v2 =	vmin.u32 @!p0 v2, $0x1400;
	[tilespmem:$0x10] =	vst @!p0 v1;
	v1 =	vpsel p0, v4, v6  }
0xec: {  	[tilespmem:$0x20] =	vst @!p0 v2;
	v2 =	vmin.u32 @!p0 v3, $0x1400;
	v1 =	vsub.s32 v1, v0  }
0xed: {  	[tilespmem:$0x30] =	vst @!p0 v2;
	v1 =	vmin.u32 v1, $0x1400  }
0xee: {  	[tilespmem:$0x40] =	vst v1  }
0xef: {  	[spmem:s1] =	stream.indirect.scatter.add.f32 [tilespmem:s20], [sflag:$0x7], $0x80, s2, s30, $0xb8;
	[tilespmem:$0x141C0] =	vst v63  }
0xf0: {  	_ =	swait.ge [sflag:s21], $0x2800  }
0xf1: {  	[sflag:s21] =	ssyncset.done $0x0  }
0xf2: {  	[sflag:s21] =	ssyncadd.s32 $0xFFFFD800  }
0xf3: {  	[bflag:$0x0] =	sbarrier.arrive $0xFFFF  }
0xf4: {  	[tilespmem:s20], [sflag:$0x7] =	stream.linear.gather [spmem:s6], $0x2800, $0x38;
	[tilespmem:$0x141C0] =	vst v63  }
0xf5: {  	_ =	swait.ge [sflag:s21], $0x2800  }
0xf6: {  	[sflag:s21] =	ssyncset.done $0x0  }
0xf7: {  	s19 =	rddreg [dreg:$0x9];
	[sflag:s21] =	ssyncadd.s32 $0xFFFFD800  }
0xf8: {  	[hbm4b:s19+s2] =	stream.linear.scatter [tilespmem:s20], [sflag:$0x7], $0x2800, $0x38;
	[tilespmem:$0x141C0] =	vst v63  }
0xf9: {  	_ =	swait.ge [sflag:s21], $0x2800  }
0xfa: {  	[sflag:s21] =	ssyncset.done $0x0  }
0xfb: {  	[sflag:s21] =	ssyncadd.s32 $0xFFFFD800  }
0xfc: {  	[tilespmem:s20], [sflag:$0x7] =	stream.linear.gather [spmem:s7], $0x2800, $0x38;
	[tilespmem:$0x141C0] =	vst v63  }
0xfd: {  	_ =	swait.ge [sflag:s21], $0x2800  }
0xfe: {  	[sflag:s21] =	ssyncset.done $0x0  }
0xff: {  	[sflag:s21] =	ssyncadd.s32 $0xFFFFD800  }
0x100: {  	[hbm4b:s13+s2] =	stream.linear.scatter [tilespmem:s20], [sflag:$0x7], $0x2800, $0x38;
	[tilespmem:$0x141C0] =	vst v63  }
0x101: {  	_ =	swait.ge [sflag:s21], $0x2800  }
0x102: {  	[sflag:s21] =	ssyncset.done $0x0  }
0x103: {  	[sflag:s21] =	ssyncadd.s32 $0xFFFFD800  }
0x104: {  	[tilespmem:s20], [sflag:$0x7] =	stream.linear.gather [spmem:s8], $0x2800, $0x38;
	[tilespmem:$0x141C0] =	vst v63  }
0x105: {  	_ =	swait.ge [sflag:s21], $0x2800  }
0x106: {  	[sflag:s21] =	ssyncset.done $0x0  }
0x107: {  	[sflag:s21] =	ssyncadd.s32 $0xFFFFD800  }
0x108: {  	[hbm4b:s14+s2] =	stream.linear.scatter [tilespmem:s20], [sflag:$0x7], $0x2800, $0x38;
	[tilespmem:$0x141C0] =	vst v63  }
0x109: {  	_ =	swait.ge [sflag:s21], $0x2800  }
0x10a: {  	[sflag:s21] =	ssyncset.done $0x0  }
0x10b: {  	[sflag:s21] =	ssyncadd.s32 $0xFFFFD800  }
0x10c: {  	[tilespmem:s20], [sflag:$0x7] =	stream.linear.gather [spmem:s9], $0x2800, $0x38;
	[tilespmem:$0x141C0] =	vst v63  }
0x10d: {  	_ =	swait.ge [sflag:s21], $0x2800  }
0x10e: {  	[sflag:s21] =	ssyncset.done $0x0  }
0x10f: {  	[sflag:s21] =	ssyncadd.s32 $0xFFFFD800  }
0x110: {  	[hbm4b:s15+s2] =	stream.linear.scatter [tilespmem:s20], [sflag:$0x7], $0x2800, $0x38;
	[tilespmem:$0x141C0] =	vst v63  }
0x111: {  	_ =	swait.ge [sflag:s21], $0x2800  }
0x112: {  	s4 =	sadd.s32 $0x1, s4;
	s11 =	simm.s32 @!p1 $0x7980;
	[sflag:s21] =	ssyncset.done $0x0  }
0x113: {  	p2 =	sne.s32 s4, s17;
	s5 =	simm.s32 @!p1 $0x0;
	[sflag:s21] =	ssyncadd.s32 $0xFFFFD800  }
0x114: {  	[hbm4b:s16+s5] =	stream.linear.scatter @!p1 [tilespmem:s11], [sflag:$0x7], $0x2800, $0x38;
	[tilespmem:$0x141C0] =	vst v63  }
.Ltmp1:
0x115: {  	_ = 	snop;
	(pc) =	sbr.rel @p2 .LBB2_1-.Ltmp1, $4  }
0x116: {  	s5 =	simm.s32 @!p1 $0x7  }
0x117: {  	_ =	swait.ge @!p1 [sflag:s5], $0x2800  }
0x118: {  	[sflag:s5] =	ssyncset.done @!p1 $0x0  }
0x119: {  	[sflag:s5] =	ssyncadd.s32 @!p1 $0xFFFFD800  }
0x11a: {  	_ =	sfence.sel $0x180000  }
0x11b: {  	[bflag:$0x0] =	sbarrier.arrive $0xFFFF  }
0x11c: {  	_ =	strace $0x9000004A  }
0x11d: {  	s0 =	stileid.u32;
	[bflag:$0x2] =	sbarrier.arrive $0xFFFF  }
0x11e: {  	p0 =	sne.s32 s0, $0x0;
	s0 =	rddreg [dreg:$0x4]  }
0x11f: {  	s0 =	sadd.s32 @!p0 $0x100000, s0  }
0x120: {  	[sflag:s0] =	ssyncadd.tile.s32 @!p0 $0x1;
	_ =	shalt  }
.Lfunc_end2:
_tile_overlayer_lowered:
.L_overlay_start_2:
0x121: {  	(tag) =	ssettag $0x2  }
0x122: {  	s0 =	rddreg [dreg:$0x0];
	s2 =	stileid.u32  }
0x123: {  	s1 =	rddreg [dreg:$0x1];
	p0 =	sne.s32 s2, $0x0  }
0x124: {  	s3 =	rddreg [dreg:$0x2];
	[bflag:$0x3] =	sbarrier.arrive $0xFFFF;
	s2 =	simm.s32 @!p0 $0x1C07  }
0x125: {  	[timem:s3], [sflag:s2] =	dma.local @!p0 [hbm:s0], s1  }
0x126: {  	s0 =	simm.s32 @!p0 $0x7  }
0x127: {  	_ =	swait.ge @!p0 [sflag:s0], s1  }
0x128: {  	s1 =	ssub.s32 @!p0 $0x0, s1;
	[sflag:s0] =	ssyncset.done @!p0 $0x0  }
0x129: {  	[sflag:s0] =	ssyncadd.s32 @!p0 s1  }
0x12a: {  	[bflag:$0x3] =	sbarrier.arrive $0xFFFF  }
0x12b: {  	_ =	shalt  }

// kernel: kernel.9.cloned.1.call-start
scs
__scs_entry_jumppad:
0x0: {  	(pc) =	sbr.rel $0x88, $3  }
0x1: {  	(tag) =	ssettag $0x0;
	lr =	simm.s32 $0x1  }
0x2: {  	[smem:$0x3F8E] =	sst lr;
	_ =	strace $0xD0000000  }
0x3: {  	_ = 	snop  }
0x4: {  	_ = 	snop  }
0x5: {  	_ = 	snop  }
0x6: {  	_ = 	snop  }
0x7: {  	_ = 	snop  }
__scs_overlays_trampoline_lowered:
0x8: {  	[smem:$0x3F9D] =	sst s0  }
0x9: {  	[smem:$0x3F9E] =	sst s1  }
0xa: {  	[smem:$0x3F9F] =	sst s2  }
0xb: {  	[smem:$0x3FA0] =	sst s3  }
0xc: {  	[smem:$0x3FA1] =	sst s4  }
0xd: {  	[smem:$0x3FA2] =	sst s5  }
0xe: {  	[smem:$0x3FA3] =	sst s6  }
0xf: {  	[smem:$0x3FA4] =	sst s7  }
0x10: {  	[smem:$0x3FA5] =	sst s8  }
0x11: {  	[smem:$0x3FA6] =	sst s9;
	s0 =	simm.s32 @!p0 $0x0  }
0x12: {  	s1 =	sld [smem:$0x3F8C];
	s0 =	simm.s32 @p0 $0x1  }
0x13: {  	[smem:$0x3FA7] =	sst s0;
	s0 =	simm.s32 @!p1 $0x0  }
0x14: {  	s2 =	sld [smem:$0x3F8B];
	s0 =	simm.s32 @p1 $0x1  }
0x15: {  	[smem:$0x3FA8] =	sst s0;
	s0 =	simm.s32 @!p2 $0x0  }
0x16: {  	s3 =	sld [smem:$0x3FDB];
	s0 =	simm.s32 @p2 $0x1  }
0x17: {  	s4 =	simm.s32 $0x1BF5;
	[smem:$0x3FAA] =	sst s0  }
0x18: {  	s0 =	sld [smem:$0x3F8D];
	_ =	swait.ge [sflag:s4], $0x0  }
0x19: {  	s7 =	sld [smem:$0x3F8E]  }
0x1a: {  	s8 =	sadd.s32 $0xFFFFE003, lr  }
0x1b: {  	s9 =	sadd.s32 $0xFFFFFEF7, lr;
	s5 =	simm.s32 $0xFFFFFFFF;
	p2 =	slt.u32 s8, $0xFFFFF086  }
0x1c: {  	p1 =	slt.u32 s9, $0xF7A;
	s5 =	simm.s32 @!p2 $0x0  }
0x1d: {  	s5 =	simm.s32 @p1 $0x1;
	p0 =	seq.s32 s7, s2  }
0x1e: {  	s7 =	smul.u32 @!p0 $0xF7A, s2;
	p2 =	seq.s32 @!p0 s5, $0x0  }
0x1f: {  	s9 =	smul.u32 $0xF7A, s1;
	s8 =	simm.s32 @!p0 $0x1BF5;
	p2 =	por !p2, p0  }
0x20: {  	[sflag:s8] =	ssyncset.s32 @!p0 $0xFFFFF086;
	s6 =	sadd.s32 @!p0 s3, s7;
	s7 =	simm.s32 @!p0 $0x108  }
0x21: {  	s3 =	sadd.s32 s3, s9;
	s6 =	sadd.s32 @!p0 $0x88, s6;
	s7 =	simm.s32 @p2 $0x1082  }
0x22: {  	[simem:s7], [sflag:s8] =	dma.local @!p0 [hbm:s6], $0xF7A  }
0x23: {  	s9 =	sor.u32 $0xD0000000, s2;
	s6 =	simm.s32 $0x108;
	_ =	swait.ge @!p0 [sflag:s8], $0x0  }
0x24: {  	s3 =	sadd.s32 $0x88, s3;
	s6 =	simm.s32 @!p1 $0x1082;
	[sflag:s4] =	ssyncset.s32 $0xFFFFF086  }
0x25: {  	[simem:s6], [sflag:s4] =	dma.local [hbm:s3], $0xF7A  }
0x26: {  	[smem:$0x3F8E] =	sst s1;
	(tag) =	ssettag s2;
	_ =	strace s9  }
0x27: {  	s1 =	sld [smem:$0x3F9E]  }
0x28: {  	s2 =	sld [smem:$0x3F9F]  }
0x29: {  	s4 =	sld [smem:$0x3FA1]  }
0x2a: {  	p0 =	seq.s32 s5, $0x0;
	s5 =	sld [smem:$0x3FA2]  }
0x2b: {  	s6 =	sld [smem:$0x3FA3]  }
0x2c: {  	s7 =	sld [smem:$0x3FA4]  }
0x2d: {  	s3 =	simm.s32 $0x108;
	s8 =	sld [smem:$0x3FA5]  }
0x2e: {  	s3 =	simm.s32 @!p0 $0x1082;
	s9 =	sld [smem:$0x3FA6]  }
0x2f: {  	lr =	sadd.s32 s0, s3;
	s0 =	sld [smem:$0x3F9D]  }
0x30: {  	s3 =	sld [smem:$0x3FA0]  }
0x31: {  	[smem:$0x3FA9] =	sst s10  }
0x32: {  	s10 =	sld [smem:$0x3FA7];
	_ =	sdelay $0x3  }
0x33: {  	p0 =	seq.s32 s10, $0x1;
	s10 =	sld [smem:$0x3FA9];
	_ =	sdelay $0x3  }
0x34: {  	[smem:$0x3FA9] =	sst s10  }
0x35: {  	s10 =	sld [smem:$0x3FA8];
	_ =	sdelay $0x3  }
0x36: {  	p1 =	seq.s32 s10, $0x1;
	s10 =	sld [smem:$0x3FA9];
	_ =	sdelay $0x3  }
0x37: {  	[smem:$0x3FA9] =	sst s10  }
0x38: {  	s10 =	sld [smem:$0x3FAA]  }
0x39: {  	_ = 	snop;
	(pc) =	sbr.ind lr, $3  }
0x3a: {  	_ = 	snop  }
0x3b: {  	_ = 	snop  }
0x3c: {  	p2 =	seq.s32 s10, $0x1;
	s10 =	sld [smem:$0x3FA9]  }
0x3d: {  	_ =	shalt  }
0x3e: {  	_ =	shalt  }
0x3f: {  	_ =	shalt  }
0x40: {  	_ =	shalt  }
0x41: {  	_ =	shalt  }
0x42: {  	_ =	shalt  }
0x43: {  	_ =	shalt  }
0x44: {  	_ =	shalt  }
0x45: {  	_ =	shalt  }
0x46: {  	_ =	shalt  }
0x47: {  	_ =	shalt  }
0x48: {  	_ =	shalt  }
0x49: {  	_ =	shalt  }
0x4a: {  	_ =	shalt  }
0x4b: {  	_ =	shalt  }
0x4c: {  	_ =	shalt  }
0x4d: {  	_ =	shalt  }
0x4e: {  	_ =	shalt  }
0x4f: {  	_ =	shalt  }
0x50: {  	_ =	shalt  }
0x51: {  	_ =	shalt  }
0x52: {  	_ =	shalt  }
0x53: {  	_ =	shalt  }
0x54: {  	_ =	shalt  }
0x55: {  	_ =	shalt  }
0x56: {  	_ =	shalt  }
0x57: {  	_ =	shalt  }
0x58: {  	_ =	shalt  }
0x59: {  	_ =	shalt  }
0x5a: {  	_ =	shalt  }
0x5b: {  	_ =	shalt  }
0x5c: {  	_ =	shalt  }
0x5d: {  	_ =	shalt  }
0x5e: {  	_ =	shalt  }
0x5f: {  	_ =	shalt  }
0x60: {  	_ =	shalt  }
0x61: {  	_ =	shalt  }
0x62: {  	_ =	shalt  }
0x63: {  	_ =	shalt  }
0x64: {  	_ =	shalt  }
0x65: {  	_ =	shalt  }
0x66: {  	_ =	shalt  }
0x67: {  	_ =	shalt  }
0x68: {  	_ =	shalt  }
0x69: {  	_ =	shalt  }
0x6a: {  	_ =	shalt  }
0x6b: {  	_ =	shalt  }
0x6c: {  	_ =	shalt  }
0x6d: {  	_ =	shalt  }
0x6e: {  	_ =	shalt  }
0x6f: {  	_ =	shalt  }
0x70: {  	_ =	shalt  }
0x71: {  	_ =	shalt  }
0x72: {  	_ =	shalt  }
0x73: {  	_ =	shalt  }
0x74: {  	_ =	shalt  }
0x75: {  	_ =	shalt  }
0x76: {  	_ =	shalt  }
0x77: {  	_ =	shalt  }
0x78: {  	_ =	shalt  }
0x79: {  	_ =	shalt  }
0x7a: {  	_ =	shalt  }
0x7b: {  	_ =	shalt  }
0x7c: {  	_ =	shalt  }
0x7d: {  	_ =	shalt  }
0x7e: {  	_ =	shalt  }
0x7f: {  	_ =	shalt  }
0x80: {  	_ =	shalt  }
0x81: {  	_ =	shalt  }
0x82: {  	_ =	shalt  }
0x83: {  	_ =	shalt  }
0x84: {  	_ =	shalt  }
0x85: {  	_ =	shalt  }
0x86: {  	_ =	shalt  }
0x87: {  	_ =	shalt  }
.Lfunc_end0:
.L_simem_size_0:
called_computation_lowered:
.L_overlay_start_0:
0x88: {  	s2 =	sld [smem:$0x3FD9]  }
0x89: {  	s3 =	sld [smem:$0x3FFE];
	_ =	sdelay $0x1  }
0x8a: {  	s1 =	srdreg.scid  }
0x8b: {  	s0 =	sand.u32 $0x1, s1  }
0x8c: {  	s14 =	sshll.u32 s0, $0xA;
	s2 =	sadd.s32 s3, s2  }
0x8d: {  	s2 =	sadd.s32 s2, s14  }
0x8e: {  	[smem:$0x3FB5] =	sst s2  }
0x8f: {  	_ = 	snop  }
0x90: {  	s2 =	sld [smem:$0x3FD0];
	_ =	sdelay $0x2  }
0x91: {  	s15 =	simm.s32 $0xA;
	s4 =	simm.s32 $0x10  }
0x92: {  	[smem:s4], [sflag:s15] =	dma.local [hbm:s2], $0x1  }
0x93: {  	_ =	swait.eq [sflag:s15], $0x1  }
0x94: {  	[sflag:s15] =	ssyncset.done $0x0  }
0x95: {  	s16 =	sld [smem:$0x10];
	[sflag:s15] =	ssyncadd.s32 $0xFFFFFFFF  }
0x96: {  	s17 =	sld [smem:$0x11];
	(tm) =	ssettm $0x1  }
0x97: {  	s18 =	sld [smem:$0x3FFB];
	_ =	sdelay $0x3  }
0x98: {  	_ =	strace s18  }
0x99: {  	s4 =	sld [smem:$0x3FFC];
	_ =	sdelay $0x3  }
0x9a: {  	_ =	strace s4  }
0x9b: {  	s4 =	sld [smem:$0x3FFD];
	_ =	sdelay $0x3  }
0x9c: {  	_ =	strace s4  }
0x9d: {  	_ =	strace $0x8FFFFFFF  }
0x9e: {  	s19 =	sld [smem:$0x3FDB];
	_ =	sdelay $0x1  }
0x9f: {  	s5 =	simm.s32 $_scs_section_size  }
0xa0: {  	s6 =	simm.s32 $_size__tile_overlayer_lowered;
	s7 =	simm.s32 $_tile_overlayer_lowered  }
0xa1: {  	s22 =	simm.s32 $0x1BFF;
	s21 =	sshll.u32 s7, $0x1;
	s4 =	sadd.s32 s5, s19  }
0xa2: {  	s8 =	simm.s32 $0x0;
	s20 =	sshll.u32 s6, $0x1;
	s6 =	sadd.s32 s21, s4  }
0xa3: {  	[timem:s8], [sflag:s22] =	dma.local [hbm:s6], s20  }
0xa4: {  	_ =	swait.ge [sflag:s22], s20  }
0xa5: {  	s5 =	ssub.s32 $0x0, s20;
	[sflag:s22] =	ssyncset.done $0x0  }
0xa6: {  	[sflag:s22] =	ssyncadd.s32 s5;
	_ =	sdelay $0x1  }
0xa7: {  	s23 =	simm.s32 $0x1B8B  }
0xa8: {  	_ =	swait.ge [sflag:s23], $0x1  }
0xa9: {  	[sflag:s23] =	ssyncset.done $0x0  }
0xaa: {  	s25 =	simm.s32 $0x1B8E;
	s24 =	sld [smem:$0x3FFE];
	[sflag:s23] =	ssyncadd.s32 $0xFFFFFFFF  }
0xab: {  	s26 =	simm.s32 $execute0_lowered;
	[smem:$0x3FD2] =	sst s25  }
0xac: {  	s6 =	sshll.u32 s26, $0x1;
	_ =	strace $0x80000046;
	[dreg:$0x1] =	wrdreg $0xFFFFFFFF  }
0xad: {  	s28 =	simm.s32 $_size_execute0_lowered;
	s4 =	sadd.s32 s4, s6;
	[dreg:$0x0] =	wrdreg $0x0  }
0xae: {  	s6 =	sshll.u32 s28, $0x1;
	[dreg:$0x2] =	wrdreg s4  }
0xaf: {  	[dreg:$0x3] =	wrdreg s6  }
0xb0: {  	[dreg:$0x4] =	wrdreg $0xC0  }
0xb1: {  	_ =	task [dreg:s8], $0x5FFFF  }
0xb2: {  	[dreg:$0x1] =	wrdreg $0xFFFFFFFF  }
0xb3: {  	[dreg:$0x0] =	wrdreg $0x60  }
0xb4: {  	[dreg:$0x2] =	wrdreg s16  }
0xb5: {  	[dreg:$0x3] =	wrdreg s24  }
0xb6: {  	[dreg:$0x4] =	wrdreg s17  }
0xb7: {  	[dreg:$0x5] =	wrdreg $0x9  }
0xb8: {  	_ =	task.clear_ibuf [dreg:s8], $0x6FFFF;
	_ =	strace $0x90000046  }
0xb9: {  	s29 =	simm.s32 $0x9;
	_ =	strace $0x80000048  }
0xba: {  	_ =	swait.ge [sflag:s29], $0x1  }
0xbb: {  	[sflag:s29] =	ssyncadd.s32 $0xFFFFFFFF  }
0xbc: {  	_ =	strace $0x90000048  }
0xbd: {  	_ =	sfence  }
0xbe: {  	s30 =	sld [smem:$0x0];
	_ =	sdelay $0x2  }
0xbf: {  	s31 =	sshll.u32 s1, $0xD;
	s1 =	sshrl.u32 s1, $0x2  }
0xc0: {  	s3 =	sand.u32 $0x4000, s31;
	s1 =	sadd.s32 s1, s30  }
0xc1: {  	s0 =	sor.u32 s3, s0;
	s1 =	sshll.u32 s1, $0x11  }
0xc2: {  	s0 =	sor.u32 s1, s0  }
0xc3: {  	s0 =	sadd.s32 $0x8F2B, s0  }
0xc4: {  	[sflag:s0] =	ssyncadd.remote.s32 $0x1  }
0xc5: {  	_ =	sfence.sel $0xFFFF  }
0xc6: {  	[dreg:$0x0] =	wrdreg $0xFFFFFFFF;
	(pc) =	sbr.abs _section_cstart, $3  }
0xc7: {  	[dreg:$0x1] =	wrdreg $0xFFFFFFFF  }
0xc8: {  	_ =	task.clear_ibuf [dreg:s8], $0x2FFFF;
	_ =	strace $0x9FFFFFFF  }
0xc9: {  	(tm) =	ssettm $0x7FFFFFFF  }
tec
execute0_lowered:
.L_overlay_start_1:
0x0: {  	(tag) =	ssettag $0x1  }
0x1: {  	s1 =	rddreg [dreg:$0x0]  }
0x2: {  	s0 =	rddreg [dreg:$0x1]  }
0x3: {  	s2 =	rddreg [dreg:$0x2]  }
0x4: {  	s4 =	srdreg.scid;
	s11 =	stileid.u32  }
0x5: {  	s3 =	simm.s32 $0x0;
	s28 =	simm.s32 $0x4;
	s30 =	simm.s32 $0x11C00  }
0x6: {  	s31 =	simm.s32 $0x5;
	s29 =	simm.s32 $0xA400;
	s5 =	sand.u32 $0x1, s4  }
0x7: {  	s21 =	sshll.u32 s11, $0x1;
	[smem:$0x7FF] =	sst s3;
	s9 =	smul.u32 $0x4E200, s11  }
0x8: {  	s4 =	sadd.s32 $0x17C00, s0;
	s7 =	sadd.s32 $0x4000, s0;
	s11 =	smul.u32 $0x4E20, s11  }
0x9: {  	s8 =	sadd.s32 $0xDE00, s0;
	s0 =	sadd.s32 $0x3EE00, s0;
	s13 =	smul.u32 $0x2710, s5  }
0xa: {  	s6 =	sor.u32 s5, s21;
	s10 =	ssub.s32 $0x2, s5;
	s5 =	smul.u32 $0x27100, s5  }
0xb: {  	_ =	strace $0x80000047;
	s6 =	smul.u32 $0x2710, s6;
	s12 =	sshrl.u32 s10, $0x1  }
0xc: {  	s23 =	sadd.s32 s9, s2;
	s9 =	sadd.s32 s9, s0;
	s11 =	sadd.s32 s13, s11  }
0xd: {  	s24 =	sadd.s32 s5, s23;
	s5 =	sadd.s32 s5, s9;
	s6 =	sadd.s32 $0x26C0, s6  }
0xe: {  	s25 =	sadd.s32 $0xF0, s11;
	[dreg:$0x4] =	wrdreg s24;
	s23 =	sshrl.u32 s11, $0x3  }
0xf: {  	[dreg:$0x5] =	wrdreg s5;
	s22 =	sshrl.u32 s6, $0x3;
	s24 =	sadd.s32 s23, s8  }
0x10: {  	s26 =	sshrl.u32 s25, $0x3;
	s25 =	sadd.s32 s23, s7;
	[dreg:$0xc] =	wrdreg s24  }
0x11: {  	s10 =	ssub.s32 s10, s12;
	s14 =	sadd.s32 s7, s22;
	[dreg:$0xd] =	wrdreg s25  }
0x12: {  	s9 =	simm.s32 $0xC;
	s13 =	sadd.s32 s26, s8;
	[dreg:$0xe] =	wrdreg s14  }
0x13: {  	s18 =	sadd.s32 $0x50, s11;
	s15 =	sadd.s32 s26, s7;
	[dreg:$0x6] =	wrdreg s13  }
0x14: {  	s20 =	sshrl.u32 s18, $0x3;
	s12 =	sadd.s32 s8, s22;
	[dreg:$0x7] =	wrdreg s15  }
0x15: {  	s5 =	simm.s32 $0x8;
	s21 =	sadd.s32 s20, s8;
	[dreg:$0xf] =	wrdreg s12  }
0x16: {  	s6 =	sshll.u32 s6, $0x4;
	s22 =	sadd.s32 s20, s7;
	[dreg:$0xa] =	wrdreg s21  }
0x17: {  	s18 =	simm.s32 $0x50;
	s2 =	sadd.s32 s2, s6;
	[dreg:$0xb] =	wrdreg s22  }
0x18: {  	s0 =	sadd.s32 s0, s6;
	s26 =	smax.u32 s10, $0x1;
	[dreg:$0x10] =	wrdreg s2  }
0x19: {  	s24 =	simm.s32 $0x3;
	s6 =	simm.s32 $0x9;
	[dreg:$0x11] =	wrdreg s0  }
0x1a: {  	s14 =	sadd.s32 $0xA0, s11;
	[dreg:$0x12] =	wrdreg s26;
	s21 =	simm.s32 $0x2  }
0x1b: {  	s0 =	simm.s32 $0x6;
	s2 =	simm.s32 $0x7;
	s16 =	sshrl.u32 s14, $0x3  }
0x1c: {  	s12 =	simm.s32 $0x0;
	s26 =	simm.s32 $0x400;
	s17 =	sadd.s32 s16, s8  }
0x1d: {  	s19 =	sadd.s32 s16, s7;
	s7 =	simm.s32 $0xA;
	[dreg:$0x8] =	wrdreg s17  }
0x1e: {  	s8 =	simm.s32 $0xB;
	[dreg:$0x9] =	wrdreg s19;
	s17 =	simm.s32 $0x1  }
.LBB2_1:
0x1f: {  	[dreg:$0x13] =	wrdreg s12  }
0x20: {  	s10 =	rddreg [dreg:$0xd]  }
0x21: {  	s11 =	rddreg [dreg:$0xc];
	s10 =	sadd.s32 $0x0, s10  }
0x22: {  	[tilespmem:s3], [sflag:$0x1] =	stream.linear.gather [hbm4b:s10+s3], $0x50, $0x38;
	[tilespmem:$0x14400] =	vst v63  }
0x23: {  	s25 =	rddreg [dreg:$0xb];
	s13 =	simm.s32 $0x200;
	s14 =	sadd.s32 $0x0, s11  }
0x24: {  	[tilespmem:s13], [sflag:$0x1] =	stream.linear.gather [hbm4b:s14+s3], $0x50, $0x38;
	[tilespmem:$0x14400] =	vst v63  }
0x25: {  	s15 =	rddreg [dreg:$0xa];
	s16 =	sadd.s32 $0x0, s25;
	s14 =	simm.s32 $0x80  }
0x26: {  	[tilespmem:s14], [sflag:$0x2] =	stream.linear.gather [hbm4b:s16+s3], $0x50, $0x38;
	[tilespmem:$0x14400] =	vst v63  }
0x27: {  	s19 =	rddreg [dreg:$0x9];
	s20 =	sadd.s32 $0x0, s15;
	s15 =	simm.s32 $0x280  }
0x28: {  	[tilespmem:s15], [sflag:$0x2] =	stream.linear.gather [hbm4b:s20+s3], $0x50, $0x38;
	[tilespmem:$0x14400] =	vst v63  }
0x29: {  	s22 =	rddreg [dreg:$0x8];
	s23 =	sadd.s32 $0x0, s19;
	s16 =	simm.s32 $0x100  }
0x2a: {  	[tilespmem:s16], [sflag:$0x3] =	stream.linear.gather [hbm4b:s23+s3], $0x50, $0x38;
	[tilespmem:$0x14400] =	vst v63  }
0x2b: {  	s25 =	rddreg [dreg:$0x7];
	s11 =	sadd.s32 $0x0, s22;
	s19 =	simm.s32 $0x300  }
0x2c: {  	[tilespmem:s19], [sflag:$0x3] =	stream.linear.gather [hbm4b:s11+s3], $0x50, $0x38;
	[tilespmem:$0x14400] =	vst v63  }
0x2d: {  	s12 =	simm.s32 $0x180;
	s22 =	sadd.s32 $0x0, s25;
	s20 =	rddreg [dreg:$0x6]  }
0x2e: {  	[tilespmem:s12], [sflag:$0x4] =	stream.linear.gather [hbm4b:s22+s3], $0x50, $0x38;
	[tilespmem:$0x14400] =	vst v63  }
0x2f: {  	s25 =	simm.s32 $0x380;
	s23 =	sadd.s32 $0x0, s20  }
0x30: {  	[tilespmem:s25], [sflag:$0x4] =	stream.linear.gather [hbm4b:s23+s3], $0x50, $0x38;
	[tilespmem:$0x14400] =	vst v63  }
0x31: {  	_ =	swait.ge [sflag:s17], $0x50  }
0x32: {  	[sflag:s17] =	ssyncset.done $0x0  }
0x33: {  	[sflag:s17] =	ssyncadd.s32 $0xFFFFFFB0  }
0x34: {  	_ =	swait.ge [sflag:s17], $0x50  }
0x35: {  	[sflag:s17] =	ssyncset.done $0x0  }
0x36: {  	s20 =	simm.s32 $0x400;
	[sflag:s17] =	ssyncadd.s32 $0xFFFFFFB0  }
0x37: {  	[tilespmem:s20], [sflag:$0x5] =	stream.indirect.gather [hbm4b:s1+s18], $0x80, s3, s18, $0xb8;
	[tilespmem:$0x14400] =	vst v63  }
0x38: {  	s22 =	simm.s32 $0xA400  }
0x39: {  	[tilespmem:s22], [sflag:$0x5] =	stream.indirect.gather [hbm4b:s4+s18], $0x80, s13, s18, $0xb8;
	[tilespmem:$0x14400] =	vst v63  }
0x3a: {  	_ =	swait.ge [sflag:s21], $0x50  }
0x3b: {  	[sflag:s21] =	ssyncset.done $0x0  }
0x3c: {  	[sflag:s21] =	ssyncadd.s32 $0xFFFFFFB0  }
0x3d: {  	_ =	swait.ge [sflag:s21], $0x50  }
0x3e: {  	[sflag:s21] =	ssyncset.done $0x0  }
0x3f: {  	s13 =	simm.s32 $0x2C00;
	[sflag:s21] =	ssyncadd.s32 $0xFFFFFFB0  }
0x40: {  	[tilespmem:s13], [sflag:$0x6] =	stream.indirect.gather [hbm4b:s1+s18], $0x80, s14, s18, $0xb8;
	[tilespmem:$0x14400] =	vst v63  }
0x41: {  	s14 =	simm.s32 $0xCC00  }
0x42: {  	[tilespmem:s14], [sflag:$0x6] =	stream.indirect.gather [hbm4b:s4+s18], $0x80, s15, s18, $0xb8;
	[tilespmem:$0x14400] =	vst v63  }
0x43: {  	_ =	swait.ge [sflag:s24], $0x50  }
0x44: {  	[sflag:s24] =	ssyncset.done $0x0  }
0x45: {  	[sflag:s24] =	ssyncadd.s32 $0xFFFFFFB0  }
0x46: {  	_ =	swait.ge [sflag:s24], $0x50  }
0x47: {  	[sflag:s24] =	ssyncset.done $0x0  }
0x48: {  	s15 =	simm.s32 $0x5400;
	[sflag:s24] =	ssyncadd.s32 $0xFFFFFFB0  }
0x49: {  	[tilespmem:s15], [sflag:$0x7] =	stream.indirect.gather [hbm4b:s1+s18], $0x80, s16, s18, $0xb8;
	[tilespmem:$0x14400] =	vst v63  }
0x4a: {  	s16 =	simm.s32 $0xF400  }
0x4b: {  	[tilespmem:s16], [sflag:$0x7] =	stream.indirect.gather [hbm4b:s4+s18], $0x80, s19, s18, $0xb8;
	[tilespmem:$0x14400] =	vst v63  }
0x4c: {  	_ =	swait.ge [sflag:s28], $0x50  }
0x4d: {  	[sflag:s28] =	ssyncset.done $0x0  }
0x4e: {  	[sflag:s28] =	ssyncadd.s32 $0xFFFFFFB0  }
0x4f: {  	_ =	swait.ge [sflag:s28], $0x50  }
0x50: {  	[sflag:s28] =	ssyncset.done $0x0  }
0x51: {  	s19 =	simm.s32 $0x7C00;
	[sflag:s28] =	ssyncadd.s32 $0xFFFFFFB0  }
0x52: {  	[tilespmem:s19], [sflag:$0x8] =	stream.indirect.gather [hbm4b:s1+s18], $0x80, s12, s18, $0xb8;
	[tilespmem:$0x14400] =	vst v63  }
0x53: {  	_ = 	snop  }
0x54: {  	[tilespmem:s30], [sflag:$0x8] =	stream.indirect.gather [hbm4b:s4+s18], $0x80, s25, s18, $0xb8;
	[tilespmem:$0x14400] =	vst v63  }
0x55: {  	_ =	swait.ge [sflag:s31], $0x2800  }
0x56: {  	[sflag:s31] =	ssyncset.done $0x0  }
0x57: {  	[sflag:s31] =	ssyncadd.s32 $0xFFFFD800  }
0x58: {  	_ =	swait.ge [sflag:s31], $0x2800  }
0x59: {  	s12 =	rddreg [dreg:$0x4];
	[sflag:s31] =	ssyncset.done $0x0  }
0x5a: {  	s23 =	rddreg [dreg:$0x5];
	[sflag:s31] =	ssyncadd.s32 $0xFFFFD800;
	s10 =	sadd.s32 $0x0, s12  }
0x5b: {  	[hbm4b:s10+s3] =	stream.linear.scatter [tilespmem:s20], [sflag:$0x9], $0x2800, $0x38;
	[tilespmem:$0x14400] =	vst v63  }
0x5c: {  	s11 =	sadd.s32 $0x0, s23  }
0x5d: {  	[hbm4b:s11+s3] =	stream.linear.scatter [tilespmem:s22], [sflag:$0x9], $0x2800, $0x38;
	[tilespmem:$0x14400] =	vst v63  }
0x5e: {  	_ =	swait.ge [sflag:s0], $0x2800  }
0x5f: {  	[sflag:s0] =	ssyncset.done $0x0  }
0x60: {  	[sflag:s0] =	ssyncadd.s32 $0xFFFFD800  }
0x61: {  	_ =	swait.ge [sflag:s0], $0x2800  }
0x62: {  	[sflag:s0] =	ssyncset.done $0x0  }
0x63: {  	s25 =	sadd.s32 $0x500, s10;
	[sflag:s0] =	ssyncadd.s32 $0xFFFFD800  }
0x64: {  	[hbm4b:s25+s3] =	stream.linear.scatter [tilespmem:s13], [sflag:$0xA], $0x2800, $0x38;
	[tilespmem:$0x14400] =	vst v63  }
0x65: {  	s20 =	sadd.s32 $0x500, s11  }
0x66: {  	[hbm4b:s20+s3] =	stream.linear.scatter [tilespmem:s14], [sflag:$0xA], $0x2800, $0x38;
	[tilespmem:$0x14400] =	vst v63  }
0x67: {  	_ =	swait.ge [sflag:s2], $0x2800  }
0x68: {  	[sflag:s2] =	ssyncset.done $0x0  }
0x69: {  	[sflag:s2] =	ssyncadd.s32 $0xFFFFD800  }
0x6a: {  	_ =	swait.ge [sflag:s2], $0x2800  }
0x6b: {  	[sflag:s2] =	ssyncset.done $0x0  }
0x6c: {  	s22 =	sadd.s32 $0xA00, s10;
	[sflag:s2] =	ssyncadd.s32 $0xFFFFD800  }
0x6d: {  	[hbm4b:s22+s3] =	stream.linear.scatter [tilespmem:s15], [sflag:$0xB], $0x2800, $0x38;
	[tilespmem:$0x14400] =	vst v63  }
0x6e: {  	s23 =	sadd.s32 $0xA00, s11  }
0x6f: {  	[hbm4b:s23+s3] =	stream.linear.scatter [tilespmem:s16], [sflag:$0xB], $0x2800, $0x38;
	[tilespmem:$0x14400] =	vst v63  }
0x70: {  	_ =	swait.ge [sflag:s5], $0x2800  }
0x71: {  	[sflag:s5] =	ssyncset.done $0x0  }
0x72: {  	[sflag:s5] =	ssyncadd.s32 $0xFFFFD800  }
0x73: {  	_ =	swait.ge [sflag:s5], $0x2800  }
0x74: {  	[sflag:s5] =	ssyncset.done $0x0  }
0x75: {  	s10 =	sadd.s32 $0xF00, s10;
	[sflag:s5] =	ssyncadd.s32 $0xFFFFD800  }
0x76: {  	[hbm4b:s10+s3] =	stream.linear.scatter [tilespmem:s19], [sflag:$0xC], $0x2800, $0x38;
	[tilespmem:$0x14400] =	vst v63  }
0x77: {  	s25 =	sadd.s32 $0xF00, s11  }
0x78: {  	[hbm4b:s25+s3] =	stream.linear.scatter [tilespmem:s30], [sflag:$0xC], $0x2800, $0x38;
	[tilespmem:$0x14400] =	vst v63  }
0x79: {  	_ =	swait.ge [sflag:s6], $0x2800  }
0x7a: {  	[sflag:s6] =	ssyncset.done $0x0  }
0x7b: {  	[sflag:s6] =	ssyncadd.s32 $0xFFFFD800  }
0x7c: {  	_ =	swait.ge [sflag:s6], $0x2800  }
0x7d: {  	[sflag:s6] =	ssyncset.done $0x0  }
0x7e: {  	[sflag:s6] =	ssyncadd.s32 $0xFFFFD800  }
0x7f: {  	_ =	swait.ge [sflag:s7], $0x2800  }
0x80: {  	[sflag:s7] =	ssyncset.done $0x0  }
0x81: {  	[sflag:s7] =	ssyncadd.s32 $0xFFFFD800  }
0x82: {  	_ =	swait.ge [sflag:s7], $0x2800  }
0x83: {  	[sflag:s7] =	ssyncset.done $0x0  }
0x84: {  	[sflag:s7] =	ssyncadd.s32 $0xFFFFD800  }
0x85: {  	_ =	swait.ge [sflag:s8], $0x2800  }
0x86: {  	[sflag:s8] =	ssyncset.done $0x0  }
0x87: {  	[sflag:s8] =	ssyncadd.s32 $0xFFFFD800  }
0x88: {  	_ =	swait.ge [sflag:s8], $0x2800  }
0x89: {  	[sflag:s8] =	ssyncset.done $0x0  }
0x8a: {  	[sflag:s8] =	ssyncadd.s32 $0xFFFFD800  }
0x8b: {  	_ =	swait.ge [sflag:s9], $0x2800  }
0x8c: {  	[sflag:s9] =	ssyncset.done $0x0  }
0x8d: {  	[sflag:s9] =	ssyncadd.s32 $0xFFFFD800  }
0x8e: {  	s12 =	simm.s32 $0x0;
	s11 =	simm.s32 $0x2800;
	_ =	swait.ge [sflag:s9], $0x2800  }
0x8f: {  	s10 =	simm.s32 $0x1400;
	s14 =	rddreg [dreg:$0xd];
	[sflag:s9] =	ssyncset.done $0x0  }
.LBB2_2:
0x90: {  	s12 =	sadd.s32 $0x28, s12  }
0x91: {  	[sflag:s9] =	ssyncadd.s32 $0xFFFFD800;
	s15 =	rddreg [dreg:$0xc];
	s14 =	sadd.s32 s12, s14  }
0x92: {  	[tilespmem:s3], [sflag:$0x1] =	stream.linear.gather [hbm4b:s14+s3], $0x50, $0x38;
	[tilespmem:$0x14400] =	vst v63  }
0x93: {  	s16 =	rddreg [dreg:$0xb];
	s19 =	simm.s32 $0x200;
	s20 =	sadd.s32 s12, s15  }
0x94: {  	[tilespmem:s19], [sflag:$0x1] =	stream.linear.gather [hbm4b:s20+s3], $0x50, $0x38;
	[tilespmem:$0x14400] =	vst v63  }
0x95: {  	s22 =	rddreg [dreg:$0xa];
	s23 =	sadd.s32 s12, s16;
	s20 =	simm.s32 $0x80  }
0x96: {  	[tilespmem:s20], [sflag:$0x2] =	stream.linear.gather [hbm4b:s23+s3], $0x50, $0x38;
	[tilespmem:$0x14400] =	vst v63  }
0x97: {  	s25 =	rddreg [dreg:$0x9];
	s23 =	sadd.s32 s12, s22;
	s22 =	simm.s32 $0x280  }
0x98: {  	[tilespmem:s22], [sflag:$0x2] =	stream.linear.gather [hbm4b:s23+s3], $0x50, $0x38;
	[tilespmem:$0x14400] =	vst v63  }
0x99: {  	s15 =	rddreg [dreg:$0x8];
	s25 =	sadd.s32 s12, s25;
	s23 =	simm.s32 $0x100  }
0x9a: {  	[tilespmem:s23], [sflag:$0x3] =	stream.linear.gather [hbm4b:s25+s3], $0x50, $0x38;
	[tilespmem:$0x14400] =	vst v63  }
0x9b: {  	s16 =	rddreg [dreg:$0x7];
	s14 =	sadd.s32 s12, s15;
	s25 =	simm.s32 $0x300  }
0x9c: {  	[tilespmem:s25], [sflag:$0x3] =	stream.linear.gather [hbm4b:s14+s3], $0x50, $0x38;
	[tilespmem:$0x14400] =	vst v63  }
0x9d: {  	s15 =	rddreg [dreg:$0x6];
	s14 =	sadd.s32 s12, s16;
	s16 =	simm.s32 $0x180  }
0x9e: {  	[tilespmem:s16], [sflag:$0x4] =	stream.linear.gather [hbm4b:s14+s3], $0x50, $0x38;
	[tilespmem:$0x14400] =	vst v63  }
0x9f: {  	s14 =	sadd.s32 s12, s15;
	s15 =	simm.s32 $0x380  }
0xa0: {  	[tilespmem:s15], [sflag:$0x4] =	stream.linear.gather [hbm4b:s14+s3], $0x50, $0x38;
	[tilespmem:$0x14400] =	vst v63  }
0xa1: {  	_ =	swait.ge [sflag:s17], $0x50  }
0xa2: {  	[sflag:s17] =	ssyncset.done $0x0  }
0xa3: {  	[sflag:s17] =	ssyncadd.s32 $0xFFFFFFB0  }
0xa4: {  	_ =	swait.ge [sflag:s17], $0x50  }
0xa5: {  	[sflag:s17] =	ssyncset.done $0x0  }
0xa6: {  	[sflag:s17] =	ssyncadd.s32 $0xFFFFFFB0  }
0xa7: {  	[tilespmem:s26], [sflag:$0x5] =	stream.indirect.gather [hbm4b:s1+s18], $0x80, s3, s18, $0xb8;
	[tilespmem:$0x14400] =	vst v63  }
0xa8: {  	_ = 	snop  }
0xa9: {  	[tilespmem:s29], [sflag:$0x5] =	stream.indirect.gather [hbm4b:s4+s18], $0x80, s19, s18, $0xb8;
	[tilespmem:$0x14400] =	vst v63  }
0xaa: {  	_ =	swait.ge [sflag:s21], $0x50  }
0xab: {  	[sflag:s21] =	ssyncset.done $0x0  }
0xac: {  	[sflag:s21] =	ssyncadd.s32 $0xFFFFFFB0  }
0xad: {  	_ =	swait.ge [sflag:s21], $0x50  }
0xae: {  	[sflag:s21] =	ssyncset.done $0x0  }
0xaf: {  	s19 =	simm.s32 $0x2C00;
	[sflag:s21] =	ssyncadd.s32 $0xFFFFFFB0  }
0xb0: {  	[tilespmem:s19], [sflag:$0x6] =	stream.indirect.gather [hbm4b:s1+s18], $0x80, s20, s18, $0xb8;
	[tilespmem:$0x14400] =	vst v63  }
0xb1: {  	s20 =	simm.s32 $0xCC00  }
0xb2: {  	[tilespmem:s20], [sflag:$0x6] =	stream.indirect.gather [hbm4b:s4+s18], $0x80, s22, s18, $0xb8;
	[tilespmem:$0x14400] =	vst v63  }
0xb3: {  	_ =	swait.ge [sflag:s24], $0x50  }
0xb4: {  	[sflag:s24] =	ssyncset.done $0x0  }
0xb5: {  	[sflag:s24] =	ssyncadd.s32 $0xFFFFFFB0  }
0xb6: {  	_ =	swait.ge [sflag:s24], $0x50  }
0xb7: {  	[sflag:s24] =	ssyncset.done $0x0  }
0xb8: {  	s22 =	simm.s32 $0x5400;
	[sflag:s24] =	ssyncadd.s32 $0xFFFFFFB0  }
0xb9: {  	[tilespmem:s22], [sflag:$0x7] =	stream.indirect.gather [hbm4b:s1+s18], $0x80, s23, s18, $0xb8;
	[tilespmem:$0x14400] =	vst v63  }
0xba: {  	s23 =	simm.s32 $0xF400  }
0xbb: {  	[tilespmem:s23], [sflag:$0x7] =	stream.indirect.gather [hbm4b:s4+s18], $0x80, s25, s18, $0xb8;
	[tilespmem:$0x14400] =	vst v63  }
0xbc: {  	_ =	swait.ge [sflag:s28], $0x50  }
0xbd: {  	[sflag:s28] =	ssyncset.done $0x0  }
0xbe: {  	[sflag:s28] =	ssyncadd.s32 $0xFFFFFFB0  }
0xbf: {  	_ =	swait.ge [sflag:s28], $0x50  }
0xc0: {  	[sflag:s28] =	ssyncset.done $0x0  }
0xc1: {  	s25 =	simm.s32 $0x7C00;
	[sflag:s28] =	ssyncadd.s32 $0xFFFFFFB0  }
0xc2: {  	[tilespmem:s25], [sflag:$0x8] =	stream.indirect.gather [hbm4b:s1+s18], $0x80, s16, s18, $0xb8;
	[tilespmem:$0x14400] =	vst v63  }
0xc3: {  	_ = 	snop  }
0xc4: {  	[tilespmem:s30], [sflag:$0x8] =	stream.indirect.gather [hbm4b:s4+s18], $0x80, s15, s18, $0xb8;
	[tilespmem:$0x14400] =	vst v63  }
0xc5: {  	_ =	swait.ge [sflag:s31], $0x2800  }
0xc6: {  	[sflag:s31] =	ssyncset.done $0x0  }
0xc7: {  	[sflag:s31] =	ssyncadd.s32 $0xFFFFD800  }
0xc8: {  	_ =	swait.ge [sflag:s31], $0x2800  }
0xc9: {  	s15 =	rddreg [dreg:$0x4];
	[sflag:s31] =	ssyncset.done $0x0  }
0xca: {  	s16 =	rddreg [dreg:$0x5];
	[sflag:s31] =	ssyncadd.s32 $0xFFFFD800;
	s14 =	sadd.s32 s10, s15  }
0xcb: {  	[hbm4b:s14+s3] =	stream.linear.scatter [tilespmem:s26], [sflag:$0x9], $0x2800, $0x38;
	[tilespmem:$0x14400] =	vst v63  }
0xcc: {  	s15 =	sadd.s32 s10, s16  }
0xcd: {  	[hbm4b:s15+s3] =	stream.linear.scatter [tilespmem:s29], [sflag:$0x9], $0x2800, $0x38;
	[tilespmem:$0x14400] =	vst v63  }
0xce: {  	_ =	swait.ge [sflag:s0], $0x2800  }
0xcf: {  	[sflag:s0] =	ssyncset.done $0x0  }
0xd0: {  	[sflag:s0] =	ssyncadd.s32 $0xFFFFD800  }
0xd1: {  	_ =	swait.ge [sflag:s0], $0x2800  }
0xd2: {  	[sflag:s0] =	ssyncset.done $0x0  }
0xd3: {  	s16 =	sadd.s32 $0x500, s14;
	[sflag:s0] =	ssyncadd.s32 $0xFFFFD800  }
0xd4: {  	[hbm4b:s16+s3] =	stream.linear.scatter [tilespmem:s19], [sflag:$0xA], $0x2800, $0x38;
	[tilespmem:$0x14400] =	vst v63  }
0xd5: {  	s19 =	sadd.s32 $0x500, s15  }
0xd6: {  	[hbm4b:s19+s3] =	stream.linear.scatter [tilespmem:s20], [sflag:$0xA], $0x2800, $0x38;
	[tilespmem:$0x14400] =	vst v63  }
0xd7: {  	_ =	swait.ge [sflag:s2], $0x2800  }
0xd8: {  	[sflag:s2] =	ssyncset.done $0x0  }
0xd9: {  	[sflag:s2] =	ssyncadd.s32 $0xFFFFD800  }
0xda: {  	_ =	swait.ge [sflag:s2], $0x2800  }
0xdb: {  	[sflag:s2] =	ssyncset.done $0x0  }
0xdc: {  	s20 =	sadd.s32 $0xA00, s14;
	[sflag:s2] =	ssyncadd.s32 $0xFFFFD800  }
0xdd: {  	[hbm4b:s20+s3] =	stream.linear.scatter [tilespmem:s22], [sflag:$0xB], $0x2800, $0x38;
	[tilespmem:$0x14400] =	vst v63  }
0xde: {  	s22 =	sadd.s32 $0xA00, s15  }
0xdf: {  	[hbm4b:s22+s3] =	stream.linear.scatter [tilespmem:s23], [sflag:$0xB], $0x2800, $0x38;
	[tilespmem:$0x14400] =	vst v63  }
0xe0: {  	_ =	swait.ge [sflag:s5], $0x2800  }
0xe1: {  	[sflag:s5] =	ssyncset.done $0x0  }
0xe2: {  	[sflag:s5] =	ssyncadd.s32 $0xFFFFD800  }
0xe3: {  	_ =	swait.ge [sflag:s5], $0x2800  }
0xe4: {  	[sflag:s5] =	ssyncset.done $0x0  }
0xe5: {  	s23 =	sadd.s32 $0xF00, s14;
	[sflag:s5] =	ssyncadd.s32 $0xFFFFD800  }
0xe6: {  	[hbm4b:s23+s3] =	stream.linear.scatter [tilespmem:s25], [sflag:$0xC], $0x2800, $0x38;
	[tilespmem:$0x14400] =	vst v63  }
0xe7: {  	s25 =	sadd.s32 $0xF00, s15  }
0xe8: {  	[hbm4b:s25+s3] =	stream.linear.scatter [tilespmem:s30], [sflag:$0xC], $0x2800, $0x38;
	[tilespmem:$0x14400] =	vst v63  }
0xe9: {  	_ =	swait.ge [sflag:s6], $0x2800  }
0xea: {  	[sflag:s6] =	ssyncset.done $0x0  }
0xeb: {  	[sflag:s6] =	ssyncadd.s32 $0xFFFFD800  }
0xec: {  	_ =	swait.ge [sflag:s6], $0x2800  }
0xed: {  	[sflag:s6] =	ssyncset.done $0x0  }
0xee: {  	[sflag:s6] =	ssyncadd.s32 $0xFFFFD800  }
0xef: {  	_ =	swait.ge [sflag:s7], $0x2800  }
0xf0: {  	[sflag:s7] =	ssyncset.done $0x0  }
0xf1: {  	[sflag:s7] =	ssyncadd.s32 $0xFFFFD800  }
0xf2: {  	_ =	swait.ge [sflag:s7], $0x2800  }
0xf3: {  	[sflag:s7] =	ssyncset.done $0x0  }
0xf4: {  	[sflag:s7] =	ssyncadd.s32 $0xFFFFD800  }
0xf5: {  	_ =	swait.ge [sflag:s8], $0x2800  }
0xf6: {  	[sflag:s8] =	ssyncset.done $0x0  }
0xf7: {  	[sflag:s8] =	ssyncadd.s32 $0xFFFFD800  }
0xf8: {  	_ =	swait.ge [sflag:s8], $0x2800  }
0xf9: {  	[sflag:s8] =	ssyncset.done $0x0  }
0xfa: {  	p0 =	sne.s32 s11, $0x25800;
	[sflag:s8] =	ssyncadd.s32 $0xFFFFD800  }
.Ltmp0:
0xfb: {  	_ =	swait.ge [sflag:s9], $0x2800;
	(pc) =	sbr.rel @p0 .LBB2_2-.Ltmp0, $4  }
0xfc: {  	[sflag:s9] =	ssyncset.done $0x0  }
0xfd: {  	[sflag:s9] =	ssyncadd.s32 $0xFFFFD800  }
0xfe: {  	s13 =	smov.u32 s11;
	s11 =	sadd.s32 $0x1400, s11;
	_ =	swait.ge [sflag:s9], $0x2800  }
0xff: {  	s10 =	smov.u32 s13;
	s14 =	rddreg [dreg:$0xd];
	[sflag:s9] =	ssyncset.done $0x0  }
0x100: {  	s11 =	sadd.s32 $0x28, s12  }
0x101: {  	s15 =	rddreg [dreg:$0xc];
	[sflag:s9] =	ssyncadd.s32 $0xFFFFD800;
	s13 =	sadd.s32 s11, s14  }
0x102: {  	[tilespmem:s3], [sflag:$0x1] =	stream.linear.gather [hbm4b:s13+s3], $0x50, $0x38;
	[tilespmem:$0x14400] =	vst v63  }
0x103: {  	s16 =	rddreg [dreg:$0xb];
	s12 =	sadd.s32 s11, s15;
	s14 =	simm.s32 $0x200  }
0x104: {  	[tilespmem:s14], [sflag:$0x1] =	stream.linear.gather [hbm4b:s12+s3], $0x50, $0x38;
	[tilespmem:$0x14400] =	vst v63  }
0x105: {  	s19 =	rddreg [dreg:$0xa];
	s15 =	simm.s32 $0x80;
	s13 =	sadd.s32 s11, s16  }
0x106: {  	[tilespmem:s15], [sflag:$0x2] =	stream.linear.gather [hbm4b:s13+s3], $0x50, $0x38;
	[tilespmem:$0x14400] =	vst v63  }
0x107: {  	s20 =	rddreg [dreg:$0x9];
	s16 =	simm.s32 $0x280;
	s12 =	sadd.s32 s11, s19  }
0x108: {  	[tilespmem:s16], [sflag:$0x2] =	stream.linear.gather [hbm4b:s12+s3], $0x50, $0x38;
	[tilespmem:$0x14400] =	vst v63  }
0x109: {  	s22 =	rddreg [dreg:$0x8];
	s19 =	simm.s32 $0x100;
	s13 =	sadd.s32 s11, s20  }
0x10a: {  	[tilespmem:s19], [sflag:$0x3] =	stream.linear.gather [hbm4b:s13+s3], $0x50, $0x38;
	[tilespmem:$0x14400] =	vst v63  }
0x10b: {  	s23 =	rddreg [dreg:$0x7];
	s20 =	simm.s32 $0x300;
	s12 =	sadd.s32 s11, s22  }
0x10c: {  	[tilespmem:s20], [sflag:$0x3] =	stream.linear.gather [hbm4b:s12+s3], $0x50, $0x38;
	[tilespmem:$0x14400] =	vst v63  }
0x10d: {  	s25 =	rddreg [dreg:$0x6];
	s22 =	simm.s32 $0x180;
	s13 =	sadd.s32 s11, s23  }
0x10e: {  	[tilespmem:s22], [sflag:$0x4] =	stream.linear.gather [hbm4b:s13+s3], $0x50, $0x38;
	[tilespmem:$0x14400] =	vst v63  }
0x10f: {  	s11 =	sadd.s32 s11, s25;
	s12 =	simm.s32 $0x380  }
0x110: {  	[tilespmem:s12], [sflag:$0x4] =	stream.linear.gather [hbm4b:s11+s3], $0x50, $0x38;
	[tilespmem:$0x14400] =	vst v63  }
0x111: {  	_ =	swait.ge [sflag:s17], $0x50  }
0x112: {  	[sflag:s17] =	ssyncset.done $0x0  }
0x113: {  	[sflag:s17] =	ssyncadd.s32 $0xFFFFFFB0  }
0x114: {  	_ =	swait.ge [sflag:s17], $0x50  }
0x115: {  	[sflag:s17] =	ssyncset.done $0x0  }
0x116: {  	s13 =	simm.s32 $0x400;
	[sflag:s17] =	ssyncadd.s32 $0xFFFFFFB0  }
0x117: {  	[tilespmem:s13], [sflag:$0x5] =	stream.indirect.gather [hbm4b:s1+s18], $0x80, s3, s18, $0xb8;
	[tilespmem:$0x14400] =	vst v63  }
0x118: {  	s23 =	simm.s32 $0xA400  }
0x119: {  	[tilespmem:s23], [sflag:$0x5] =	stream.indirect.gather [hbm4b:s4+s18], $0x80, s14, s18, $0xb8;
	[tilespmem:$0x14400] =	vst v63  }
0x11a: {  	_ =	swait.ge [sflag:s21], $0x50  }
0x11b: {  	[sflag:s21] =	ssyncset.done $0x0  }
0x11c: {  	[sflag:s21] =	ssyncadd.s32 $0xFFFFFFB0  }
0x11d: {  	_ =	swait.ge [sflag:s21], $0x50  }
0x11e: {  	[sflag:s21] =	ssyncset.done $0x0  }
0x11f: {  	s25 =	simm.s32 $0x2C00;
	[sflag:s21] =	ssyncadd.s32 $0xFFFFFFB0  }
0x120: {  	[tilespmem:s25], [sflag:$0x6] =	stream.indirect.gather [hbm4b:s1+s18], $0x80, s15, s18, $0xb8;
	[tilespmem:$0x14400] =	vst v63  }
0x121: {  	s15 =	simm.s32 $0xCC00  }
0x122: {  	[tilespmem:s15], [sflag:$0x6] =	stream.indirect.gather [hbm4b:s4+s18], $0x80, s16, s18, $0xb8;
	[tilespmem:$0x14400] =	vst v63  }
0x123: {  	_ =	swait.ge [sflag:s24], $0x50  }
0x124: {  	[sflag:s24] =	ssyncset.done $0x0  }
0x125: {  	[sflag:s24] =	ssyncadd.s32 $0xFFFFFFB0  }
0x126: {  	_ =	swait.ge [sflag:s24], $0x50  }
0x127: {  	[sflag:s24] =	ssyncset.done $0x0  }
0x128: {  	s16 =	simm.s32 $0x5400;
	[sflag:s24] =	ssyncadd.s32 $0xFFFFFFB0  }
0x129: {  	[tilespmem:s16], [sflag:$0x7] =	stream.indirect.gather [hbm4b:s1+s18], $0x80, s19, s18, $0xb8;
	[tilespmem:$0x14400] =	vst v63  }
0x12a: {  	s19 =	simm.s32 $0xF400  }
0x12b: {  	[tilespmem:s19], [sflag:$0x7] =	stream.indirect.gather [hbm4b:s4+s18], $0x80, s20, s18, $0xb8;
	[tilespmem:$0x14400] =	vst v63  }
0x12c: {  	_ =	swait.ge [sflag:s28], $0x50  }
0x12d: {  	[sflag:s28] =	ssyncset.done $0x0  }
0x12e: {  	[sflag:s28] =	ssyncadd.s32 $0xFFFFFFB0  }
0x12f: {  	_ =	swait.ge [sflag:s28], $0x50  }
0x130: {  	[sflag:s28] =	ssyncset.done $0x0  }
0x131: {  	s20 =	simm.s32 $0x7C00;
	[sflag:s28] =	ssyncadd.s32 $0xFFFFFFB0  }
0x132: {  	[tilespmem:s20], [sflag:$0x8] =	stream.indirect.gather [hbm4b:s1+s18], $0x80, s22, s18, $0xb8;
	[tilespmem:$0x14400] =	vst v63  }
0x133: {  	_ = 	snop  }
0x134: {  	[tilespmem:s30], [sflag:$0x8] =	stream.indirect.gather [hbm4b:s4+s18], $0x80, s12, s18, $0xb8;
	[tilespmem:$0x14400] =	vst v63  }
0x135: {  	_ =	swait.ge [sflag:s31], $0x2800  }
0x136: {  	[sflag:s31] =	ssyncset.done $0x0  }
0x137: {  	[sflag:s31] =	ssyncadd.s32 $0xFFFFD800  }
0x138: {  	_ =	swait.ge [sflag:s31], $0x2800  }
0x139: {  	s12 =	rddreg [dreg:$0x4];
	[sflag:s31] =	ssyncset.done $0x0  }
0x13a: {  	s22 =	rddreg [dreg:$0x5];
	[sflag:s31] =	ssyncadd.s32 $0xFFFFD800;
	s11 =	sadd.s32 s10, s12  }
0x13b: {  	[hbm4b:s11+s3] =	stream.linear.scatter [tilespmem:s13], [sflag:$0x9], $0x2800, $0x38;
	[tilespmem:$0x14400] =	vst v63  }
0x13c: {  	s10 =	sadd.s32 s10, s22  }
0x13d: {  	[hbm4b:s10+s3] =	stream.linear.scatter [tilespmem:s23], [sflag:$0x9], $0x2800, $0x38;
	[tilespmem:$0x14400] =	vst v63  }
0x13e: {  	_ =	swait.ge [sflag:s0], $0x2800  }
0x13f: {  	[sflag:s0] =	ssyncset.done $0x0  }
0x140: {  	[sflag:s0] =	ssyncadd.s32 $0xFFFFD800  }
0x141: {  	_ =	swait.ge [sflag:s0], $0x2800  }
0x142: {  	[sflag:s0] =	ssyncset.done $0x0  }
0x143: {  	s22 =	sadd.s32 $0x500, s11;
	[sflag:s0] =	ssyncadd.s32 $0xFFFFD800  }
0x144: {  	[hbm4b:s22+s3] =	stream.linear.scatter [tilespmem:s25], [sflag:$0xA], $0x2800, $0x38;
	[tilespmem:$0x14400] =	vst v63  }
0x145: {  	s25 =	sadd.s32 $0x500, s10  }
0x146: {  	[hbm4b:s25+s3] =	stream.linear.scatter [tilespmem:s15], [sflag:$0xA], $0x2800, $0x38;
	[tilespmem:$0x14400] =	vst v63  }
0x147: {  	_ =	swait.ge [sflag:s2], $0x2800  }
0x148: {  	[sflag:s2] =	ssyncset.done $0x0  }
0x149: {  	[sflag:s2] =	ssyncadd.s32 $0xFFFFD800  }
0x14a: {  	_ =	swait.ge [sflag:s2], $0x2800  }
0x14b: {  	[sflag:s2] =	ssyncset.done $0x0  }
0x14c: {  	s22 =	sadd.s32 $0xA00, s11;
	[sflag:s2] =	ssyncadd.s32 $0xFFFFD800  }
0x14d: {  	[hbm4b:s22+s3] =	stream.linear.scatter [tilespmem:s16], [sflag:$0xB], $0x2800, $0x38;
	[tilespmem:$0x14400] =	vst v63  }
0x14e: {  	s25 =	sadd.s32 $0xA00, s10  }
0x14f: {  	[hbm4b:s25+s3] =	stream.linear.scatter [tilespmem:s19], [sflag:$0xB], $0x2800, $0x38;
	[tilespmem:$0x14400] =	vst v63  }
0x150: {  	_ =	swait.ge [sflag:s5], $0x2800  }
0x151: {  	[sflag:s5] =	ssyncset.done $0x0  }
0x152: {  	[sflag:s5] =	ssyncadd.s32 $0xFFFFD800  }
0x153: {  	_ =	swait.ge [sflag:s5], $0x2800  }
0x154: {  	[sflag:s5] =	ssyncset.done $0x0  }
0x155: {  	s11 =	sadd.s32 $0xF00, s11;
	[sflag:s5] =	ssyncadd.s32 $0xFFFFD800  }
0x156: {  	[hbm4b:s11+s3] =	stream.linear.scatter [tilespmem:s20], [sflag:$0xC], $0x2800, $0x38;
	[tilespmem:$0x14400] =	vst v63  }
0x157: {  	s10 =	sadd.s32 $0xF00, s10  }
0x158: {  	[hbm4b:s10+s3] =	stream.linear.scatter [tilespmem:s30], [sflag:$0xC], $0x2800, $0x38;
	[tilespmem:$0x14400] =	vst v63  }
0x159: {  	_ =	swait.ge [sflag:s6], $0x2800  }
0x15a: {  	[sflag:s6] =	ssyncset.done $0x0  }
0x15b: {  	[sflag:s6] =	ssyncadd.s32 $0xFFFFD800  }
0x15c: {  	_ =	swait.ge [sflag:s6], $0x2800  }
0x15d: {  	[sflag:s6] =	ssyncset.done $0x0  }
0x15e: {  	[sflag:s6] =	ssyncadd.s32 $0xFFFFD800  }
0x15f: {  	_ =	swait.ge [sflag:s7], $0x2800  }
0x160: {  	[sflag:s7] =	ssyncset.done $0x0  }
0x161: {  	[sflag:s7] =	ssyncadd.s32 $0xFFFFD800  }
0x162: {  	_ =	swait.ge [sflag:s7], $0x2800  }
0x163: {  	[sflag:s7] =	ssyncset.done $0x0  }
0x164: {  	[sflag:s7] =	ssyncadd.s32 $0xFFFFD800  }
0x165: {  	_ =	swait.ge [sflag:s8], $0x2800  }
0x166: {  	[sflag:s8] =	ssyncset.done $0x0  }
0x167: {  	[sflag:s8] =	ssyncadd.s32 $0xFFFFD800  }
0x168: {  	_ =	swait.ge [sflag:s8], $0x2800  }
0x169: {  	[sflag:s8] =	ssyncset.done $0x0  }
0x16a: {  	[sflag:s8] =	ssyncadd.s32 $0xFFFFD800  }
0x16b: {  	_ =	swait.ge [sflag:s9], $0x2800  }
0x16c: {  	[sflag:s9] =	ssyncset.done $0x0  }
0x16d: {  	[sflag:s9] =	ssyncadd.s32 $0xFFFFD800  }
0x16e: {  	_ =	swait.ge [sflag:s9], $0x2800  }
0x16f: {  	[sflag:s9] =	ssyncset.done $0x0  }
0x170: {  	s16 =	simm.s32 $0xD;
	s15 =	rddreg [dreg:$0xe];
	[sflag:s9] =	ssyncadd.s32 $0xFFFFD800  }
0x171: {  	[tilespmem:s3], [sflag:$0xD] =	stream.linear.gather [hbm4b:s15+s3], $0x50, $0x38;
	[tilespmem:$0x14400] =	vst v63  }
0x172: {  	_ =	swait.ge [sflag:s16], $0x50  }
0x173: {  	[sflag:s16] =	ssyncset.done $0x0  }
0x174: {  	s19 =	rddreg [dreg:$0xf];
	[sflag:s16] =	ssyncadd.s32 $0xFFFFFFB0  }
0x175: {  	[tilespmem:s14], [sflag:$0xD] =	stream.linear.gather [hbm4b:s19+s3], $0x50, $0x38;
	[tilespmem:$0x14400] =	vst v63  }
0x176: {  	_ =	swait.ge [sflag:s16], $0x50  }
0x177: {  	[sflag:s16] =	ssyncset.done $0x0  }
0x178: {  	[sflag:s16] =	ssyncadd.s32 $0xFFFFFFB0  }
0x179: {  	[tilespmem:s13], [sflag:$0x5] =	stream.indirect.gather [hbm4b:s1+s18], $0x80, s3, s18, $0xb8;
	[tilespmem:$0x14400] =	vst v63  }
0x17a: {  	_ = 	snop  }
0x17b: {  	[tilespmem:s23], [sflag:$0x6] =	stream.indirect.gather [hbm4b:s4+s18], $0x80, s14, s18, $0xb8;
	[tilespmem:$0x14400] =	vst v63  }
0x17c: {  	_ =	swait.ge [sflag:s31], $0x2800  }
0x17d: {  	[sflag:s31] =	ssyncset.done $0x0  }
0x17e: {  	[sflag:s31] =	ssyncadd.s32 $0xFFFFD800  }
0x17f: {  	_ =	swait.ge [sflag:s0], $0x2800  }
0x180: {  	[sflag:s0] =	ssyncset.done $0x0  }
0x181: {  	s20 =	rddreg [dreg:$0x10];
	[sflag:s0] =	ssyncadd.s32 $0xFFFFD800  }
0x182: {  	[hbm4b:s20+s3] =	stream.linear.scatter [tilespmem:s13], [sflag:$0xD], $0x2800, $0x38;
	[tilespmem:$0x14400] =	vst v63  }
0x183: {  	_ =	swait.ge [sflag:s16], $0x2800  }
0x184: {  	[sflag:s16] =	ssyncset.done $0x0  }
0x185: {  	s22 =	rddreg [dreg:$0x11];
	[sflag:s16] =	ssyncadd.s32 $0xFFFFD800  }
0x186: {  	[hbm4b:s22+s3] =	stream.linear.scatter [tilespmem:s23], [sflag:$0xD], $0x2800, $0x38;
	[tilespmem:$0x14400] =	vst v63  }
0x187: {  	_ =	swait.ge [sflag:s16], $0x2800  }
0x188: {  	s23 =	rddreg [dreg:$0x13]  }
0x189: {  	s25 =	rddreg [dreg:$0x12];
	s12 =	sadd.s32 $0x1, s23  }
0x18a: {  	p0 =	sne.s32 s12, s25  }
.Ltmp1:
0x18b: {  	_ = 	snop;
	(pc) =	sbr.rel @p0 .LBB2_1-.Ltmp1, $3  }
0x18c: {  	_ =	sdelay $0x1  }
0x18d: {  	[sflag:s16] =	ssyncset.done $0x0  }
0x18e: {  	[sflag:s16] =	ssyncadd.s32 $0xFFFFD800  }
0x18f: {  	_ =	sfence.sel $0x180000  }
0x190: {  	[bflag:$0x0] =	sbarrier.arrive $0xFFFF  }
0x191: {  	_ =	strace $0x90000047  }
0x192: {  	s0 =	stileid.u32;
	[bflag:$0x2] =	sbarrier.arrive $0xFFFF  }
0x193: {  	p0 =	sne.s32 s0, $0x0;
	s0 =	rddreg [dreg:$0x3]  }
0x194: {  	s0 =	sadd.s32 @!p0 $0x100000, s0  }
0x195: {  	[sflag:s0] =	ssyncadd.tile.s32 @!p0 $0x1;
	_ =	shalt  }
.Lfunc_end2:
_tile_overlayer_lowered:
.L_overlay_start_2:
0x196: {  	(tag) =	ssettag $0x2  }
0x197: {  	s0 =	rddreg [dreg:$0x0];
	s2 =	stileid.u32  }
0x198: {  	s1 =	rddreg [dreg:$0x1];
	p0 =	sne.s32 s2, $0x0  }
0x199: {  	s3 =	rddreg [dreg:$0x2];
	[bflag:$0x3] =	sbarrier.arrive $0xFFFF;
	s2 =	simm.s32 @!p0 $0x1C0D  }
0x19a: {  	[timem:s3], [sflag:s2] =	dma.local @!p0 [hbm:s0], s1  }
0x19b: {  	s0 =	simm.s32 @!p0 $0xD  }
0x19c: {  	_ =	swait.ge @!p0 [sflag:s0], s1  }
0x19d: {  	s1 =	ssub.s32 @!p0 $0x0, s1;
	[sflag:s0] =	ssyncset.done @!p0 $0x0  }
0x19e: {  	[sflag:s0] =	ssyncadd.s32 @!p0 s1  }
0x19f: {  	[bflag:$0x3] =	sbarrier.arrive $0xFFFF  }
0x1a0: {  	_ =	shalt  }

</sc_bundles>
